<compile_context>
chip_gen: v7x
topology: tpu7x:2x2x1
jax: 0.10.2.dev20260603
libtpu: 0.0.44.dev20260713+nightly
codegen_flags: <defaults>
</compile_context>

<pallas_src>
import functools

import jax
import jax.numpy as jnp
from jax import lax
from jax.experimental import pallas as pl
from jax.experimental.pallas import tpu as pltpu
from jax.experimental.pallas import tpu_sc as plsc

D = 4
IB = 128


def _detile_body(ts_ref, td_ref, os_ref, od_ref):
    for j in range(IB):
        os_ref[4 * j:4 * j + 4, :] = ts_ref[:, 128 * j:128 * j + 128]
        od_ref[4 * j:4 * j + 4, :] = td_ref[:, 128 * j:128 * j + 128]


def _detile(tts, ttd, nt):
    grid = (nt + IB - 1) // IB
    out = jax.ShapeDtypeStruct((4 * nt, 128), jnp.float32)
    return pl.pallas_call(
        _detile_body,
        grid=(grid,),
        in_specs=[pl.BlockSpec((4, 128 * IB), lambda i: (0, i)),
                  pl.BlockSpec((4, 128 * IB), lambda i: (0, i))],
        out_specs=[pl.BlockSpec((4 * IB, 128), lambda i: (i, 0)),
                   pl.BlockSpec((4 * IB, 128), lambda i: (i, 0))],
        out_shape=[out, out],
    )(tts, ttd)


def _body(nc, rows_w, src8, dst8, idx_s_hbm, idx_d_hbm, hist_hbm,
          wb_hbm, out_hbm, ids_raw, idd_raw, gid_s, gid_d,
          s_v, d_v, h_v, o_v, wb_v, sem):
    wid = lax.axis_index("s") * nc + lax.axis_index("c")
    base = wid * rows_w
    nch = rows_w // 16

    pltpu.sync_copy(idx_s_hbm.at[pl.ds(base, rows_w)], ids_raw)
    pltpu.sync_copy(idx_d_hbm.at[pl.ds(base, rows_w)], idd_raw)
    pltpu.sync_copy(hist_hbm.at[pl.ds(base, rows_w)], h_v)
    pltpu.sync_copy(wb_hbm, wb_v)

    def gidx(i, _):
        for raw, gid in ((ids_raw, gid_s), (idd_raw, gid_d)):
            r = raw[pl.ds(i * 16, 16)]
            p0 = (lax.shift_right_logical(r, 7) * 64
                  + lax.shift_right_logical(jnp.bitwise_and(r, 127), 3))
            for k in range(D):
                gid[pl.ds(k * rows_w + i * 16, 16)] = p0 + 16 * k
        return _

    lax.fori_loop(0, nch, gidx, None)

    n_st = (D * rows_w) // 128
    descs = []
    for j in range(n_st):
        sl = pl.ds(j * 128, 128)
        descs.append(pltpu.async_copy(src8.at[gid_s.at[sl]], s_v.at[sl], sem))
        descs.append(pltpu.async_copy(dst8.at[gid_d.at[sl]], d_v.at[sl], sem))
    for dsc in descs:
        dsc.wait()

    iota = lax.iota(jnp.int32, 16)
    zero_c = jnp.zeros((16,), jnp.int32)
    one_c = jnp.ones((16,), jnp.int32)

    def chunk(i, _):
        s_j = jnp.bitwise_and(ids_raw[pl.ds(i * 16, 16)], 7)
        d_j = jnp.bitwise_and(idd_raw[pl.ds(i * 16, 16)], 7)
        acc0 = wb_v[2 * D + 1, 0]
        acc1 = wb_v[2 * D + 1, 1]
        for k in range(D):
            ridx = iota + (k * rows_w + i * 16)
            sk = plsc.load_gather(s_v, [ridx, s_j])
            acc0 = acc0 + sk * wb_v[k, 0]
            acc1 = acc1 + sk * wb_v[k, 1]
        for k in range(D):
            ridx = iota + (k * rows_w + i * 16)
            dk = plsc.load_gather(d_v, [ridx, d_j])
            acc0 = acc0 + dk * wb_v[D + k, 0]
            acc1 = acc1 + dk * wb_v[D + k, 1]
        h = h_v[pl.ds(i * 16, 16)]
        acc0 = acc0 + h * wb_v[2 * D, 0]
        acc1 = acc1 + h * wb_v[2 * D, 1]
        l = iota + i * 16
        pos = (lax.shift_right_logical(l, 7) * 256
               + jnp.bitwise_and(l, 127))
        plsc.store_scatter(o_v, [pos], acc0)
        plsc.store_scatter(o_v, [pos + 128], acc1)
        return _

    lax.fori_loop(0, nch, chunk, None)
    pltpu.sync_copy(o_v, out_hbm.at[pl.ds(base * 2, rows_w * 2)])


def kernel(src_x, dst_x, src_index, dst_index, history_counts, W, b):
    B = src_index.shape[0]
    n = src_x.shape[0]
    nt = (n + 127) // 128
    mesh = plsc.VectorSubcoreMesh(core_axis_name="c", subcore_axis_name="s")
    nw = mesh.num_cores * mesh.num_subcores
    rows_w = B // nw

    s128, d128 = _detile(src_x.T, dst_x.T, nt)
    src8 = s128.reshape(nt * 64, 8)
    dst8 = d128.reshape(nt * 64, 8)

    idx_s = src_index.astype(jnp.int32)
    idx_d = dst_index.astype(jnp.int32)
    hist = history_counts.reshape(B)
    wb = jnp.broadcast_to(
        jnp.concatenate([W, b.reshape(1, 2)], axis=0).reshape(2 * D + 2, 2, 1),
        (2 * D + 2, 2, 16)).astype(jnp.float32)

    run = pl.kernel(
        functools.partial(_body, mesh.num_cores, rows_w),
        out_type=jax.ShapeDtypeStruct((2 * B,), jnp.float32),
        mesh=mesh,
        compiler_params=pltpu.CompilerParams(
            needs_layout_passes=False, use_tc_tiling_on_sc=False),
        scratch_types=[
            pltpu.VMEM((rows_w,), jnp.int32),
            pltpu.VMEM((rows_w,), jnp.int32),
            pltpu.VMEM((D * rows_w,), jnp.int32),
            pltpu.VMEM((D * rows_w,), jnp.int32),
            pltpu.VMEM((D * rows_w, 8), jnp.float32),
            pltpu.VMEM((D * rows_w, 8), jnp.float32),
            pltpu.VMEM((rows_w,), jnp.float32),
            pltpu.VMEM((rows_w * 2,), jnp.float32),
            pltpu.VMEM((2 * D + 2, 2, 16), jnp.float32),
            pltpu.SemaphoreType.DMA,
        ],
    )
    out1d = run(src8, dst8, idx_s, idx_d, hist, wb)
    return out1d.reshape(B // 128, 2, 128).transpose(0, 2, 1).reshape(B, 2)

# --- scband reference (transcript-rebuilt; emitter-appended) ---
"""Pipeline reference for scband-tiny-hetero-temporal-event-model-89404039233939 (READ-ONLY COPY).

The authoritative reference and input builder live on the scoring server;
editing this copy changes nothing except your own understanding.
"""

import jax, jax.numpy as jnp
import numpy as np

N_NODES = 1000000
BATCH = 16384
D_FEAT = 4


def setup_inputs(seed: int = 0) -> dict:
    key = jax.random.key(seed)
    ks = jax.random.split(key, 7)
    src_x = jax.random.normal(ks[0], (N_NODES, D_FEAT), dtype=jnp.float32)
    dst_x = jax.random.normal(ks[1], (N_NODES, D_FEAT), dtype=jnp.float32)
    src_index = jax.random.randint(ks[2], (BATCH,), 0, N_NODES, dtype=jnp.int64 if jax.config.jax_enable_x64 else jnp.int32)
    dst_index = jax.random.randint(ks[3], (BATCH,), 0, N_NODES, dtype=jnp.int64 if jax.config.jax_enable_x64 else jnp.int32)
    # history_counts in the torch module is the per-event number of edges in the
    # history graph, materialized as a float tensor of shape [B, 1]
    history_counts = (jax.random.uniform(ks[4], (BATCH, 1), dtype=jnp.float32) * 512.0)
    # nn.Linear(9, 2) parameters (torch stores weight as [out, in]; we keep [in, out])
    W = jax.random.normal(ks[5], (9, 2), dtype=jnp.float32) * (1.0 / np.sqrt(9.0))
    b = jax.random.normal(ks[6], (2,), dtype=jnp.float32) * 0.01
    return {"src_x": src_x, "dst_x": dst_x, "src_index": src_index,
            "dst_index": dst_index, "history_counts": history_counts,
            "W": W, "b": b}


def reference(src_x, dst_x, src_index, dst_index, history_counts, W, b):
    # src_x_gathered = batch.graph.nodes[src_node_type].x[src_index]
    s = jnp.take(src_x, src_index, axis=0)
    # dst_x_gathered = batch.graph.nodes[dst_node_type].x[dst_index]
    d = jnp.take(dst_x, dst_index, axis=0)
    # cat([src_x, dst_x, history_counts], dim=-1) -> [B, 9]
    feats = jnp.concatenate([s, d, history_counts], axis=-1)
    # self.linear(feats)
    return feats @ W + b

if __name__ == "__main__":
    import jax
    _d = setup_inputs()
    print(jax.jit(kernel)(*tuple(_d.values())))

</pallas_src>

<mosaic_0001>
#map = affine_map<(d0, d1) -> (0, 0)>
#map1 = affine_map<(d0, d1) -> (0)>
#map2 = affine_map<(d0, d1) -> (0, 0, 0)>
module attributes {stable_mosaic.version = 14 : i64} {
  func.func @_body(%arg0: i32, %arg1: i32, %arg2: memref<500032x8xf32, #tpu.memory_space<hbm>>, %arg3: memref<500032x8xf32, #tpu.memory_space<hbm>>, %arg4: memref<16384xi32, #tpu.memory_space<hbm>>, %arg5: memref<16384xi32, #tpu.memory_space<hbm>>, %arg6: memref<16384xf32, #tpu.memory_space<hbm>>, %arg7: memref<10x2x16xf32, #tpu.memory_space<hbm>>, %arg8: memref<32768xf32, #tpu.memory_space<hbm>>, %arg9: memref<512xi32, #tpu.memory_space<vmem>>, %arg10: memref<512xi32, #tpu.memory_space<vmem>>, %arg11: memref<2048xi32, #tpu.memory_space<vmem>>, %arg12: memref<2048xi32, #tpu.memory_space<vmem>>, %arg13: memref<2048x8xf32, #tpu.memory_space<vmem>>, %arg14: memref<2048x8xf32, #tpu.memory_space<vmem>>, %arg15: memref<512xf32, #tpu.memory_space<vmem>>, %arg16: memref<1024xf32, #tpu.memory_space<vmem>>, %arg17: memref<10x2x16xf32, #tpu.memory_space<vmem>>, %arg18: memref<!tpu.dma_semaphore, #tpu.memory_space<semaphore_mem>>) attributes {dimension_semantics = [#tpu.dimension_semantics<core_parallel>, #tpu.dimension_semantics<subcore_parallel>], iteration_bounds = array<i64: 2, 16>, scalar_prefetch = 0 : i64, scratch_operands = 10 : i64, tpu.core_type = #tpu.core_type<sc_vector_subcore>, window_params = [{transform_indices = #map}, {transform_indices = #map}, {transform_indices = #map1}, {transform_indices = #map1}, {transform_indices = #map1}, {transform_indices = #map2}, {transform_indices = #map1}]} {
    %mul3A = arith.constant 2 : i32
    %mul3A_0 = arith.muli %arg1, %mul3A : i32
    %add3A = arith.addi %mul3A_0, %arg0 : i32
    %mul3A_1 = arith.constant 512 : i32
    %mul3A_2 = arith.muli %add3A, %mul3A_1 : i32
    "tpu.region"() ({
      %run_scoped3A = tpu.sem_alloc : memref<!tpu.dma_semaphore, #tpu.memory_space<semaphore_mem>>
      %dma_start3A_527 = tpu.memref_slice %arg4[%mul3A_2] : memref<16384xi32, #tpu.memory_space<hbm>> -> memref<512xi32, #tpu.memory_space<hbm>>
      %dma_start3A_528 = tpu.memref_slice %arg4[%mul3A_2] : memref<16384xi32, #tpu.memory_space<hbm>> -> memref<512xi32, #tpu.memory_space<hbm>>
      tpu.enqueue_dma source(%dma_start3A_528 : memref<512xi32, #tpu.memory_space<hbm>>) target(%arg9 : memref<512xi32, #tpu.memory_space<vmem>>) target_semaphore(%run_scoped3A : memref<!tpu.dma_semaphore, #tpu.memory_space<semaphore_mem>>)
      %dma_wait3A_529 = tpu.memref_slice %arg4[%mul3A_2] : memref<16384xi32, #tpu.memory_space<hbm>> -> memref<512xi32, #tpu.memory_space<hbm>>
      %dma_wait3A_530 = tpu.memref_slice %arg4[%mul3A_2] : memref<16384xi32, #tpu.memory_space<hbm>> -> memref<512xi32, #tpu.memory_space<hbm>>
      tpu.wait_dma2 semaphore(%run_scoped3A : memref<!tpu.dma_semaphore, #tpu.memory_space<semaphore_mem>>) src(%dma_wait3A_530 : memref<512xi32, #tpu.memory_space<hbm>>) dst(%arg9 : memref<512xi32, #tpu.memory_space<vmem>>)
      tpu.yield
    }) : () -> ()
    "tpu.region"() ({
      %run_scoped3A = tpu.sem_alloc : memref<!tpu.dma_semaphore, #tpu.memory_space<semaphore_mem>>
      %dma_start3A_527 = tpu.memref_slice %arg5[%mul3A_2] : memref<16384xi32, #tpu.memory_space<hbm>> -> memref<512xi32, #tpu.memory_space<hbm>>
      %dma_start3A_528 = tpu.memref_slice %arg5[%mul3A_2] : memref<16384xi32, #tpu.memory_space<hbm>> -> memref<512xi32, #tpu.memory_space<hbm>>
      tpu.enqueue_dma source(%dma_start3A_528 : memref<512xi32, #tpu.memory_space<hbm>>) target(%arg10 : memref<512xi32, #tpu.memory_space<vmem>>) target_semaphore(%run_scoped3A : memref<!tpu.dma_semaphore, #tpu.memory_space<semaphore_mem>>)
      %dma_wait3A_529 = tpu.memref_slice %arg5[%mul3A_2] : memref<16384xi32, #tpu.memory_space<hbm>> -> memref<512xi32, #tpu.memory_space<hbm>>
      %dma_wait3A_530 = tpu.memref_slice %arg5[%mul3A_2] : memref<16384xi32, #tpu.memory_space<hbm>> -> memref<512xi32, #tpu.memory_space<hbm>>
      tpu.wait_dma2 semaphore(%run_scoped3A : memref<!tpu.dma_semaphore, #tpu.memory_space<semaphore_mem>>) src(%dma_wait3A_530 : memref<512xi32, #tpu.memory_space<hbm>>) dst(%arg10 : memref<512xi32, #tpu.memory_space<vmem>>)
      tpu.yield
    }) : () -> ()
    "tpu.region"() ({
      %run_scoped3A = tpu.sem_alloc : memref<!tpu.dma_semaphore, #tpu.memory_space<semaphore_mem>>
      %dma_start3A_527 = tpu.memref_slice %arg6[%mul3A_2] : memref<16384xf32, #tpu.memory_space<hbm>> -> memref<512xf32, #tpu.memory_space<hbm>>
      %dma_start3A_528 = tpu.memref_slice %arg6[%mul3A_2] : memref<16384xf32, #tpu.memory_space<hbm>> -> memref<512xf32, #tpu.memory_space<hbm>>
      tpu.enqueue_dma source(%dma_start3A_528 : memref<512xf32, #tpu.memory_space<hbm>>) target(%arg15 : memref<512xf32, #tpu.memory_space<vmem>>) target_semaphore(%run_scoped3A : memref<!tpu.dma_semaphore, #tpu.memory_space<semaphore_mem>>)
      %dma_wait3A_529 = tpu.memref_slice %arg6[%mul3A_2] : memref<16384xf32, #tpu.memory_space<hbm>> -> memref<512xf32, #tpu.memory_space<hbm>>
      %dma_wait3A_530 = tpu.memref_slice %arg6[%mul3A_2] : memref<16384xf32, #tpu.memory_space<hbm>> -> memref<512xf32, #tpu.memory_space<hbm>>
      tpu.wait_dma2 semaphore(%run_scoped3A : memref<!tpu.dma_semaphore, #tpu.memory_space<semaphore_mem>>) src(%dma_wait3A_530 : memref<512xf32, #tpu.memory_space<hbm>>) dst(%arg15 : memref<512xf32, #tpu.memory_space<vmem>>)
      tpu.yield
    }) : () -> ()
    "tpu.region"() ({
      %run_scoped3A = tpu.sem_alloc : memref<!tpu.dma_semaphore, #tpu.memory_space<semaphore_mem>>
      tpu.enqueue_dma source(%arg7 : memref<10x2x16xf32, #tpu.memory_space<hbm>>) target(%arg17 : memref<10x2x16xf32, #tpu.memory_space<vmem>>) target_semaphore(%run_scoped3A : memref<!tpu.dma_semaphore, #tpu.memory_space<semaphore_mem>>)
      tpu.wait_dma2 semaphore(%run_scoped3A : memref<!tpu.dma_semaphore, #tpu.memory_space<semaphore_mem>>) src(%arg7 : memref<10x2x16xf32, #tpu.memory_space<hbm>>) dst(%arg17 : memref<10x2x16xf32, #tpu.memory_space<vmem>>)
      tpu.yield
    }) : () -> ()
    %scan3A = arith.constant 0 : i32
    %scan3A_3 = arith.constant 32 : i32
    %scan3A_4 = arith.addi %scan3A, %scan3A_3 : i32
    %scan3A_5 = arith.constant 1 : i32
    scf.for %scan3A_527 = %scan3A to %scan3A_4 step %scan3A_5  : i32 {
      %mul3A_528 = arith.constant 16 : i32
      %mul3A_529 = arith.muli %scan3A_527, %mul3A_528 : i32
      %get3A = arith.index_cast %mul3A_529 : i32 to index
      %get3A_530 = tpu.vector_load %arg9[%get3A] {strides = array<i32>} : memref<512xi32, #tpu.memory_space<vmem>>, vector<16xi32>,
      %shift_right_logical3A = arith.constant 7 : i32
      %shift_right_logical3A_531 = vector.broadcast %shift_right_logical3A : i32 to vector<16xi32>
      %shift_right_logical3A_532 = arith.shrui %get3A_530, %shift_right_logical3A_531 : vector<16xi32>
      %mul3A_533 = arith.constant 64 : i32
      %mul3A_534 = vector.broadcast %mul3A_533 : i32 to vector<16xi32>
      %mul3A_535 = arith.muli %shift_right_logical3A_532, %mul3A_534 : vector<16xi32>
      %and3A = arith.constant 127 : i32
      %and3A_536 = vector.broadcast %and3A : i32 to vector<16xi32>
      %and3A_537 = arith.andi %get3A_530, %and3A_536 : vector<16xi32>
      %shift_right_logical3A_538 = arith.constant 3 : i32
      %shift_right_logical3A_539 = vector.broadcast %shift_right_logical3A_538 : i32 to vector<16xi32>
      %shift_right_logical3A_540 = arith.shrui %and3A_537, %shift_right_logical3A_539 : vector<16xi32>
      %add3A_541 = arith.addi %mul3A_535, %shift_right_logical3A_540 : vector<16xi32>
      %add3A_542 = arith.constant 0 : i32
      %add3A_543 = vector.broadcast %add3A_542 : i32 to vector<16xi32>
      %add3A_544 = arith.addi %add3A_541, %add3A_543 : vector<16xi32>
      %mul3A_545 = arith.constant 16 : i32
      %mul3A_546 = arith.muli %scan3A_527, %mul3A_545 : i32
      %add3A_547 = arith.constant 0 : i32
      %add3A_548 = arith.addi %add3A_547, %mul3A_546 : i32
      %swap3A = arith.index_cast %add3A_548 : i32 to index
      %swap3A_549 = tpu.vector_load %arg11[%swap3A] {strides = array<i32>} : memref<2048xi32, #tpu.memory_space<vmem>>, vector<16xi32>,
      tpu.vector_store %arg11[%swap3A], %add3A_544 {strides = array<i32>} : memref<2048xi32, #tpu.memory_space<vmem>>, vector<16xi32>,
      %add3A_550 = arith.constant 16 : i32
      %add3A_551 = vector.broadcast %add3A_550 : i32 to vector<16xi32>
      %add3A_552 = arith.addi %add3A_541, %add3A_551 : vector<16xi32>
      %mul3A_553 = arith.constant 16 : i32
      %mul3A_554 = arith.muli %scan3A_527, %mul3A_553 : i32
      %add3A_555 = arith.constant 512 : i32
      %add3A_556 = arith.addi %add3A_555, %mul3A_554 : i32
      %swap3A_557 = arith.index_cast %add3A_556 : i32 to index
      %swap3A_558 = tpu.vector_load %arg11[%swap3A_557] {strides = array<i32>} : memref<2048xi32, #tpu.memory_space<vmem>>, vector<16xi32>,
      tpu.vector_store %arg11[%swap3A_557], %add3A_552 {strides = array<i32>} : memref<2048xi32, #tpu.memory_space<vmem>>, vector<16xi32>,
      %add3A_559 = arith.constant 32 : i32
      %add3A_560 = vector.broadcast %add3A_559 : i32 to vector<16xi32>
      %add3A_561 = arith.addi %add3A_541, %add3A_560 : vector<16xi32>
      %mul3A_562 = arith.constant 16 : i32
      %mul3A_563 = arith.muli %scan3A_527, %mul3A_562 : i32
      %add3A_564 = arith.constant 1024 : i32
      %add3A_565 = arith.addi %add3A_564, %mul3A_563 : i32
      %swap3A_566 = arith.index_cast %add3A_565 : i32 to index
      %swap3A_567 = tpu.vector_load %arg11[%swap3A_566] {strides = array<i32>} : memref<2048xi32, #tpu.memory_space<vmem>>, vector<16xi32>,
      tpu.vector_store %arg11[%swap3A_566], %add3A_561 {strides = array<i32>} : memref<2048xi32, #tpu.memory_space<vmem>>, vector<16xi32>,
      %add3A_568 = arith.constant 48 : i32
      %add3A_569 = vector.broadcast %add3A_568 : i32 to vector<16xi32>
      %add3A_570 = arith.addi %add3A_541, %add3A_569 : vector<16xi32>
      %mul3A_571 = arith.constant 16 : i32
      %mul3A_572 = arith.muli %scan3A_527, %mul3A_571 : i32
      %add3A_573 = arith.constant 1536 : i32
      %add3A_574 = arith.addi %add3A_573, %mul3A_572 : i32
      %swap3A_575 = arith.index_cast %add3A_574 : i32 to index
      %swap3A_576 = tpu.vector_load %arg11[%swap3A_575] {strides = array<i32>} : memref<2048xi32, #tpu.memory_space<vmem>>, vector<16xi32>,
      tpu.vector_store %arg11[%swap3A_575], %add3A_570 {strides = array<i32>} : memref<2048xi32, #tpu.memory_space<vmem>>, vector<16xi32>,
      %mul3A_577 = arith.constant 16 : i32
      %mul3A_578 = arith.muli %scan3A_527, %mul3A_577 : i32
      %get3A_579 = arith.index_cast %mul3A_578 : i32 to index
      %get3A_580 = tpu.vector_load %arg10[%get3A_579] {strides = array<i32>} : memref<512xi32, #tpu.memory_space<vmem>>, vector<16xi32>,
      %shift_right_logical3A_581 = arith.constant 7 : i32
      %shift_right_logical3A_582 = vector.broadcast %shift_right_logical3A_581 : i32 to vector<16xi32>
      %shift_right_logical3A_583 = arith.shrui %get3A_580, %shift_right_logical3A_582 : vector<16xi32>
      %mul3A_584 = arith.constant 64 : i32
      %mul3A_585 = vector.broadcast %mul3A_584 : i32 to vector<16xi32>
      %mul3A_586 = arith.muli %shift_right_logical3A_583, %mul3A_585 : vector<16xi32>
      %and3A_587 = arith.constant 127 : i32
      %and3A_588 = vector.broadcast %and3A_587 : i32 to vector<16xi32>
      %and3A_589 = arith.andi %get3A_580, %and3A_588 : vector<16xi32>
      %shift_right_logical3A_590 = arith.constant 3 : i32
      %shift_right_logical3A_591 = vector.broadcast %shift_right_logical3A_590 : i32 to vector<16xi32>
      %shift_right_logical3A_592 = arith.shrui %and3A_589, %shift_right_logical3A_591 : vector<16xi32>
      %add3A_593 = arith.addi %mul3A_586, %shift_right_logical3A_592 : vector<16xi32>
      %add3A_594 = arith.constant 0 : i32
      %add3A_595 = vector.broadcast %add3A_594 : i32 to vector<16xi32>
      %add3A_596 = arith.addi %add3A_593, %add3A_595 : vector<16xi32>
      %mul3A_597 = arith.constant 16 : i32
      %mul3A_598 = arith.muli %scan3A_527, %mul3A_597 : i32
      %add3A_599 = arith.constant 0 : i32
      %add3A_600 = arith.addi %add3A_599, %mul3A_598 : i32
      %swap3A_601 = arith.index_cast %add3A_600 : i32 to index
      %swap3A_602 = tpu.vector_load %arg12[%swap3A_601] {strides = array<i32>} : memref<2048xi32, #tpu.memory_space<vmem>>, vector<16xi32>,
      tpu.vector_store %arg12[%swap3A_601], %add3A_596 {strides = array<i32>} : memref<2048xi32, #tpu.memory_space<vmem>>, vector<16xi32>,
      %add3A_603 = arith.constant 16 : i32
      %add3A_604 = vector.broadcast %add3A_603 : i32 to vector<16xi32>
      %add3A_605 = arith.addi %add3A_593, %add3A_604 : vector<16xi32>
      %mul3A_606 = arith.constant 16 : i32
      %mul3A_607 = arith.muli %scan3A_527, %mul3A_606 : i32
      %add3A_608 = arith.constant 512 : i32
      %add3A_609 = arith.addi %add3A_608, %mul3A_607 : i32
      %swap3A_610 = arith.index_cast %add3A_609 : i32 to index
      %swap3A_611 = tpu.vector_load %arg12[%swap3A_610] {strides = array<i32>} : memref<2048xi32, #tpu.memory_space<vmem>>, vector<16xi32>,
      tpu.vector_store %arg12[%swap3A_610], %add3A_605 {strides = array<i32>} : memref<2048xi32, #tpu.memory_space<vmem>>, vector<16xi32>,
      %add3A_612 = arith.constant 32 : i32
      %add3A_613 = vector.broadcast %add3A_612 : i32 to vector<16xi32>
      %add3A_614 = arith.addi %add3A_593, %add3A_613 : vector<16xi32>
      %mul3A_615 = arith.constant 16 : i32
      %mul3A_616 = arith.muli %scan3A_527, %mul3A_615 : i32
      %add3A_617 = arith.constant 1024 : i32
      %add3A_618 = arith.addi %add3A_617, %mul3A_616 : i32
      %swap3A_619 = arith.index_cast %add3A_618 : i32 to index
      %swap3A_620 = tpu.vector_load %arg12[%swap3A_619] {strides = array<i32>} : memref<2048xi32, #tpu.memory_space<vmem>>, vector<16xi32>,
      tpu.vector_store %arg12[%swap3A_619], %add3A_614 {strides = array<i32>} : memref<2048xi32, #tpu.memory_space<vmem>>, vector<16xi32>,
      %add3A_621 = arith.constant 48 : i32
      %add3A_622 = vector.broadcast %add3A_621 : i32 to vector<16xi32>
      %add3A_623 = arith.addi %add3A_593, %add3A_622 : vector<16xi32>
      %mul3A_624 = arith.constant 16 : i32
      %mul3A_625 = arith.muli %scan3A_527, %mul3A_624 : i32
      %add3A_626 = arith.constant 1536 : i32
      %add3A_627 = arith.addi %add3A_626, %mul3A_625 : i32
      %swap3A_628 = arith.index_cast %add3A_627 : i32 to index
      %swap3A_629 = tpu.vector_load %arg12[%swap3A_628] {strides = array<i32>} : memref<2048xi32, #tpu.memory_space<vmem>>, vector<16xi32>,
      tpu.vector_store %arg12[%swap3A_628], %add3A_623 {strides = array<i32>} : memref<2048xi32, #tpu.memory_space<vmem>>, vector<16xi32>,
    }
    %scan3A_6 = arith.constant 32 : i32
    %dma_start3A = arith.constant 0 : i32
    %dma_start3A_7 = arith.constant 0 : i32
    %dma_start3A_8 = tpu.memref_slice %arg13[%dma_start3A, %dma_start3A_7] : memref<2048x8xf32, #tpu.memory_space<vmem>> -> memref<128x8xf32, #tpu.memory_space<vmem>>
    %dma_start3A_9 = arith.constant 0 : i32
    %dma_start3A_10 = tpu.memref_slice %arg11[%dma_start3A_9] : memref<2048xi32, #tpu.memory_space<vmem>> -> memref<128xi32, #tpu.memory_space<vmem>>
    %dma_start3A_11 = arith.constant 0 : i32
    %dma_start3A_12 = arith.constant 0 : i32
    %dma_start3A_13 = tpu.memref_slice %arg2[%dma_start3A_11, %dma_start3A_12] : memref<500032x8xf32, #tpu.memory_space<hbm>> -> memref<500032x8xf32, #tpu.memory_space<hbm>>
    tpu.enqueue_indirect_dma source(%dma_start3A_13 : memref<500032x8xf32, #tpu.memory_space<hbm>>) target(%dma_start3A_8 : memref<128x8xf32, #tpu.memory_space<vmem>>) offsets(%dma_start3A_10 : memref<128xi32, #tpu.memory_space<vmem>>) semaphore(%arg18 : memref<!tpu.dma_semaphore, #tpu.memory_space<semaphore_mem>>)
    %dma_start3A_14 = arith.constant 0 : i32
    %dma_start3A_15 = arith.constant 0 : i32
    %dma_start3A_16 = tpu.memref_slice %arg14[%dma_start3A_14, %dma_start3A_15] : memref<2048x8xf32, #tpu.memory_space<vmem>> -> memref<128x8xf32, #tpu.memory_space<vmem>>
    %dma_start3A_17 = arith.constant 0 : i32
    %dma_start3A_18 = tpu.memref_slice %arg12[%dma_start3A_17] : memref<2048xi32, #tpu.memory_space<vmem>> -> memref<128xi32, #tpu.memory_space<vmem>>
    %dma_start3A_19 = arith.constant 0 : i32
    %dma_start3A_20 = arith.constant 0 : i32
    %dma_start3A_21 = tpu.memref_slice %arg3[%dma_start3A_19, %dma_start3A_20] : memref<500032x8xf32, #tpu.memory_space<hbm>> -> memref<500032x8xf32, #tpu.memory_space<hbm>>
    tpu.enqueue_indirect_dma source(%dma_start3A_21 : memref<500032x8xf32, #tpu.memory_space<hbm>>) target(%dma_start3A_16 : memref<128x8xf32, #tpu.memory_space<vmem>>) offsets(%dma_start3A_18 : memref<128xi32, #tpu.memory_space<vmem>>) semaphore(%arg18 : memref<!tpu.dma_semaphore, #tpu.memory_space<semaphore_mem>>)
    %dma_start3A_22 = arith.constant 128 : i32
    %dma_start3A_23 = arith.constant 0 : i32
    %dma_start3A_24 = tpu.memref_slice %arg13[%dma_start3A_22, %dma_start3A_23] : memref<2048x8xf32, #tpu.memory_space<vmem>> -> memref<128x8xf32, #tpu.memory_space<vmem>>
    %dma_start3A_25 = arith.constant 128 : i32
    %dma_start3A_26 = tpu.memref_slice %arg11[%dma_start3A_25] : memref<2048xi32, #tpu.memory_space<vmem>> -> memref<128xi32, #tpu.memory_space<vmem>>
    %dma_start3A_27 = arith.constant 0 : i32
    %dma_start3A_28 = arith.constant 0 : i32
    %dma_start3A_29 = tpu.memref_slice %arg2[%dma_start3A_27, %dma_start3A_28] : memref<500032x8xf32, #tpu.memory_space<hbm>> -> memref<500032x8xf32, #tpu.memory_space<hbm>>
    tpu.enqueue_indirect_dma source(%dma_start3A_29 : memref<500032x8xf32, #tpu.memory_space<hbm>>) target(%dma_start3A_24 : memref<128x8xf32, #tpu.memory_space<vmem>>) offsets(%dma_start3A_26 : memref<128xi32, #tpu.memory_space<vmem>>) semaphore(%arg18 : memref<!tpu.dma_semaphore, #tpu.memory_space<semaphore_mem>>)
    %dma_start3A_30 = arith.constant 128 : i32
    %dma_start3A_31 = arith.constant 0 : i32
    %dma_start3A_32 = tpu.memref_slice %arg14[%dma_start3A_30, %dma_start3A_31] : memref<2048x8xf32, #tpu.memory_space<vmem>> -> memref<128x8xf32, #tpu.memory_space<vmem>>
    %dma_start3A_33 = arith.constant 128 : i32
    %dma_start3A_34 = tpu.memref_slice %arg12[%dma_start3A_33] : memref<2048xi32, #tpu.memory_space<vmem>> -> memref<128xi32, #tpu.memory_space<vmem>>
    %dma_start3A_35 = arith.constant 0 : i32
    %dma_start3A_36 = arith.constant 0 : i32
    %dma_start3A_37 = tpu.memref_slice %arg3[%dma_start3A_35, %dma_start3A_36] : memref<500032x8xf32, #tpu.memory_space<hbm>> -> memref<500032x8xf32, #tpu.memory_space<hbm>>
    tpu.enqueue_indirect_dma source(%dma_start3A_37 : memref<500032x8xf32, #tpu.memory_space<hbm>>) target(%dma_start3A_32 : memref<128x8xf32, #tpu.memory_space<vmem>>) offsets(%dma_start3A_34 : memref<128xi32, #tpu.memory_space<vmem>>) semaphore(%arg18 : memref<!tpu.dma_semaphore, #tpu.memory_space<semaphore_mem>>)
    %dma_start3A_38 = arith.constant 256 : i32
    %dma_start3A_39 = arith.constant 0 : i32
    %dma_start3A_40 = tpu.memref_slice %arg13[%dma_start3A_38, %dma_start3A_39] : memref<2048x8xf32, #tpu.memory_space<vmem>> -> memref<128x8xf32, #tpu.memory_space<vmem>>
    %dma_start3A_41 = arith.constant 256 : i32
    %dma_start3A_42 = tpu.memref_slice %arg11[%dma_start3A_41] : memref<2048xi32, #tpu.memory_space<vmem>> -> memref<128xi32, #tpu.memory_space<vmem>>
    %dma_start3A_43 = arith.constant 0 : i32
    %dma_start3A_44 = arith.constant 0 : i32
    %dma_start3A_45 = tpu.memref_slice %arg2[%dma_start3A_43, %dma_start3A_44] : memref<500032x8xf32, #tpu.memory_space<hbm>> -> memref<500032x8xf32, #tpu.memory_space<hbm>>
    tpu.enqueue_indirect_dma source(%dma_start3A_45 : memref<500032x8xf32, #tpu.memory_space<hbm>>) target(%dma_start3A_40 : memref<128x8xf32, #tpu.memory_space<vmem>>) offsets(%dma_start3A_42 : memref<128xi32, #tpu.memory_space<vmem>>) semaphore(%arg18 : memref<!tpu.dma_semaphore, #tpu.memory_space<semaphore_mem>>)
    %dma_start3A_46 = arith.constant 256 : i32
    %dma_start3A_47 = arith.constant 0 : i32
    %dma_start3A_48 = tpu.memref_slice %arg14[%dma_start3A_46, %dma_start3A_47] : memref<2048x8xf32, #tpu.memory_space<vmem>> -> memref<128x8xf32, #tpu.memory_space<vmem>>
    %dma_start3A_49 = arith.constant 256 : i32
    %dma_start3A_50 = tpu.memref_slice %arg12[%dma_start3A_49] : memref<2048xi32, #tpu.memory_space<vmem>> -> memref<128xi32, #tpu.memory_space<vmem>>
    %dma_start3A_51 = arith.constant 0 : i32
    %dma_start3A_52 = arith.constant 0 : i32
    %dma_start3A_53 = tpu.memref_slice %arg3[%dma_start3A_51, %dma_start3A_52] : memref<500032x8xf32, #tpu.memory_space<hbm>> -> memref<500032x8xf32, #tpu.memory_space<hbm>>
    tpu.enqueue_indirect_dma source(%dma_start3A_53 : memref<500032x8xf32, #tpu.memory_space<hbm>>) target(%dma_start3A_48 : memref<128x8xf32, #tpu.memory_space<vmem>>) offsets(%dma_start3A_50 : memref<128xi32, #tpu.memory_space<vmem>>) semaphore(%arg18 : memref<!tpu.dma_semaphore, #tpu.memory_space<semaphore_mem>>)
    %dma_start3A_54 = arith.constant 384 : i32
    %dma_start3A_55 = arith.constant 0 : i32
    %dma_start3A_56 = tpu.memref_slice %arg13[%dma_start3A_54, %dma_start3A_55] : memref<2048x8xf32, #tpu.memory_space<vmem>> -> memref<128x8xf32, #tpu.memory_space<vmem>>
    %dma_start3A_57 = arith.constant 384 : i32
    %dma_start3A_58 = tpu.memref_slice %arg11[%dma_start3A_57] : memref<2048xi32, #tpu.memory_space<vmem>> -> memref<128xi32, #tpu.memory_space<vmem>>
    %dma_start3A_59 = arith.constant 0 : i32
    %dma_start3A_60 = arith.constant 0 : i32
    %dma_start3A_61 = tpu.memref_slice %arg2[%dma_start3A_59, %dma_start3A_60] : memref<500032x8xf32, #tpu.memory_space<hbm>> -> memref<500032x8xf32, #tpu.memory_space<hbm>>
    tpu.enqueue_indirect_dma source(%dma_start3A_61 : memref<500032x8xf32, #tpu.memory_space<hbm>>) target(%dma_start3A_56 : memref<128x8xf32, #tpu.memory_space<vmem>>) offsets(%dma_start3A_58 : memref<128xi32, #tpu.memory_space<vmem>>) semaphore(%arg18 : memref<!tpu.dma_semaphore, #tpu.memory_space<semaphore_mem>>)
    %dma_start3A_62 = arith.constant 384 : i32
    %dma_start3A_63 = arith.constant 0 : i32
    %dma_start3A_64 = tpu.memref_slice %arg14[%dma_start3A_62, %dma_start3A_63] : memref<2048x8xf32, #tpu.memory_space<vmem>> -> memref<128x8xf32, #tpu.memory_space<vmem>>
    %dma_start3A_65 = arith.constant 384 : i32
    %dma_start3A_66 = tpu.memref_slice %arg12[%dma_start3A_65] : memref<2048xi32, #tpu.memory_space<vmem>> -> memref<128xi32, #tpu.memory_space<vmem>>
    %dma_start3A_67 = arith.constant 0 : i32
    %dma_start3A_68 = arith.constant 0 : i32
    %dma_start3A_69 = tpu.memref_slice %arg3[%dma_start3A_67, %dma_start3A_68] : memref<500032x8xf32, #tpu.memory_space<hbm>> -> memref<500032x8xf32, #tpu.memory_space<hbm>>
    tpu.enqueue_indirect_dma source(%dma_start3A_69 : memref<500032x8xf32, #tpu.memory_space<hbm>>) target(%dma_start3A_64 : memref<128x8xf32, #tpu.memory_space<vmem>>) offsets(%dma_start3A_66 : memref<128xi32, #tpu.memory_space<vmem>>) semaphore(%arg18 : memref<!tpu.dma_semaphore, #tpu.memory_space<semaphore_mem>>)
    %dma_start3A_70 = arith.constant 512 : i32
    %dma_start3A_71 = arith.constant 0 : i32
    %dma_start3A_72 = tpu.memref_slice %arg13[%dma_start3A_70, %dma_start3A_71] : memref<2048x8xf32, #tpu.memory_space<vmem>> -> memref<128x8xf32, #tpu.memory_space<vmem>>
    %dma_start3A_73 = arith.constant 512 : i32
    %dma_start3A_74 = tpu.memref_slice %arg11[%dma_start3A_73] : memref<2048xi32, #tpu.memory_space<vmem>> -> memref<128xi32, #tpu.memory_space<vmem>>
    %dma_start3A_75 = arith.constant 0 : i32
    %dma_start3A_76 = arith.constant 0 : i32
    %dma_start3A_77 = tpu.memref_slice %arg2[%dma_start3A_75, %dma_start3A_76] : memref<500032x8xf32, #tpu.memory_space<hbm>> -> memref<500032x8xf32, #tpu.memory_space<hbm>>
    tpu.enqueue_indirect_dma source(%dma_start3A_77 : memref<500032x8xf32, #tpu.memory_space<hbm>>) target(%dma_start3A_72 : memref<128x8xf32, #tpu.memory_space<vmem>>) offsets(%dma_start3A_74 : memref<128xi32, #tpu.memory_space<vmem>>) semaphore(%arg18 : memref<!tpu.dma_semaphore, #tpu.memory_space<semaphore_mem>>)
    %dma_start3A_78 = arith.constant 512 : i32
    %dma_start3A_79 = arith.constant 0 : i32
    %dma_start3A_80 = tpu.memref_slice %arg14[%dma_start3A_78, %dma_start3A_79] : memref<2048x8xf32, #tpu.memory_space<vmem>> -> memref<128x8xf32, #tpu.memory_space<vmem>>
    %dma_start3A_81 = arith.constant 512 : i32
    %dma_start3A_82 = tpu.memref_slice %arg12[%dma_start3A_81] : memref<2048xi32, #tpu.memory_space<vmem>> -> memref<128xi32, #tpu.memory_space<vmem>>
    %dma_start3A_83 = arith.constant 0 : i32
    %dma_start3A_84 = arith.constant 0 : i32
    %dma_start3A_85 = tpu.memref_slice %arg3[%dma_start3A_83, %dma_start3A_84] : memref<500032x8xf32, #tpu.memory_space<hbm>> -> memref<500032x8xf32, #tpu.memory_space<hbm>>
    tpu.enqueue_indirect_dma source(%dma_start3A_85 : memref<500032x8xf32, #tpu.memory_space<hbm>>) target(%dma_start3A_80 : memref<128x8xf32, #tpu.memory_space<vmem>>) offsets(%dma_start3A_82 : memref<128xi32, #tpu.memory_space<vmem>>) semaphore(%arg18 : memref<!tpu.dma_semaphore, #tpu.memory_space<semaphore_mem>>)
    %dma_start3A_86 = arith.constant 640 : i32
    %dma_start3A_87 = arith.constant 0 : i32
    %dma_start3A_88 = tpu.memref_slice %arg13[%dma_start3A_86, %dma_start3A_87] : memref<2048x8xf32, #tpu.memory_space<vmem>> -> memref<128x8xf32, #tpu.memory_space<vmem>>
    %dma_start3A_89 = arith.constant 640 : i32
    %dma_start3A_90 = tpu.memref_slice %arg11[%dma_start3A_89] : memref<2048xi32, #tpu.memory_space<vmem>> -> memref<128xi32, #tpu.memory_space<vmem>>
    %dma_start3A_91 = arith.constant 0 : i32
    %dma_start3A_92 = arith.constant 0 : i32
    %dma_start3A_93 = tpu.memref_slice %arg2[%dma_start3A_91, %dma_start3A_92] : memref<500032x8xf32, #tpu.memory_space<hbm>> -> memref<500032x8xf32, #tpu.memory_space<hbm>>
    tpu.enqueue_indirect_dma source(%dma_start3A_93 : memref<500032x8xf32, #tpu.memory_space<hbm>>) target(%dma_start3A_88 : memref<128x8xf32, #tpu.memory_space<vmem>>) offsets(%dma_start3A_90 : memref<128xi32, #tpu.memory_space<vmem>>) semaphore(%arg18 : memref<!tpu.dma_semaphore, #tpu.memory_space<semaphore_mem>>)
    %dma_start3A_94 = arith.constant 640 : i32
    %dma_start3A_95 = arith.constant 0 : i32
    %dma_start3A_96 = tpu.memref_slice %arg14[%dma_start3A_94, %dma_start3A_95] : memref<2048x8xf32, #tpu.memory_space<vmem>> -> memref<128x8xf32, #tpu.memory_space<vmem>>
    %dma_start3A_97 = arith.constant 640 : i32
    %dma_start3A_98 = tpu.memref_slice %arg12[%dma_start3A_97] : memref<2048xi32, #tpu.memory_space<vmem>> -> memref<128xi32, #tpu.memory_space<vmem>>
    %dma_start3A_99 = arith.constant 0 : i32
    %dma_start3A_100 = arith.constant 0 : i32
    %dma_start3A_101 = tpu.memref_slice %arg3[%dma_start3A_99, %dma_start3A_100] : memref<500032x8xf32, #tpu.memory_space<hbm>> -> memref<500032x8xf32, #tpu.memory_space<hbm>>
    tpu.enqueue_indirect_dma source(%dma_start3A_101 : memref<500032x8xf32, #tpu.memory_space<hbm>>) target(%dma_start3A_96 : memref<128x8xf32, #tpu.memory_space<vmem>>) offsets(%dma_start3A_98 : memref<128xi32, #tpu.memory_space<vmem>>) semaphore(%arg18 : memref<!tpu.dma_semaphore, #tpu.memory_space<semaphore_mem>>)
    %dma_start3A_102 = arith.constant 768 : i32
    %dma_start3A_103 = arith.constant 0 : i32
    %dma_start3A_104 = tpu.memref_slice %arg13[%dma_start3A_102, %dma_start3A_103] : memref<2048x8xf32, #tpu.memory_space<vmem>> -> memref<128x8xf32, #tpu.memory_space<vmem>>
    %dma_start3A_105 = arith.constant 768 : i32
    %dma_start3A_106 = tpu.memref_slice %arg11[%dma_start3A_105] : memref<2048xi32, #tpu.memory_space<vmem>> -> memref<128xi32, #tpu.memory_space<vmem>>
    %dma_start3A_107 = arith.constant 0 : i32
    %dma_start3A_108 = arith.constant 0 : i32
    %dma_start3A_109 = tpu.memref_slice %arg2[%dma_start3A_107, %dma_start3A_108] : memref<500032x8xf32, #tpu.memory_space<hbm>> -> memref<500032x8xf32, #tpu.memory_space<hbm>>
    tpu.enqueue_indirect_dma source(%dma_start3A_109 : memref<500032x8xf32, #tpu.memory_space<hbm>>) target(%dma_start3A_104 : memref<128x8xf32, #tpu.memory_space<vmem>>) offsets(%dma_start3A_106 : memref<128xi32, #tpu.memory_space<vmem>>) semaphore(%arg18 : memref<!tpu.dma_semaphore, #tpu.memory_space<semaphore_mem>>)
    %dma_start3A_110 = arith.constant 768 : i32
    %dma_start3A_111 = arith.constant 0 : i32
    %dma_start3A_112 = tpu.memref_slice %arg14[%dma_start3A_110, %dma_start3A_111] : memref<2048x8xf32, #tpu.memory_space<vmem>> -> memref<128x8xf32, #tpu.memory_space<vmem>>
    %dma_start3A_113 = arith.constant 768 : i32
    %dma_start3A_114 = tpu.memref_slice %arg12[%dma_start3A_113] : memref<2048xi32, #tpu.memory_space<vmem>> -> memref<128xi32, #tpu.memory_space<vmem>>
    %dma_start3A_115 = arith.constant 0 : i32
    %dma_start3A_116 = arith.constant 0 : i32
    %dma_start3A_117 = tpu.memref_slice %arg3[%dma_start3A_115, %dma_start3A_116] : memref<500032x8xf32, #tpu.memory_space<hbm>> -> memref<500032x8xf32, #tpu.memory_space<hbm>>
    tpu.enqueue_indirect_dma source(%dma_start3A_117 : memref<500032x8xf32, #tpu.memory_space<hbm>>) target(%dma_start3A_112 : memref<128x8xf32, #tpu.memory_space<vmem>>) offsets(%dma_start3A_114 : memref<128xi32, #tpu.memory_space<vmem>>) semaphore(%arg18 : memref<!tpu.dma_semaphore, #tpu.memory_space<semaphore_mem>>)
    %dma_start3A_118 = arith.constant 896 : i32
    %dma_start3A_119 = arith.constant 0 : i32
    %dma_start3A_120 = tpu.memref_slice %arg13[%dma_start3A_118, %dma_start3A_119] : memref<2048x8xf32, #tpu.memory_space<vmem>> -> memref<128x8xf32, #tpu.memory_space<vmem>>
    %dma_start3A_121 = arith.constant 896 : i32
    %dma_start3A_122 = tpu.memref_slice %arg11[%dma_start3A_121] : memref<2048xi32, #tpu.memory_space<vmem>> -> memref<128xi32, #tpu.memory_space<vmem>>
    %dma_start3A_123 = arith.constant 0 : i32
    %dma_start3A_124 = arith.constant 0 : i32
    %dma_start3A_125 = tpu.memref_slice %arg2[%dma_start3A_123, %dma_start3A_124] : memref<500032x8xf32, #tpu.memory_space<hbm>> -> memref<500032x8xf32, #tpu.memory_space<hbm>>
    tpu.enqueue_indirect_dma source(%dma_start3A_125 : memref<500032x8xf32, #tpu.memory_space<hbm>>) target(%dma_start3A_120 : memref<128x8xf32, #tpu.memory_space<vmem>>) offsets(%dma_start3A_122 : memref<128xi32, #tpu.memory_space<vmem>>) semaphore(%arg18 : memref<!tpu.dma_semaphore, #tpu.memory_space<semaphore_mem>>)
    %dma_start3A_126 = arith.constant 896 : i32
    %dma_start3A_127 = arith.constant 0 : i32
    %dma_start3A_128 = tpu.memref_slice %arg14[%dma_start3A_126, %dma_start3A_127] : memref<2048x8xf32, #tpu.memory_space<vmem>> -> memref<128x8xf32, #tpu.memory_space<vmem>>
    %dma_start3A_129 = arith.constant 896 : i32
    %dma_start3A_130 = tpu.memref_slice %arg12[%dma_start3A_129] : memref<2048xi32, #tpu.memory_space<vmem>> -> memref<128xi32, #tpu.memory_space<vmem>>
    %dma_start3A_131 = arith.constant 0 : i32
    %dma_start3A_132 = arith.constant 0 : i32
    %dma_start3A_133 = tpu.memref_slice %arg3[%dma_start3A_131, %dma_start3A_132] : memref<500032x8xf32, #tpu.memory_space<hbm>> -> memref<500032x8xf32, #tpu.memory_space<hbm>>
    tpu.enqueue_indirect_dma source(%dma_start3A_133 : memref<500032x8xf32, #tpu.memory_space<hbm>>) target(%dma_start3A_128 : memref<128x8xf32, #tpu.memory_space<vmem>>) offsets(%dma_start3A_130 : memref<128xi32, #tpu.memory_space<vmem>>) semaphore(%arg18 : memref<!tpu.dma_semaphore, #tpu.memory_space<semaphore_mem>>)
    %dma_start3A_134 = arith.constant 1024 : i32
    %dma_start3A_135 = arith.constant 0 : i32
    %dma_start3A_136 = tpu.memref_slice %arg13[%dma_start3A_134, %dma_start3A_135] : memref<2048x8xf32, #tpu.memory_space<vmem>> -> memref<128x8xf32, #tpu.memory_space<vmem>>
    %dma_start3A_137 = arith.constant 1024 : i32
    %dma_start3A_138 = tpu.memref_slice %arg11[%dma_start3A_137] : memref<2048xi32, #tpu.memory_space<vmem>> -> memref<128xi32, #tpu.memory_space<vmem>>
    %dma_start3A_139 = arith.constant 0 : i32
    %dma_start3A_140 = arith.constant 0 : i32
    %dma_start3A_141 = tpu.memref_slice %arg2[%dma_start3A_139, %dma_start3A_140] : memref<500032x8xf32, #tpu.memory_space<hbm>> -> memref<500032x8xf32, #tpu.memory_space<hbm>>
    tpu.enqueue_indirect_dma source(%dma_start3A_141 : memref<500032x8xf32, #tpu.memory_space<hbm>>) target(%dma_start3A_136 : memref<128x8xf32, #tpu.memory_space<vmem>>) offsets(%dma_start3A_138 : memref<128xi32, #tpu.memory_space<vmem>>) semaphore(%arg18 : memref<!tpu.dma_semaphore, #tpu.memory_space<semaphore_mem>>)
    %dma_start3A_142 = arith.constant 1024 : i32
    %dma_start3A_143 = arith.constant 0 : i32
    %dma_start3A_144 = tpu.memref_slice %arg14[%dma_start3A_142, %dma_start3A_143] : memref<2048x8xf32, #tpu.memory_space<vmem>> -> memref<128x8xf32, #tpu.memory_space<vmem>>
    %dma_start3A_145 = arith.constant 1024 : i32
    %dma_start3A_146 = tpu.memref_slice %arg12[%dma_start3A_145] : memref<2048xi32, #tpu.memory_space<vmem>> -> memref<128xi32, #tpu.memory_space<vmem>>
    %dma_start3A_147 = arith.constant 0 : i32
    %dma_start3A_148 = arith.constant 0 : i32
    %dma_start3A_149 = tpu.memref_slice %arg3[%dma_start3A_147, %dma_start3A_148] : memref<500032x8xf32, #tpu.memory_space<hbm>> -> memref<500032x8xf32, #tpu.memory_space<hbm>>
    tpu.enqueue_indirect_dma source(%dma_start3A_149 : memref<500032x8xf32, #tpu.memory_space<hbm>>) target(%dma_start3A_144 : memref<128x8xf32, #tpu.memory_space<vmem>>) offsets(%dma_start3A_146 : memref<128xi32, #tpu.memory_space<vmem>>) semaphore(%arg18 : memref<!tpu.dma_semaphore, #tpu.memory_space<semaphore_mem>>)
    %dma_start3A_150 = arith.constant 1152 : i32
    %dma_start3A_151 = arith.constant 0 : i32
    %dma_start3A_152 = tpu.memref_slice %arg13[%dma_start3A_150, %dma_start3A_151] : memref<2048x8xf32, #tpu.memory_space<vmem>> -> memref<128x8xf32, #tpu.memory_space<vmem>>
    %dma_start3A_153 = arith.constant 1152 : i32
    %dma_start3A_154 = tpu.memref_slice %arg11[%dma_start3A_153] : memref<2048xi32, #tpu.memory_space<vmem>> -> memref<128xi32, #tpu.memory_space<vmem>>
    %dma_start3A_155 = arith.constant 0 : i32
    %dma_start3A_156 = arith.constant 0 : i32
    %dma_start3A_157 = tpu.memref_slice %arg2[%dma_start3A_155, %dma_start3A_156] : memref<500032x8xf32, #tpu.memory_space<hbm>> -> memref<500032x8xf32, #tpu.memory_space<hbm>>
    tpu.enqueue_indirect_dma source(%dma_start3A_157 : memref<500032x8xf32, #tpu.memory_space<hbm>>) target(%dma_start3A_152 : memref<128x8xf32, #tpu.memory_space<vmem>>) offsets(%dma_start3A_154 : memref<128xi32, #tpu.memory_space<vmem>>) semaphore(%arg18 : memref<!tpu.dma_semaphore, #tpu.memory_space<semaphore_mem>>)
    %dma_start3A_158 = arith.constant 1152 : i32
    %dma_start3A_159 = arith.constant 0 : i32
    %dma_start3A_160 = tpu.memref_slice %arg14[%dma_start3A_158, %dma_start3A_159] : memref<2048x8xf32, #tpu.memory_space<vmem>> -> memref<128x8xf32, #tpu.memory_space<vmem>>
    %dma_start3A_161 = arith.constant 1152 : i32
    %dma_start3A_162 = tpu.memref_slice %arg12[%dma_start3A_161] : memref<2048xi32, #tpu.memory_space<vmem>> -> memref<128xi32, #tpu.memory_space<vmem>>
    %dma_start3A_163 = arith.constant 0 : i32
    %dma_start3A_164 = arith.constant 0 : i32
    %dma_start3A_165 = tpu.memref_slice %arg3[%dma_start3A_163, %dma_start3A_164] : memref<500032x8xf32, #tpu.memory_space<hbm>> -> memref<500032x8xf32, #tpu.memory_space<hbm>>
    tpu.enqueue_indirect_dma source(%dma_start3A_165 : memref<500032x8xf32, #tpu.memory_space<hbm>>) target(%dma_start3A_160 : memref<128x8xf32, #tpu.memory_space<vmem>>) offsets(%dma_start3A_162 : memref<128xi32, #tpu.memory_space<vmem>>) semaphore(%arg18 : memref<!tpu.dma_semaphore, #tpu.memory_space<semaphore_mem>>)
    %dma_start3A_166 = arith.constant 1280 : i32
    %dma_start3A_167 = arith.constant 0 : i32
    %dma_start3A_168 = tpu.memref_slice %arg13[%dma_start3A_166, %dma_start3A_167] : memref<2048x8xf32, #tpu.memory_space<vmem>> -> memref<128x8xf32, #tpu.memory_space<vmem>>
    %dma_start3A_169 = arith.constant 1280 : i32
    %dma_start3A_170 = tpu.memref_slice %arg11[%dma_start3A_169] : memref<2048xi32, #tpu.memory_space<vmem>> -> memref<128xi32, #tpu.memory_space<vmem>>
    %dma_start3A_171 = arith.constant 0 : i32
    %dma_start3A_172 = arith.constant 0 : i32
    %dma_start3A_173 = tpu.memref_slice %arg2[%dma_start3A_171, %dma_start3A_172] : memref<500032x8xf32, #tpu.memory_space<hbm>> -> memref<500032x8xf32, #tpu.memory_space<hbm>>
    tpu.enqueue_indirect_dma source(%dma_start3A_173 : memref<500032x8xf32, #tpu.memory_space<hbm>>) target(%dma_start3A_168 : memref<128x8xf32, #tpu.memory_space<vmem>>) offsets(%dma_start3A_170 : memref<128xi32, #tpu.memory_space<vmem>>) semaphore(%arg18 : memref<!tpu.dma_semaphore, #tpu.memory_space<semaphore_mem>>)
    %dma_start3A_174 = arith.constant 1280 : i32
    %dma_start3A_175 = arith.constant 0 : i32
    %dma_start3A_176 = tpu.memref_slice %arg14[%dma_start3A_174, %dma_start3A_175] : memref<2048x8xf32, #tpu.memory_space<vmem>> -> memref<128x8xf32, #tpu.memory_space<vmem>>
    %dma_start3A_177 = arith.constant 1280 : i32
    %dma_start3A_178 = tpu.memref_slice %arg12[%dma_start3A_177] : memref<2048xi32, #tpu.memory_space<vmem>> -> memref<128xi32, #tpu.memory_space<vmem>>
    %dma_start3A_179 = arith.constant 0 : i32
    %dma_start3A_180 = arith.constant 0 : i32
    %dma_start3A_181 = tpu.memref_slice %arg3[%dma_start3A_179, %dma_start3A_180] : memref<500032x8xf32, #tpu.memory_space<hbm>> -> memref<500032x8xf32, #tpu.memory_space<hbm>>
    tpu.enqueue_indirect_dma source(%dma_start3A_181 : memref<500032x8xf32, #tpu.memory_space<hbm>>) target(%dma_start3A_176 : memref<128x8xf32, #tpu.memory_space<vmem>>) offsets(%dma_start3A_178 : memref<128xi32, #tpu.memory_space<vmem>>) semaphore(%arg18 : memref<!tpu.dma_semaphore, #tpu.memory_space<semaphore_mem>>)
    %dma_start3A_182 = arith.constant 1408 : i32
    %dma_start3A_183 = arith.constant 0 : i32
    %dma_start3A_184 = tpu.memref_slice %arg13[%dma_start3A_182, %dma_start3A_183] : memref<2048x8xf32, #tpu.memory_space<vmem>> -> memref<128x8xf32, #tpu.memory_space<vmem>>
    %dma_start3A_185 = arith.constant 1408 : i32
    %dma_start3A_186 = tpu.memref_slice %arg11[%dma_start3A_185] : memref<2048xi32, #tpu.memory_space<vmem>> -> memref<128xi32, #tpu.memory_space<vmem>>
    %dma_start3A_187 = arith.constant 0 : i32
    %dma_start3A_188 = arith.constant 0 : i32
    %dma_start3A_189 = tpu.memref_slice %arg2[%dma_start3A_187, %dma_start3A_188] : memref<500032x8xf32, #tpu.memory_space<hbm>> -> memref<500032x8xf32, #tpu.memory_space<hbm>>
    tpu.enqueue_indirect_dma source(%dma_start3A_189 : memref<500032x8xf32, #tpu.memory_space<hbm>>) target(%dma_start3A_184 : memref<128x8xf32, #tpu.memory_space<vmem>>) offsets(%dma_start3A_186 : memref<128xi32, #tpu.memory_space<vmem>>) semaphore(%arg18 : memref<!tpu.dma_semaphore, #tpu.memory_space<semaphore_mem>>)
    %dma_start3A_190 = arith.constant 1408 : i32
    %dma_start3A_191 = arith.constant 0 : i32
    %dma_start3A_192 = tpu.memref_slice %arg14[%dma_start3A_190, %dma_start3A_191] : memref<2048x8xf32, #tpu.memory_space<vmem>> -> memref<128x8xf32, #tpu.memory_space<vmem>>
    %dma_start3A_193 = arith.constant 1408 : i32
    %dma_start3A_194 = tpu.memref_slice %arg12[%dma_start3A_193] : memref<2048xi32, #tpu.memory_space<vmem>> -> memref<128xi32, #tpu.memory_space<vmem>>
    %dma_start3A_195 = arith.constant 0 : i32
    %dma_start3A_196 = arith.constant 0 : i32
    %dma_start3A_197 = tpu.memref_slice %arg3[%dma_start3A_195, %dma_start3A_196] : memref<500032x8xf32, #tpu.memory_space<hbm>> -> memref<500032x8xf32, #tpu.memory_space<hbm>>
    tpu.enqueue_indirect_dma source(%dma_start3A_197 : memref<500032x8xf32, #tpu.memory_space<hbm>>) target(%dma_start3A_192 : memref<128x8xf32, #tpu.memory_space<vmem>>) offsets(%dma_start3A_194 : memref<128xi32, #tpu.memory_space<vmem>>) semaphore(%arg18 : memref<!tpu.dma_semaphore, #tpu.memory_space<semaphore_mem>>)
    %dma_start3A_198 = arith.constant 1536 : i32
    %dma_start3A_199 = arith.constant 0 : i32
    %dma_start3A_200 = tpu.memref_slice %arg13[%dma_start3A_198, %dma_start3A_199] : memref<2048x8xf32, #tpu.memory_space<vmem>> -> memref<128x8xf32, #tpu.memory_space<vmem>>
    %dma_start3A_201 = arith.constant 1536 : i32
    %dma_start3A_202 = tpu.memref_slice %arg11[%dma_start3A_201] : memref<2048xi32, #tpu.memory_space<vmem>> -> memref<128xi32, #tpu.memory_space<vmem>>
    %dma_start3A_203 = arith.constant 0 : i32
    %dma_start3A_204 = arith.constant 0 : i32
    %dma_start3A_205 = tpu.memref_slice %arg2[%dma_start3A_203, %dma_start3A_204] : memref<500032x8xf32, #tpu.memory_space<hbm>> -> memref<500032x8xf32, #tpu.memory_space<hbm>>
    tpu.enqueue_indirect_dma source(%dma_start3A_205 : memref<500032x8xf32, #tpu.memory_space<hbm>>) target(%dma_start3A_200 : memref<128x8xf32, #tpu.memory_space<vmem>>) offsets(%dma_start3A_202 : memref<128xi32, #tpu.memory_space<vmem>>) semaphore(%arg18 : memref<!tpu.dma_semaphore, #tpu.memory_space<semaphore_mem>>)
    %dma_start3A_206 = arith.constant 1536 : i32
    %dma_start3A_207 = arith.constant 0 : i32
    %dma_start3A_208 = tpu.memref_slice %arg14[%dma_start3A_206, %dma_start3A_207] : memref<2048x8xf32, #tpu.memory_space<vmem>> -> memref<128x8xf32, #tpu.memory_space<vmem>>
    %dma_start3A_209 = arith.constant 1536 : i32
    %dma_start3A_210 = tpu.memref_slice %arg12[%dma_start3A_209] : memref<2048xi32, #tpu.memory_space<vmem>> -> memref<128xi32, #tpu.memory_space<vmem>>
    %dma_start3A_211 = arith.constant 0 : i32
    %dma_start3A_212 = arith.constant 0 : i32
    %dma_start3A_213 = tpu.memref_slice %arg3[%dma_start3A_211, %dma_start3A_212] : memref<500032x8xf32, #tpu.memory_space<hbm>> -> memref<500032x8xf32, #tpu.memory_space<hbm>>
    tpu.enqueue_indirect_dma source(%dma_start3A_213 : memref<500032x8xf32, #tpu.memory_space<hbm>>) target(%dma_start3A_208 : memref<128x8xf32, #tpu.memory_space<vmem>>) offsets(%dma_start3A_210 : memref<128xi32, #tpu.memory_space<vmem>>) semaphore(%arg18 : memref<!tpu.dma_semaphore, #tpu.memory_space<semaphore_mem>>)
    %dma_start3A_214 = arith.constant 1664 : i32
    %dma_start3A_215 = arith.constant 0 : i32
    %dma_start3A_216 = tpu.memref_slice %arg13[%dma_start3A_214, %dma_start3A_215] : memref<2048x8xf32, #tpu.memory_space<vmem>> -> memref<128x8xf32, #tpu.memory_space<vmem>>
    %dma_start3A_217 = arith.constant 1664 : i32
    %dma_start3A_218 = tpu.memref_slice %arg11[%dma_start3A_217] : memref<2048xi32, #tpu.memory_space<vmem>> -> memref<128xi32, #tpu.memory_space<vmem>>
    %dma_start3A_219 = arith.constant 0 : i32
    %dma_start3A_220 = arith.constant 0 : i32
    %dma_start3A_221 = tpu.memref_slice %arg2[%dma_start3A_219, %dma_start3A_220] : memref<500032x8xf32, #tpu.memory_space<hbm>> -> memref<500032x8xf32, #tpu.memory_space<hbm>>
    tpu.enqueue_indirect_dma source(%dma_start3A_221 : memref<500032x8xf32, #tpu.memory_space<hbm>>) target(%dma_start3A_216 : memref<128x8xf32, #tpu.memory_space<vmem>>) offsets(%dma_start3A_218 : memref<128xi32, #tpu.memory_space<vmem>>) semaphore(%arg18 : memref<!tpu.dma_semaphore, #tpu.memory_space<semaphore_mem>>)
    %dma_start3A_222 = arith.constant 1664 : i32
    %dma_start3A_223 = arith.constant 0 : i32
    %dma_start3A_224 = tpu.memref_slice %arg14[%dma_start3A_222, %dma_start3A_223] : memref<2048x8xf32, #tpu.memory_space<vmem>> -> memref<128x8xf32, #tpu.memory_space<vmem>>
    %dma_start3A_225 = arith.constant 1664 : i32
    %dma_start3A_226 = tpu.memref_slice %arg12[%dma_start3A_225] : memref<2048xi32, #tpu.memory_space<vmem>> -> memref<128xi32, #tpu.memory_space<vmem>>
    %dma_start3A_227 = arith.constant 0 : i32
    %dma_start3A_228 = arith.constant 0 : i32
    %dma_start3A_229 = tpu.memref_slice %arg3[%dma_start3A_227, %dma_start3A_228] : memref<500032x8xf32, #tpu.memory_space<hbm>> -> memref<500032x8xf32, #tpu.memory_space<hbm>>
    tpu.enqueue_indirect_dma source(%dma_start3A_229 : memref<500032x8xf32, #tpu.memory_space<hbm>>) target(%dma_start3A_224 : memref<128x8xf32, #tpu.memory_space<vmem>>) offsets(%dma_start3A_226 : memref<128xi32, #tpu.memory_space<vmem>>) semaphore(%arg18 : memref<!tpu.dma_semaphore, #tpu.memory_space<semaphore_mem>>)
    %dma_start3A_230 = arith.constant 1792 : i32
    %dma_start3A_231 = arith.constant 0 : i32
    %dma_start3A_232 = tpu.memref_slice %arg13[%dma_start3A_230, %dma_start3A_231] : memref<2048x8xf32, #tpu.memory_space<vmem>> -> memref<128x8xf32, #tpu.memory_space<vmem>>
    %dma_start3A_233 = arith.constant 1792 : i32
    %dma_start3A_234 = tpu.memref_slice %arg11[%dma_start3A_233] : memref<2048xi32, #tpu.memory_space<vmem>> -> memref<128xi32, #tpu.memory_space<vmem>>
    %dma_start3A_235 = arith.constant 0 : i32
    %dma_start3A_236 = arith.constant 0 : i32
    %dma_start3A_237 = tpu.memref_slice %arg2[%dma_start3A_235, %dma_start3A_236] : memref<500032x8xf32, #tpu.memory_space<hbm>> -> memref<500032x8xf32, #tpu.memory_space<hbm>>
    tpu.enqueue_indirect_dma source(%dma_start3A_237 : memref<500032x8xf32, #tpu.memory_space<hbm>>) target(%dma_start3A_232 : memref<128x8xf32, #tpu.memory_space<vmem>>) offsets(%dma_start3A_234 : memref<128xi32, #tpu.memory_space<vmem>>) semaphore(%arg18 : memref<!tpu.dma_semaphore, #tpu.memory_space<semaphore_mem>>)
    %dma_start3A_238 = arith.constant 1792 : i32
    %dma_start3A_239 = arith.constant 0 : i32
    %dma_start3A_240 = tpu.memref_slice %arg14[%dma_start3A_238, %dma_start3A_239] : memref<2048x8xf32, #tpu.memory_space<vmem>> -> memref<128x8xf32, #tpu.memory_space<vmem>>
    %dma_start3A_241 = arith.constant 1792 : i32
    %dma_start3A_242 = tpu.memref_slice %arg12[%dma_start3A_241] : memref<2048xi32, #tpu.memory_space<vmem>> -> memref<128xi32, #tpu.memory_space<vmem>>
    %dma_start3A_243 = arith.constant 0 : i32
    %dma_start3A_244 = arith.constant 0 : i32
    %dma_start3A_245 = tpu.memref_slice %arg3[%dma_start3A_243, %dma_start3A_244] : memref<500032x8xf32, #tpu.memory_space<hbm>> -> memref<500032x8xf32, #tpu.memory_space<hbm>>
    tpu.enqueue_indirect_dma source(%dma_start3A_245 : memref<500032x8xf32, #tpu.memory_space<hbm>>) target(%dma_start3A_240 : memref<128x8xf32, #tpu.memory_space<vmem>>) offsets(%dma_start3A_242 : memref<128xi32, #tpu.memory_space<vmem>>) semaphore(%arg18 : memref<!tpu.dma_semaphore, #tpu.memory_space<semaphore_mem>>)
    %dma_start3A_246 = arith.constant 1920 : i32
    %dma_start3A_247 = arith.constant 0 : i32
    %dma_start3A_248 = tpu.memref_slice %arg13[%dma_start3A_246, %dma_start3A_247] : memref<2048x8xf32, #tpu.memory_space<vmem>> -> memref<128x8xf32, #tpu.memory_space<vmem>>
    %dma_start3A_249 = arith.constant 1920 : i32
    %dma_start3A_250 = tpu.memref_slice %arg11[%dma_start3A_249] : memref<2048xi32, #tpu.memory_space<vmem>> -> memref<128xi32, #tpu.memory_space<vmem>>
    %dma_start3A_251 = arith.constant 0 : i32
    %dma_start3A_252 = arith.constant 0 : i32
    %dma_start3A_253 = tpu.memref_slice %arg2[%dma_start3A_251, %dma_start3A_252] : memref<500032x8xf32, #tpu.memory_space<hbm>> -> memref<500032x8xf32, #tpu.memory_space<hbm>>
    tpu.enqueue_indirect_dma source(%dma_start3A_253 : memref<500032x8xf32, #tpu.memory_space<hbm>>) target(%dma_start3A_248 : memref<128x8xf32, #tpu.memory_space<vmem>>) offsets(%dma_start3A_250 : memref<128xi32, #tpu.memory_space<vmem>>) semaphore(%arg18 : memref<!tpu.dma_semaphore, #tpu.memory_space<semaphore_mem>>)
    %dma_start3A_254 = arith.constant 1920 : i32
    %dma_start3A_255 = arith.constant 0 : i32
    %dma_start3A_256 = tpu.memref_slice %arg14[%dma_start3A_254, %dma_start3A_255] : memref<2048x8xf32, #tpu.memory_space<vmem>> -> memref<128x8xf32, #tpu.memory_space<vmem>>
    %dma_start3A_257 = arith.constant 1920 : i32
    %dma_start3A_258 = tpu.memref_slice %arg12[%dma_start3A_257] : memref<2048xi32, #tpu.memory_space<vmem>> -> memref<128xi32, #tpu.memory_space<vmem>>
    %dma_start3A_259 = arith.constant 0 : i32
    %dma_start3A_260 = arith.constant 0 : i32
    %dma_start3A_261 = tpu.memref_slice %arg3[%dma_start3A_259, %dma_start3A_260] : memref<500032x8xf32, #tpu.memory_space<hbm>> -> memref<500032x8xf32, #tpu.memory_space<hbm>>
    tpu.enqueue_indirect_dma source(%dma_start3A_261 : memref<500032x8xf32, #tpu.memory_space<hbm>>) target(%dma_start3A_256 : memref<128x8xf32, #tpu.memory_space<vmem>>) offsets(%dma_start3A_258 : memref<128xi32, #tpu.memory_space<vmem>>) semaphore(%arg18 : memref<!tpu.dma_semaphore, #tpu.memory_space<semaphore_mem>>)
    %dma_wait3A = arith.constant 0 : i32
    %dma_wait3A_262 = arith.constant 0 : i32
    %dma_wait3A_263 = tpu.memref_slice %arg13[%dma_wait3A, %dma_wait3A_262] : memref<2048x8xf32, #tpu.memory_space<vmem>> -> memref<128x8xf32, #tpu.memory_space<vmem>>
    %dma_wait3A_264 = arith.constant 0 : i32
    %dma_wait3A_265 = tpu.memref_slice %arg11[%dma_wait3A_264] : memref<2048xi32, #tpu.memory_space<vmem>> -> memref<128xi32, #tpu.memory_space<vmem>>
    %dma_wait3A_266 = arith.constant 0 : i32
    %dma_wait3A_267 = arith.constant 0 : i32
    %dma_wait3A_268 = tpu.memref_slice %arg2[%dma_wait3A_266, %dma_wait3A_267] : memref<500032x8xf32, #tpu.memory_space<hbm>> -> memref<500032x8xf32, #tpu.memory_space<hbm>>
    tpu.wait_indirect_dma semaphore(%arg18 : memref<!tpu.dma_semaphore, #tpu.memory_space<semaphore_mem>>) src(%dma_wait3A_268 : memref<500032x8xf32, #tpu.memory_space<hbm>>) dst(%dma_wait3A_263 : memref<128x8xf32, #tpu.memory_space<vmem>>)
    %dma_wait3A_269 = arith.constant 0 : i32
    %dma_wait3A_270 = arith.constant 0 : i32
    %dma_wait3A_271 = tpu.memref_slice %arg14[%dma_wait3A_269, %dma_wait3A_270] : memref<2048x8xf32, #tpu.memory_space<vmem>> -> memref<128x8xf32, #tpu.memory_space<vmem>>
    %dma_wait3A_272 = arith.constant 0 : i32
    %dma_wait3A_273 = tpu.memref_slice %arg12[%dma_wait3A_272] : memref<2048xi32, #tpu.memory_space<vmem>> -> memref<128xi32, #tpu.memory_space<vmem>>
    %dma_wait3A_274 = arith.constant 0 : i32
    %dma_wait3A_275 = arith.constant 0 : i32
    %dma_wait3A_276 = tpu.memref_slice %arg3[%dma_wait3A_274, %dma_wait3A_275] : memref<500032x8xf32, #tpu.memory_space<hbm>> -> memref<500032x8xf32, #tpu.memory_space<hbm>>
    tpu.wait_indirect_dma semaphore(%arg18 : memref<!tpu.dma_semaphore, #tpu.memory_space<semaphore_mem>>) src(%dma_wait3A_276 : memref<500032x8xf32, #tpu.memory_space<hbm>>) dst(%dma_wait3A_271 : memref<128x8xf32, #tpu.memory_space<vmem>>)
    %dma_wait3A_277 = arith.constant 128 : i32
    %dma_wait3A_278 = arith.constant 0 : i32
    %dma_wait3A_279 = tpu.memref_slice %arg13[%dma_wait3A_277, %dma_wait3A_278] : memref<2048x8xf32, #tpu.memory_space<vmem>> -> memref<128x8xf32, #tpu.memory_space<vmem>>
    %dma_wait3A_280 = arith.constant 128 : i32
    %dma_wait3A_281 = tpu.memref_slice %arg11[%dma_wait3A_280] : memref<2048xi32, #tpu.memory_space<vmem>> -> memref<128xi32, #tpu.memory_space<vmem>>
    %dma_wait3A_282 = arith.constant 0 : i32
    %dma_wait3A_283 = arith.constant 0 : i32
    %dma_wait3A_284 = tpu.memref_slice %arg2[%dma_wait3A_282, %dma_wait3A_283] : memref<500032x8xf32, #tpu.memory_space<hbm>> -> memref<500032x8xf32, #tpu.memory_space<hbm>>
    tpu.wait_indirect_dma semaphore(%arg18 : memref<!tpu.dma_semaphore, #tpu.memory_space<semaphore_mem>>) src(%dma_wait3A_284 : memref<500032x8xf32, #tpu.memory_space<hbm>>) dst(%dma_wait3A_279 : memref<128x8xf32, #tpu.memory_space<vmem>>)
    %dma_wait3A_285 = arith.constant 128 : i32
    %dma_wait3A_286 = arith.constant 0 : i32
    %dma_wait3A_287 = tpu.memref_slice %arg14[%dma_wait3A_285, %dma_wait3A_286] : memref<2048x8xf32, #tpu.memory_space<vmem>> -> memref<128x8xf32, #tpu.memory_space<vmem>>
    %dma_wait3A_288 = arith.constant 128 : i32
    %dma_wait3A_289 = tpu.memref_slice %arg12[%dma_wait3A_288] : memref<2048xi32, #tpu.memory_space<vmem>> -> memref<128xi32, #tpu.memory_space<vmem>>
    %dma_wait3A_290 = arith.constant 0 : i32
    %dma_wait3A_291 = arith.constant 0 : i32
    %dma_wait3A_292 = tpu.memref_slice %arg3[%dma_wait3A_290, %dma_wait3A_291] : memref<500032x8xf32, #tpu.memory_space<hbm>> -> memref<500032x8xf32, #tpu.memory_space<hbm>>
    tpu.wait_indirect_dma semaphore(%arg18 : memref<!tpu.dma_semaphore, #tpu.memory_space<semaphore_mem>>) src(%dma_wait3A_292 : memref<500032x8xf32, #tpu.memory_space<hbm>>) dst(%dma_wait3A_287 : memref<128x8xf32, #tpu.memory_space<vmem>>)
    %dma_wait3A_293 = arith.constant 256 : i32
    %dma_wait3A_294 = arith.constant 0 : i32
    %dma_wait3A_295 = tpu.memref_slice %arg13[%dma_wait3A_293, %dma_wait3A_294] : memref<2048x8xf32, #tpu.memory_space<vmem>> -> memref<128x8xf32, #tpu.memory_space<vmem>>
    %dma_wait3A_296 = arith.constant 256 : i32
    %dma_wait3A_297 = tpu.memref_slice %arg11[%dma_wait3A_296] : memref<2048xi32, #tpu.memory_space<vmem>> -> memref<128xi32, #tpu.memory_space<vmem>>
    %dma_wait3A_298 = arith.constant 0 : i32
    %dma_wait3A_299 = arith.constant 0 : i32
    %dma_wait3A_300 = tpu.memref_slice %arg2[%dma_wait3A_298, %dma_wait3A_299] : memref<500032x8xf32, #tpu.memory_space<hbm>> -> memref<500032x8xf32, #tpu.memory_space<hbm>>
    tpu.wait_indirect_dma semaphore(%arg18 : memref<!tpu.dma_semaphore, #tpu.memory_space<semaphore_mem>>) src(%dma_wait3A_300 : memref<500032x8xf32, #tpu.memory_space<hbm>>) dst(%dma_wait3A_295 : memref<128x8xf32, #tpu.memory_space<vmem>>)
    %dma_wait3A_301 = arith.constant 256 : i32
    %dma_wait3A_302 = arith.constant 0 : i32
    %dma_wait3A_303 = tpu.memref_slice %arg14[%dma_wait3A_301, %dma_wait3A_302] : memref<2048x8xf32, #tpu.memory_space<vmem>> -> memref<128x8xf32, #tpu.memory_space<vmem>>
    %dma_wait3A_304 = arith.constant 256 : i32
    %dma_wait3A_305 = tpu.memref_slice %arg12[%dma_wait3A_304] : memref<2048xi32, #tpu.memory_space<vmem>> -> memref<128xi32, #tpu.memory_space<vmem>>
    %dma_wait3A_306 = arith.constant 0 : i32
    %dma_wait3A_307 = arith.constant 0 : i32
    %dma_wait3A_308 = tpu.memref_slice %arg3[%dma_wait3A_306, %dma_wait3A_307] : memref<500032x8xf32, #tpu.memory_space<hbm>> -> memref<500032x8xf32, #tpu.memory_space<hbm>>
    tpu.wait_indirect_dma semaphore(%arg18 : memref<!tpu.dma_semaphore, #tpu.memory_space<semaphore_mem>>) src(%dma_wait3A_308 : memref<500032x8xf32, #tpu.memory_space<hbm>>) dst(%dma_wait3A_303 : memref<128x8xf32, #tpu.memory_space<vmem>>)
    %dma_wait3A_309 = arith.constant 384 : i32
    %dma_wait3A_310 = arith.constant 0 : i32
    %dma_wait3A_311 = tpu.memref_slice %arg13[%dma_wait3A_309, %dma_wait3A_310] : memref<2048x8xf32, #tpu.memory_space<vmem>> -> memref<128x8xf32, #tpu.memory_space<vmem>>
    %dma_wait3A_312 = arith.constant 384 : i32
    %dma_wait3A_313 = tpu.memref_slice %arg11[%dma_wait3A_312] : memref<2048xi32, #tpu.memory_space<vmem>> -> memref<128xi32, #tpu.memory_space<vmem>>
    %dma_wait3A_314 = arith.constant 0 : i32
    %dma_wait3A_315 = arith.constant 0 : i32
    %dma_wait3A_316 = tpu.memref_slice %arg2[%dma_wait3A_314, %dma_wait3A_315] : memref<500032x8xf32, #tpu.memory_space<hbm>> -> memref<500032x8xf32, #tpu.memory_space<hbm>>
    tpu.wait_indirect_dma semaphore(%arg18 : memref<!tpu.dma_semaphore, #tpu.memory_space<semaphore_mem>>) src(%dma_wait3A_316 : memref<500032x8xf32, #tpu.memory_space<hbm>>) dst(%dma_wait3A_311 : memref<128x8xf32, #tpu.memory_space<vmem>>)
    %dma_wait3A_317 = arith.constant 384 : i32
    %dma_wait3A_318 = arith.constant 0 : i32
    %dma_wait3A_319 = tpu.memref_slice %arg14[%dma_wait3A_317, %dma_wait3A_318] : memref<2048x8xf32, #tpu.memory_space<vmem>> -> memref<128x8xf32, #tpu.memory_space<vmem>>
    %dma_wait3A_320 = arith.constant 384 : i32
    %dma_wait3A_321 = tpu.memref_slice %arg12[%dma_wait3A_320] : memref<2048xi32, #tpu.memory_space<vmem>> -> memref<128xi32, #tpu.memory_space<vmem>>
    %dma_wait3A_322 = arith.constant 0 : i32
    %dma_wait3A_323 = arith.constant 0 : i32
    %dma_wait3A_324 = tpu.memref_slice %arg3[%dma_wait3A_322, %dma_wait3A_323] : memref<500032x8xf32, #tpu.memory_space<hbm>> -> memref<500032x8xf32, #tpu.memory_space<hbm>>
    tpu.wait_indirect_dma semaphore(%arg18 : memref<!tpu.dma_semaphore, #tpu.memory_space<semaphore_mem>>) src(%dma_wait3A_324 : memref<500032x8xf32, #tpu.memory_space<hbm>>) dst(%dma_wait3A_319 : memref<128x8xf32, #tpu.memory_space<vmem>>)
    %dma_wait3A_325 = arith.constant 512 : i32
    %dma_wait3A_326 = arith.constant 0 : i32
    %dma_wait3A_327 = tpu.memref_slice %arg13[%dma_wait3A_325, %dma_wait3A_326] : memref<2048x8xf32, #tpu.memory_space<vmem>> -> memref<128x8xf32, #tpu.memory_space<vmem>>
    %dma_wait3A_328 = arith.constant 512 : i32
    %dma_wait3A_329 = tpu.memref_slice %arg11[%dma_wait3A_328] : memref<2048xi32, #tpu.memory_space<vmem>> -> memref<128xi32, #tpu.memory_space<vmem>>
    %dma_wait3A_330 = arith.constant 0 : i32
    %dma_wait3A_331 = arith.constant 0 : i32
    %dma_wait3A_332 = tpu.memref_slice %arg2[%dma_wait3A_330, %dma_wait3A_331] : memref<500032x8xf32, #tpu.memory_space<hbm>> -> memref<500032x8xf32, #tpu.memory_space<hbm>>
    tpu.wait_indirect_dma semaphore(%arg18 : memref<!tpu.dma_semaphore, #tpu.memory_space<semaphore_mem>>) src(%dma_wait3A_332 : memref<500032x8xf32, #tpu.memory_space<hbm>>) dst(%dma_wait3A_327 : memref<128x8xf32, #tpu.memory_space<vmem>>)
    %dma_wait3A_333 = arith.constant 512 : i32
    %dma_wait3A_334 = arith.constant 0 : i32
    %dma_wait3A_335 = tpu.memref_slice %arg14[%dma_wait3A_333, %dma_wait3A_334] : memref<2048x8xf32, #tpu.memory_space<vmem>> -> memref<128x8xf32, #tpu.memory_space<vmem>>
    %dma_wait3A_336 = arith.constant 512 : i32
    %dma_wait3A_337 = tpu.memref_slice %arg12[%dma_wait3A_336] : memref<2048xi32, #tpu.memory_space<vmem>> -> memref<128xi32, #tpu.memory_space<vmem>>
    %dma_wait3A_338 = arith.constant 0 : i32
    %dma_wait3A_339 = arith.constant 0 : i32
    %dma_wait3A_340 = tpu.memref_slice %arg3[%dma_wait3A_338, %dma_wait3A_339] : memref<500032x8xf32, #tpu.memory_space<hbm>> -> memref<500032x8xf32, #tpu.memory_space<hbm>>
    tpu.wait_indirect_dma semaphore(%arg18 : memref<!tpu.dma_semaphore, #tpu.memory_space<semaphore_mem>>) src(%dma_wait3A_340 : memref<500032x8xf32, #tpu.memory_space<hbm>>) dst(%dma_wait3A_335 : memref<128x8xf32, #tpu.memory_space<vmem>>)
    %dma_wait3A_341 = arith.constant 640 : i32
    %dma_wait3A_342 = arith.constant 0 : i32
    %dma_wait3A_343 = tpu.memref_slice %arg13[%dma_wait3A_341, %dma_wait3A_342] : memref<2048x8xf32, #tpu.memory_space<vmem>> -> memref<128x8xf32, #tpu.memory_space<vmem>>
    %dma_wait3A_344 = arith.constant 640 : i32
    %dma_wait3A_345 = tpu.memref_slice %arg11[%dma_wait3A_344] : memref<2048xi32, #tpu.memory_space<vmem>> -> memref<128xi32, #tpu.memory_space<vmem>>
    %dma_wait3A_346 = arith.constant 0 : i32
    %dma_wait3A_347 = arith.constant 0 : i32
    %dma_wait3A_348 = tpu.memref_slice %arg2[%dma_wait3A_346, %dma_wait3A_347] : memref<500032x8xf32, #tpu.memory_space<hbm>> -> memref<500032x8xf32, #tpu.memory_space<hbm>>
    tpu.wait_indirect_dma semaphore(%arg18 : memref<!tpu.dma_semaphore, #tpu.memory_space<semaphore_mem>>) src(%dma_wait3A_348 : memref<500032x8xf32, #tpu.memory_space<hbm>>) dst(%dma_wait3A_343 : memref<128x8xf32, #tpu.memory_space<vmem>>)
    %dma_wait3A_349 = arith.constant 640 : i32
    %dma_wait3A_350 = arith.constant 0 : i32
    %dma_wait3A_351 = tpu.memref_slice %arg14[%dma_wait3A_349, %dma_wait3A_350] : memref<2048x8xf32, #tpu.memory_space<vmem>> -> memref<128x8xf32, #tpu.memory_space<vmem>>
    %dma_wait3A_352 = arith.constant 640 : i32
    %dma_wait3A_353 = tpu.memref_slice %arg12[%dma_wait3A_352] : memref<2048xi32, #tpu.memory_space<vmem>> -> memref<128xi32, #tpu.memory_space<vmem>>
    %dma_wait3A_354 = arith.constant 0 : i32
    %dma_wait3A_355 = arith.constant 0 : i32
    %dma_wait3A_356 = tpu.memref_slice %arg3[%dma_wait3A_354, %dma_wait3A_355] : memref<500032x8xf32, #tpu.memory_space<hbm>> -> memref<500032x8xf32, #tpu.memory_space<hbm>>
    tpu.wait_indirect_dma semaphore(%arg18 : memref<!tpu.dma_semaphore, #tpu.memory_space<semaphore_mem>>) src(%dma_wait3A_356 : memref<500032x8xf32, #tpu.memory_space<hbm>>) dst(%dma_wait3A_351 : memref<128x8xf32, #tpu.memory_space<vmem>>)
    %dma_wait3A_357 = arith.constant 768 : i32
    %dma_wait3A_358 = arith.constant 0 : i32
    %dma_wait3A_359 = tpu.memref_slice %arg13[%dma_wait3A_357, %dma_wait3A_358] : memref<2048x8xf32, #tpu.memory_space<vmem>> -> memref<128x8xf32, #tpu.memory_space<vmem>>
    %dma_wait3A_360 = arith.constant 768 : i32
    %dma_wait3A_361 = tpu.memref_slice %arg11[%dma_wait3A_360] : memref<2048xi32, #tpu.memory_space<vmem>> -> memref<128xi32, #tpu.memory_space<vmem>>
    %dma_wait3A_362 = arith.constant 0 : i32
    %dma_wait3A_363 = arith.constant 0 : i32
    %dma_wait3A_364 = tpu.memref_slice %arg2[%dma_wait3A_362, %dma_wait3A_363] : memref<500032x8xf32, #tpu.memory_space<hbm>> -> memref<500032x8xf32, #tpu.memory_space<hbm>>
    tpu.wait_indirect_dma semaphore(%arg18 : memref<!tpu.dma_semaphore, #tpu.memory_space<semaphore_mem>>) src(%dma_wait3A_364 : memref<500032x8xf32, #tpu.memory_space<hbm>>) dst(%dma_wait3A_359 : memref<128x8xf32, #tpu.memory_space<vmem>>)
    %dma_wait3A_365 = arith.constant 768 : i32
    %dma_wait3A_366 = arith.constant 0 : i32
    %dma_wait3A_367 = tpu.memref_slice %arg14[%dma_wait3A_365, %dma_wait3A_366] : memref<2048x8xf32, #tpu.memory_space<vmem>> -> memref<128x8xf32, #tpu.memory_space<vmem>>
    %dma_wait3A_368 = arith.constant 768 : i32
    %dma_wait3A_369 = tpu.memref_slice %arg12[%dma_wait3A_368] : memref<2048xi32, #tpu.memory_space<vmem>> -> memref<128xi32, #tpu.memory_space<vmem>>
    %dma_wait3A_370 = arith.constant 0 : i32
    %dma_wait3A_371 = arith.constant 0 : i32
    %dma_wait3A_372 = tpu.memref_slice %arg3[%dma_wait3A_370, %dma_wait3A_371] : memref<500032x8xf32, #tpu.memory_space<hbm>> -> memref<500032x8xf32, #tpu.memory_space<hbm>>
    tpu.wait_indirect_dma semaphore(%arg18 : memref<!tpu.dma_semaphore, #tpu.memory_space<semaphore_mem>>) src(%dma_wait3A_372 : memref<500032x8xf32, #tpu.memory_space<hbm>>) dst(%dma_wait3A_367 : memref<128x8xf32, #tpu.memory_space<vmem>>)
    %dma_wait3A_373 = arith.constant 896 : i32
    %dma_wait3A_374 = arith.constant 0 : i32
    %dma_wait3A_375 = tpu.memref_slice %arg13[%dma_wait3A_373, %dma_wait3A_374] : memref<2048x8xf32, #tpu.memory_space<vmem>> -> memref<128x8xf32, #tpu.memory_space<vmem>>
    %dma_wait3A_376 = arith.constant 896 : i32
    %dma_wait3A_377 = tpu.memref_slice %arg11[%dma_wait3A_376] : memref<2048xi32, #tpu.memory_space<vmem>> -> memref<128xi32, #tpu.memory_space<vmem>>
    %dma_wait3A_378 = arith.constant 0 : i32
    %dma_wait3A_379 = arith.constant 0 : i32
    %dma_wait3A_380 = tpu.memref_slice %arg2[%dma_wait3A_378, %dma_wait3A_379] : memref<500032x8xf32, #tpu.memory_space<hbm>> -> memref<500032x8xf32, #tpu.memory_space<hbm>>
    tpu.wait_indirect_dma semaphore(%arg18 : memref<!tpu.dma_semaphore, #tpu.memory_space<semaphore_mem>>) src(%dma_wait3A_380 : memref<500032x8xf32, #tpu.memory_space<hbm>>) dst(%dma_wait3A_375 : memref<128x8xf32, #tpu.memory_space<vmem>>)
    %dma_wait3A_381 = arith.constant 896 : i32
    %dma_wait3A_382 = arith.constant 0 : i32
    %dma_wait3A_383 = tpu.memref_slice %arg14[%dma_wait3A_381, %dma_wait3A_382] : memref<2048x8xf32, #tpu.memory_space<vmem>> -> memref<128x8xf32, #tpu.memory_space<vmem>>
    %dma_wait3A_384 = arith.constant 896 : i32
    %dma_wait3A_385 = tpu.memref_slice %arg12[%dma_wait3A_384] : memref<2048xi32, #tpu.memory_space<vmem>> -> memref<128xi32, #tpu.memory_space<vmem>>
    %dma_wait3A_386 = arith.constant 0 : i32
    %dma_wait3A_387 = arith.constant 0 : i32
    %dma_wait3A_388 = tpu.memref_slice %arg3[%dma_wait3A_386, %dma_wait3A_387] : memref<500032x8xf32, #tpu.memory_space<hbm>> -> memref<500032x8xf32, #tpu.memory_space<hbm>>
    tpu.wait_indirect_dma semaphore(%arg18 : memref<!tpu.dma_semaphore, #tpu.memory_space<semaphore_mem>>) src(%dma_wait3A_388 : memref<500032x8xf32, #tpu.memory_space<hbm>>) dst(%dma_wait3A_383 : memref<128x8xf32, #tpu.memory_space<vmem>>)
    %dma_wait3A_389 = arith.constant 1024 : i32
    %dma_wait3A_390 = arith.constant 0 : i32
    %dma_wait3A_391 = tpu.memref_slice %arg13[%dma_wait3A_389, %dma_wait3A_390] : memref<2048x8xf32, #tpu.memory_space<vmem>> -> memref<128x8xf32, #tpu.memory_space<vmem>>
    %dma_wait3A_392 = arith.constant 1024 : i32
    %dma_wait3A_393 = tpu.memref_slice %arg11[%dma_wait3A_392] : memref<2048xi32, #tpu.memory_space<vmem>> -> memref<128xi32, #tpu.memory_space<vmem>>
    %dma_wait3A_394 = arith.constant 0 : i32
    %dma_wait3A_395 = arith.constant 0 : i32
    %dma_wait3A_396 = tpu.memref_slice %arg2[%dma_wait3A_394, %dma_wait3A_395] : memref<500032x8xf32, #tpu.memory_space<hbm>> -> memref<500032x8xf32, #tpu.memory_space<hbm>>
    tpu.wait_indirect_dma semaphore(%arg18 : memref<!tpu.dma_semaphore, #tpu.memory_space<semaphore_mem>>) src(%dma_wait3A_396 : memref<500032x8xf32, #tpu.memory_space<hbm>>) dst(%dma_wait3A_391 : memref<128x8xf32, #tpu.memory_space<vmem>>)
    %dma_wait3A_397 = arith.constant 1024 : i32
    %dma_wait3A_398 = arith.constant 0 : i32
    %dma_wait3A_399 = tpu.memref_slice %arg14[%dma_wait3A_397, %dma_wait3A_398] : memref<2048x8xf32, #tpu.memory_space<vmem>> -> memref<128x8xf32, #tpu.memory_space<vmem>>
    %dma_wait3A_400 = arith.constant 1024 : i32
    %dma_wait3A_401 = tpu.memref_slice %arg12[%dma_wait3A_400] : memref<2048xi32, #tpu.memory_space<vmem>> -> memref<128xi32, #tpu.memory_space<vmem>>
    %dma_wait3A_402 = arith.constant 0 : i32
    %dma_wait3A_403 = arith.constant 0 : i32
    %dma_wait3A_404 = tpu.memref_slice %arg3[%dma_wait3A_402, %dma_wait3A_403] : memref<500032x8xf32, #tpu.memory_space<hbm>> -> memref<500032x8xf32, #tpu.memory_space<hbm>>
    tpu.wait_indirect_dma semaphore(%arg18 : memref<!tpu.dma_semaphore, #tpu.memory_space<semaphore_mem>>) src(%dma_wait3A_404 : memref<500032x8xf32, #tpu.memory_space<hbm>>) dst(%dma_wait3A_399 : memref<128x8xf32, #tpu.memory_space<vmem>>)
    %dma_wait3A_405 = arith.constant 1152 : i32
    %dma_wait3A_406 = arith.constant 0 : i32
    %dma_wait3A_407 = tpu.memref_slice %arg13[%dma_wait3A_405, %dma_wait3A_406] : memref<2048x8xf32, #tpu.memory_space<vmem>> -> memref<128x8xf32, #tpu.memory_space<vmem>>
    %dma_wait3A_408 = arith.constant 1152 : i32
    %dma_wait3A_409 = tpu.memref_slice %arg11[%dma_wait3A_408] : memref<2048xi32, #tpu.memory_space<vmem>> -> memref<128xi32, #tpu.memory_space<vmem>>
    %dma_wait3A_410 = arith.constant 0 : i32
    %dma_wait3A_411 = arith.constant 0 : i32
    %dma_wait3A_412 = tpu.memref_slice %arg2[%dma_wait3A_410, %dma_wait3A_411] : memref<500032x8xf32, #tpu.memory_space<hbm>> -> memref<500032x8xf32, #tpu.memory_space<hbm>>
    tpu.wait_indirect_dma semaphore(%arg18 : memref<!tpu.dma_semaphore, #tpu.memory_space<semaphore_mem>>) src(%dma_wait3A_412 : memref<500032x8xf32, #tpu.memory_space<hbm>>) dst(%dma_wait3A_407 : memref<128x8xf32, #tpu.memory_space<vmem>>)
    %dma_wait3A_413 = arith.constant 1152 : i32
    %dma_wait3A_414 = arith.constant 0 : i32
    %dma_wait3A_415 = tpu.memref_slice %arg14[%dma_wait3A_413, %dma_wait3A_414] : memref<2048x8xf32, #tpu.memory_space<vmem>> -> memref<128x8xf32, #tpu.memory_space<vmem>>
    %dma_wait3A_416 = arith.constant 1152 : i32
    %dma_wait3A_417 = tpu.memref_slice %arg12[%dma_wait3A_416] : memref<2048xi32, #tpu.memory_space<vmem>> -> memref<128xi32, #tpu.memory_space<vmem>>
    %dma_wait3A_418 = arith.constant 0 : i32
    %dma_wait3A_419 = arith.constant 0 : i32
    %dma_wait3A_420 = tpu.memref_slice %arg3[%dma_wait3A_418, %dma_wait3A_419] : memref<500032x8xf32, #tpu.memory_space<hbm>> -> memref<500032x8xf32, #tpu.memory_space<hbm>>
    tpu.wait_indirect_dma semaphore(%arg18 : memref<!tpu.dma_semaphore, #tpu.memory_space<semaphore_mem>>) src(%dma_wait3A_420 : memref<500032x8xf32, #tpu.memory_space<hbm>>) dst(%dma_wait3A_415 : memref<128x8xf32, #tpu.memory_space<vmem>>)
    %dma_wait3A_421 = arith.constant 1280 : i32
    %dma_wait3A_422 = arith.constant 0 : i32
    %dma_wait3A_423 = tpu.memref_slice %arg13[%dma_wait3A_421, %dma_wait3A_422] : memref<2048x8xf32, #tpu.memory_space<vmem>> -> memref<128x8xf32, #tpu.memory_space<vmem>>
    %dma_wait3A_424 = arith.constant 1280 : i32
    %dma_wait3A_425 = tpu.memref_slice %arg11[%dma_wait3A_424] : memref<2048xi32, #tpu.memory_space<vmem>> -> memref<128xi32, #tpu.memory_space<vmem>>
    %dma_wait3A_426 = arith.constant 0 : i32
    %dma_wait3A_427 = arith.constant 0 : i32
    %dma_wait3A_428 = tpu.memref_slice %arg2[%dma_wait3A_426, %dma_wait3A_427] : memref<500032x8xf32, #tpu.memory_space<hbm>> -> memref<500032x8xf32, #tpu.memory_space<hbm>>
    tpu.wait_indirect_dma semaphore(%arg18 : memref<!tpu.dma_semaphore, #tpu.memory_space<semaphore_mem>>) src(%dma_wait3A_428 : memref<500032x8xf32, #tpu.memory_space<hbm>>) dst(%dma_wait3A_423 : memref<128x8xf32, #tpu.memory_space<vmem>>)
    %dma_wait3A_429 = arith.constant 1280 : i32
    %dma_wait3A_430 = arith.constant 0 : i32
    %dma_wait3A_431 = tpu.memref_slice %arg14[%dma_wait3A_429, %dma_wait3A_430] : memref<2048x8xf32, #tpu.memory_space<vmem>> -> memref<128x8xf32, #tpu.memory_space<vmem>>
    %dma_wait3A_432 = arith.constant 1280 : i32
    %dma_wait3A_433 = tpu.memref_slice %arg12[%dma_wait3A_432] : memref<2048xi32, #tpu.memory_space<vmem>> -> memref<128xi32, #tpu.memory_space<vmem>>
    %dma_wait3A_434 = arith.constant 0 : i32
    %dma_wait3A_435 = arith.constant 0 : i32
    %dma_wait3A_436 = tpu.memref_slice %arg3[%dma_wait3A_434, %dma_wait3A_435] : memref<500032x8xf32, #tpu.memory_space<hbm>> -> memref<500032x8xf32, #tpu.memory_space<hbm>>
    tpu.wait_indirect_dma semaphore(%arg18 : memref<!tpu.dma_semaphore, #tpu.memory_space<semaphore_mem>>) src(%dma_wait3A_436 : memref<500032x8xf32, #tpu.memory_space<hbm>>) dst(%dma_wait3A_431 : memref<128x8xf32, #tpu.memory_space<vmem>>)
    %dma_wait3A_437 = arith.constant 1408 : i32
    %dma_wait3A_438 = arith.constant 0 : i32
    %dma_wait3A_439 = tpu.memref_slice %arg13[%dma_wait3A_437, %dma_wait3A_438] : memref<2048x8xf32, #tpu.memory_space<vmem>> -> memref<128x8xf32, #tpu.memory_space<vmem>>
    %dma_wait3A_440 = arith.constant 1408 : i32
    %dma_wait3A_441 = tpu.memref_slice %arg11[%dma_wait3A_440] : memref<2048xi32, #tpu.memory_space<vmem>> -> memref<128xi32, #tpu.memory_space<vmem>>
    %dma_wait3A_442 = arith.constant 0 : i32
    %dma_wait3A_443 = arith.constant 0 : i32
    %dma_wait3A_444 = tpu.memref_slice %arg2[%dma_wait3A_442, %dma_wait3A_443] : memref<500032x8xf32, #tpu.memory_space<hbm>> -> memref<500032x8xf32, #tpu.memory_space<hbm>>
    tpu.wait_indirect_dma semaphore(%arg18 : memref<!tpu.dma_semaphore, #tpu.memory_space<semaphore_mem>>) src(%dma_wait3A_444 : memref<500032x8xf32, #tpu.memory_space<hbm>>) dst(%dma_wait3A_439 : memref<128x8xf32, #tpu.memory_space<vmem>>)
    %dma_wait3A_445 = arith.constant 1408 : i32
    %dma_wait3A_446 = arith.constant 0 : i32
    %dma_wait3A_447 = tpu.memref_slice %arg14[%dma_wait3A_445, %dma_wait3A_446] : memref<2048x8xf32, #tpu.memory_space<vmem>> -> memref<128x8xf32, #tpu.memory_space<vmem>>
    %dma_wait3A_448 = arith.constant 1408 : i32
    %dma_wait3A_449 = tpu.memref_slice %arg12[%dma_wait3A_448] : memref<2048xi32, #tpu.memory_space<vmem>> -> memref<128xi32, #tpu.memory_space<vmem>>
    %dma_wait3A_450 = arith.constant 0 : i32
    %dma_wait3A_451 = arith.constant 0 : i32
    %dma_wait3A_452 = tpu.memref_slice %arg3[%dma_wait3A_450, %dma_wait3A_451] : memref<500032x8xf32, #tpu.memory_space<hbm>> -> memref<500032x8xf32, #tpu.memory_space<hbm>>
    tpu.wait_indirect_dma semaphore(%arg18 : memref<!tpu.dma_semaphore, #tpu.memory_space<semaphore_mem>>) src(%dma_wait3A_452 : memref<500032x8xf32, #tpu.memory_space<hbm>>) dst(%dma_wait3A_447 : memref<128x8xf32, #tpu.memory_space<vmem>>)
    %dma_wait3A_453 = arith.constant 1536 : i32
    %dma_wait3A_454 = arith.constant 0 : i32
    %dma_wait3A_455 = tpu.memref_slice %arg13[%dma_wait3A_453, %dma_wait3A_454] : memref<2048x8xf32, #tpu.memory_space<vmem>> -> memref<128x8xf32, #tpu.memory_space<vmem>>
    %dma_wait3A_456 = arith.constant 1536 : i32
    %dma_wait3A_457 = tpu.memref_slice %arg11[%dma_wait3A_456] : memref<2048xi32, #tpu.memory_space<vmem>> -> memref<128xi32, #tpu.memory_space<vmem>>
    %dma_wait3A_458 = arith.constant 0 : i32
    %dma_wait3A_459 = arith.constant 0 : i32
    %dma_wait3A_460 = tpu.memref_slice %arg2[%dma_wait3A_458, %dma_wait3A_459] : memref<500032x8xf32, #tpu.memory_space<hbm>> -> memref<500032x8xf32, #tpu.memory_space<hbm>>
    tpu.wait_indirect_dma semaphore(%arg18 : memref<!tpu.dma_semaphore, #tpu.memory_space<semaphore_mem>>) src(%dma_wait3A_460 : memref<500032x8xf32, #tpu.memory_space<hbm>>) dst(%dma_wait3A_455 : memref<128x8xf32, #tpu.memory_space<vmem>>)
    %dma_wait3A_461 = arith.constant 1536 : i32
    %dma_wait3A_462 = arith.constant 0 : i32
    %dma_wait3A_463 = tpu.memref_slice %arg14[%dma_wait3A_461, %dma_wait3A_462] : memref<2048x8xf32, #tpu.memory_space<vmem>> -> memref<128x8xf32, #tpu.memory_space<vmem>>
    %dma_wait3A_464 = arith.constant 1536 : i32
    %dma_wait3A_465 = tpu.memref_slice %arg12[%dma_wait3A_464] : memref<2048xi32, #tpu.memory_space<vmem>> -> memref<128xi32, #tpu.memory_space<vmem>>
    %dma_wait3A_466 = arith.constant 0 : i32
    %dma_wait3A_467 = arith.constant 0 : i32
    %dma_wait3A_468 = tpu.memref_slice %arg3[%dma_wait3A_466, %dma_wait3A_467] : memref<500032x8xf32, #tpu.memory_space<hbm>> -> memref<500032x8xf32, #tpu.memory_space<hbm>>
    tpu.wait_indirect_dma semaphore(%arg18 : memref<!tpu.dma_semaphore, #tpu.memory_space<semaphore_mem>>) src(%dma_wait3A_468 : memref<500032x8xf32, #tpu.memory_space<hbm>>) dst(%dma_wait3A_463 : memref<128x8xf32, #tpu.memory_space<vmem>>)
    %dma_wait3A_469 = arith.constant 1664 : i32
    %dma_wait3A_470 = arith.constant 0 : i32
    %dma_wait3A_471 = tpu.memref_slice %arg13[%dma_wait3A_469, %dma_wait3A_470] : memref<2048x8xf32, #tpu.memory_space<vmem>> -> memref<128x8xf32, #tpu.memory_space<vmem>>
    %dma_wait3A_472 = arith.constant 1664 : i32
    %dma_wait3A_473 = tpu.memref_slice %arg11[%dma_wait3A_472] : memref<2048xi32, #tpu.memory_space<vmem>> -> memref<128xi32, #tpu.memory_space<vmem>>
    %dma_wait3A_474 = arith.constant 0 : i32
    %dma_wait3A_475 = arith.constant 0 : i32
    %dma_wait3A_476 = tpu.memref_slice %arg2[%dma_wait3A_474, %dma_wait3A_475] : memref<500032x8xf32, #tpu.memory_space<hbm>> -> memref<500032x8xf32, #tpu.memory_space<hbm>>
    tpu.wait_indirect_dma semaphore(%arg18 : memref<!tpu.dma_semaphore, #tpu.memory_space<semaphore_mem>>) src(%dma_wait3A_476 : memref<500032x8xf32, #tpu.memory_space<hbm>>) dst(%dma_wait3A_471 : memref<128x8xf32, #tpu.memory_space<vmem>>)
    %dma_wait3A_477 = arith.constant 1664 : i32
    %dma_wait3A_478 = arith.constant 0 : i32
    %dma_wait3A_479 = tpu.memref_slice %arg14[%dma_wait3A_477, %dma_wait3A_478] : memref<2048x8xf32, #tpu.memory_space<vmem>> -> memref<128x8xf32, #tpu.memory_space<vmem>>
    %dma_wait3A_480 = arith.constant 1664 : i32
    %dma_wait3A_481 = tpu.memref_slice %arg12[%dma_wait3A_480] : memref<2048xi32, #tpu.memory_space<vmem>> -> memref<128xi32, #tpu.memory_space<vmem>>
    %dma_wait3A_482 = arith.constant 0 : i32
    %dma_wait3A_483 = arith.constant 0 : i32
    %dma_wait3A_484 = tpu.memref_slice %arg3[%dma_wait3A_482, %dma_wait3A_483] : memref<500032x8xf32, #tpu.memory_space<hbm>> -> memref<500032x8xf32, #tpu.memory_space<hbm>>
    tpu.wait_indirect_dma semaphore(%arg18 : memref<!tpu.dma_semaphore, #tpu.memory_space<semaphore_mem>>) src(%dma_wait3A_484 : memref<500032x8xf32, #tpu.memory_space<hbm>>) dst(%dma_wait3A_479 : memref<128x8xf32, #tpu.memory_space<vmem>>)
    %dma_wait3A_485 = arith.constant 1792 : i32
    %dma_wait3A_486 = arith.constant 0 : i32
    %dma_wait3A_487 = tpu.memref_slice %arg13[%dma_wait3A_485, %dma_wait3A_486] : memref<2048x8xf32, #tpu.memory_space<vmem>> -> memref<128x8xf32, #tpu.memory_space<vmem>>
    %dma_wait3A_488 = arith.constant 1792 : i32
    %dma_wait3A_489 = tpu.memref_slice %arg11[%dma_wait3A_488] : memref<2048xi32, #tpu.memory_space<vmem>> -> memref<128xi32, #tpu.memory_space<vmem>>
    %dma_wait3A_490 = arith.constant 0 : i32
    %dma_wait3A_491 = arith.constant 0 : i32
    %dma_wait3A_492 = tpu.memref_slice %arg2[%dma_wait3A_490, %dma_wait3A_491] : memref<500032x8xf32, #tpu.memory_space<hbm>> -> memref<500032x8xf32, #tpu.memory_space<hbm>>
    tpu.wait_indirect_dma semaphore(%arg18 : memref<!tpu.dma_semaphore, #tpu.memory_space<semaphore_mem>>) src(%dma_wait3A_492 : memref<500032x8xf32, #tpu.memory_space<hbm>>) dst(%dma_wait3A_487 : memref<128x8xf32, #tpu.memory_space<vmem>>)
    %dma_wait3A_493 = arith.constant 1792 : i32
    %dma_wait3A_494 = arith.constant 0 : i32
    %dma_wait3A_495 = tpu.memref_slice %arg14[%dma_wait3A_493, %dma_wait3A_494] : memref<2048x8xf32, #tpu.memory_space<vmem>> -> memref<128x8xf32, #tpu.memory_space<vmem>>
    %dma_wait3A_496 = arith.constant 1792 : i32
    %dma_wait3A_497 = tpu.memref_slice %arg12[%dma_wait3A_496] : memref<2048xi32, #tpu.memory_space<vmem>> -> memref<128xi32, #tpu.memory_space<vmem>>
    %dma_wait3A_498 = arith.constant 0 : i32
    %dma_wait3A_499 = arith.constant 0 : i32
    %dma_wait3A_500 = tpu.memref_slice %arg3[%dma_wait3A_498, %dma_wait3A_499] : memref<500032x8xf32, #tpu.memory_space<hbm>> -> memref<500032x8xf32, #tpu.memory_space<hbm>>
    tpu.wait_indirect_dma semaphore(%arg18 : memref<!tpu.dma_semaphore, #tpu.memory_space<semaphore_mem>>) src(%dma_wait3A_500 : memref<500032x8xf32, #tpu.memory_space<hbm>>) dst(%dma_wait3A_495 : memref<128x8xf32, #tpu.memory_space<vmem>>)
    %dma_wait3A_501 = arith.constant 1920 : i32
    %dma_wait3A_502 = arith.constant 0 : i32
    %dma_wait3A_503 = tpu.memref_slice %arg13[%dma_wait3A_501, %dma_wait3A_502] : memref<2048x8xf32, #tpu.memory_space<vmem>> -> memref<128x8xf32, #tpu.memory_space<vmem>>
    %dma_wait3A_504 = arith.constant 1920 : i32
    %dma_wait3A_505 = tpu.memref_slice %arg11[%dma_wait3A_504] : memref<2048xi32, #tpu.memory_space<vmem>> -> memref<128xi32, #tpu.memory_space<vmem>>
    %dma_wait3A_506 = arith.constant 0 : i32
    %dma_wait3A_507 = arith.constant 0 : i32
    %dma_wait3A_508 = tpu.memref_slice %arg2[%dma_wait3A_506, %dma_wait3A_507] : memref<500032x8xf32, #tpu.memory_space<hbm>> -> memref<500032x8xf32, #tpu.memory_space<hbm>>
    tpu.wait_indirect_dma semaphore(%arg18 : memref<!tpu.dma_semaphore, #tpu.memory_space<semaphore_mem>>) src(%dma_wait3A_508 : memref<500032x8xf32, #tpu.memory_space<hbm>>) dst(%dma_wait3A_503 : memref<128x8xf32, #tpu.memory_space<vmem>>)
    %dma_wait3A_509 = arith.constant 1920 : i32
    %dma_wait3A_510 = arith.constant 0 : i32
    %dma_wait3A_511 = tpu.memref_slice %arg14[%dma_wait3A_509, %dma_wait3A_510] : memref<2048x8xf32, #tpu.memory_space<vmem>> -> memref<128x8xf32, #tpu.memory_space<vmem>>
    %dma_wait3A_512 = arith.constant 1920 : i32
    %dma_wait3A_513 = tpu.memref_slice %arg12[%dma_wait3A_512] : memref<2048xi32, #tpu.memory_space<vmem>> -> memref<128xi32, #tpu.memory_space<vmem>>
    %dma_wait3A_514 = arith.constant 0 : i32
    %dma_wait3A_515 = arith.constant 0 : i32
    %dma_wait3A_516 = tpu.memref_slice %arg3[%dma_wait3A_514, %dma_wait3A_515] : memref<500032x8xf32, #tpu.memory_space<hbm>> -> memref<500032x8xf32, #tpu.memory_space<hbm>>
    tpu.wait_indirect_dma semaphore(%arg18 : memref<!tpu.dma_semaphore, #tpu.memory_space<semaphore_mem>>) src(%dma_wait3A_516 : memref<500032x8xf32, #tpu.memory_space<hbm>>) dst(%dma_wait3A_511 : memref<128x8xf32, #tpu.memory_space<vmem>>)
    %iota3A = tpu.iota {dimensions = array<i32: 0>} : vector<16xi32>
    %broadcast_in_dim3A = arith.constant 0 : i32
    %broadcast_in_dim3A_517 = vector.broadcast %broadcast_in_dim3A : i32 to vector<16xi32>
    %broadcast_in_dim3A_518 = arith.constant 1 : i32
    %broadcast_in_dim3A_519 = vector.broadcast %broadcast_in_dim3A_518 : i32 to vector<16xi32>
    %scan3A_520 = arith.constant 0 : i32
    %scan3A_521 = arith.constant 32 : i32
    %scan3A_522 = arith.addi %scan3A_520, %scan3A_521 : i32
    %scan3A_523 = arith.constant 1 : i32
    scf.for %scan3A_527 = %scan3A_520 to %scan3A_522 step %scan3A_523  : i32 {
      %mul3A_528 = arith.constant 16 : i32
      %mul3A_529 = arith.muli %scan3A_527, %mul3A_528 : i32
      %get3A = arith.index_cast %mul3A_529 : i32 to index
      %get3A_530 = tpu.vector_load %arg9[%get3A] {strides = array<i32>} : memref<512xi32, #tpu.memory_space<vmem>>, vector<16xi32>,
      %and3A = arith.constant 7 : i32
      %and3A_531 = vector.broadcast %and3A : i32 to vector<16xi32>
      %and3A_532 = arith.andi %get3A_530, %and3A_531 : vector<16xi32>
      %mul3A_533 = arith.constant 16 : i32
      %mul3A_534 = arith.muli %scan3A_527, %mul3A_533 : i32
      %get3A_535 = arith.index_cast %mul3A_534 : i32 to index
      %get3A_536 = tpu.vector_load %arg10[%get3A_535] {strides = array<i32>} : memref<512xi32, #tpu.memory_space<vmem>>, vector<16xi32>,
      %and3A_537 = arith.constant 7 : i32
      %and3A_538 = vector.broadcast %and3A_537 : i32 to vector<16xi32>
      %and3A_539 = arith.andi %get3A_536, %and3A_538 : vector<16xi32>
      %get3A_540 = arith.constant 9 : i32
      %get3A_541 = arith.constant 0 : i32
      %get3A_542 = arith.index_cast %get3A_540 : i32 to index
      %get3A_543 = arith.index_cast %get3A_541 : i32 to index
      %get3A_544 = arith.constant 0 : index
      %get3A_545 = tpu.vector_load %arg17[%get3A_542, %get3A_543, %get3A_544] {strides = array<i32>} : memref<10x2x16xf32, #tpu.memory_space<vmem>>, vector<16xf32>,
      %get3A_546 = arith.constant 9 : i32
      %get3A_547 = arith.constant 1 : i32
      %get3A_548 = arith.index_cast %get3A_546 : i32 to index
      %get3A_549 = arith.index_cast %get3A_547 : i32 to index
      %get3A_550 = arith.constant 0 : index
      %get3A_551 = tpu.vector_load %arg17[%get3A_548, %get3A_549, %get3A_550] {strides = array<i32>} : memref<10x2x16xf32, #tpu.memory_space<vmem>>, vector<16xf32>,
      %mul3A_552 = arith.constant 16 : i32
      %mul3A_553 = arith.muli %scan3A_527, %mul3A_552 : i32
      %add3A_554 = arith.constant 0 : i32
      %add3A_555 = arith.addi %add3A_554, %mul3A_553 : i32
      %add3A_556 = vector.broadcast %add3A_555 : i32 to vector<16xi32>
      %add3A_557 = arith.addi %iota3A, %add3A_556 : vector<16xi32>
      %gather3A = tpu.vector_load_idx %arg13[%add3A_557, %and3A_532] : memref<2048x8xf32, #tpu.memory_space<vmem>>[vector<16xi32>, vector<16xi32>], vector<16xf32>,
      %get3A_558 = arith.constant 0 : i32
      %get3A_559 = arith.constant 0 : i32
      %get3A_560 = arith.index_cast %get3A_558 : i32 to index
      %get3A_561 = arith.index_cast %get3A_559 : i32 to index
      %get3A_562 = arith.constant 0 : index
      %get3A_563 = tpu.vector_load %arg17[%get3A_560, %get3A_561, %get3A_562] {strides = array<i32>} : memref<10x2x16xf32, #tpu.memory_space<vmem>>, vector<16xf32>,
      %mul3A_564 = arith.mulf %gather3A, %get3A_563 : vector<16xf32>
      %add3A_565 = arith.addf %get3A_545, %mul3A_564 : vector<16xf32>
      %get3A_566 = arith.constant 0 : i32
      %get3A_567 = arith.constant 1 : i32
      %get3A_568 = arith.index_cast %get3A_566 : i32 to index
      %get3A_569 = arith.index_cast %get3A_567 : i32 to index
      %get3A_570 = arith.constant 0 : index
      %get3A_571 = tpu.vector_load %arg17[%get3A_568, %get3A_569, %get3A_570] {strides = array<i32>} : memref<10x2x16xf32, #tpu.memory_space<vmem>>, vector<16xf32>,
      %mul3A_572 = arith.mulf %gather3A, %get3A_571 : vector<16xf32>
      %add3A_573 = arith.addf %get3A_551, %mul3A_572 : vector<16xf32>
      %mul3A_574 = arith.constant 16 : i32
      %mul3A_575 = arith.muli %scan3A_527, %mul3A_574 : i32
      %add3A_576 = arith.constant 512 : i32
      %add3A_577 = arith.addi %add3A_576, %mul3A_575 : i32
      %add3A_578 = vector.broadcast %add3A_577 : i32 to vector<16xi32>
      %add3A_579 = arith.addi %iota3A, %add3A_578 : vector<16xi32>
      %gather3A_580 = tpu.vector_load_idx %arg13[%add3A_579, %and3A_532] : memref<2048x8xf32, #tpu.memory_space<vmem>>[vector<16xi32>, vector<16xi32>], vector<16xf32>,
      %get3A_581 = arith.constant 1 : i32
      %get3A_582 = arith.constant 0 : i32
      %get3A_583 = arith.index_cast %get3A_581 : i32 to index
      %get3A_584 = arith.index_cast %get3A_582 : i32 to index
      %get3A_585 = arith.constant 0 : index
      %get3A_586 = tpu.vector_load %arg17[%get3A_583, %get3A_584, %get3A_585] {strides = array<i32>} : memref<10x2x16xf32, #tpu.memory_space<vmem>>, vector<16xf32>,
      %mul3A_587 = arith.mulf %gather3A_580, %get3A_586 : vector<16xf32>
      %add3A_588 = arith.addf %add3A_565, %mul3A_587 : vector<16xf32>
      %get3A_589 = arith.constant 1 : i32
      %get3A_590 = arith.constant 1 : i32
      %get3A_591 = arith.index_cast %get3A_589 : i32 to index
      %get3A_592 = arith.index_cast %get3A_590 : i32 to index
      %get3A_593 = arith.constant 0 : index
      %get3A_594 = tpu.vector_load %arg17[%get3A_591, %get3A_592, %get3A_593] {strides = array<i32>} : memref<10x2x16xf32, #tpu.memory_space<vmem>>, vector<16xf32>,
      %mul3A_595 = arith.mulf %gather3A_580, %get3A_594 : vector<16xf32>
      %add3A_596 = arith.addf %add3A_573, %mul3A_595 : vector<16xf32>
      %mul3A_597 = arith.constant 16 : i32
      %mul3A_598 = arith.muli %scan3A_527, %mul3A_597 : i32
      %add3A_599 = arith.constant 1024 : i32
      %add3A_600 = arith.addi %add3A_599, %mul3A_598 : i32
      %add3A_601 = vector.broadcast %add3A_600 : i32 to vector<16xi32>
      %add3A_602 = arith.addi %iota3A, %add3A_601 : vector<16xi32>
      %gather3A_603 = tpu.vector_load_idx %arg13[%add3A_602, %and3A_532] : memref<2048x8xf32, #tpu.memory_space<vmem>>[vector<16xi32>, vector<16xi32>], vector<16xf32>,
      %get3A_604 = arith.constant 2 : i32
      %get3A_605 = arith.constant 0 : i32
      %get3A_606 = arith.index_cast %get3A_604 : i32 to index
      %get3A_607 = arith.index_cast %get3A_605 : i32 to index
      %get3A_608 = arith.constant 0 : index
      %get3A_609 = tpu.vector_load %arg17[%get3A_606, %get3A_607, %get3A_608] {strides = array<i32>} : memref<10x2x16xf32, #tpu.memory_space<vmem>>, vector<16xf32>,
      %mul3A_610 = arith.mulf %gather3A_603, %get3A_609 : vector<16xf32>
      %add3A_611 = arith.addf %add3A_588, %mul3A_610 : vector<16xf32>
      %get3A_612 = arith.constant 2 : i32
      %get3A_613 = arith.constant 1 : i32
      %get3A_614 = arith.index_cast %get3A_612 : i32 to index
      %get3A_615 = arith.index_cast %get3A_613 : i32 to index
      %get3A_616 = arith.constant 0 : index
      %get3A_617 = tpu.vector_load %arg17[%get3A_614, %get3A_615, %get3A_616] {strides = array<i32>} : memref<10x2x16xf32, #tpu.memory_space<vmem>>, vector<16xf32>,
      %mul3A_618 = arith.mulf %gather3A_603, %get3A_617 : vector<16xf32>
      %add3A_619 = arith.addf %add3A_596, %mul3A_618 : vector<16xf32>
      %mul3A_620 = arith.constant 16 : i32
      %mul3A_621 = arith.muli %scan3A_527, %mul3A_620 : i32
      %add3A_622 = arith.constant 1536 : i32
      %add3A_623 = arith.addi %add3A_622, %mul3A_621 : i32
      %add3A_624 = vector.broadcast %add3A_623 : i32 to vector<16xi32>
      %add3A_625 = arith.addi %iota3A, %add3A_624 : vector<16xi32>
      %gather3A_626 = tpu.vector_load_idx %arg13[%add3A_625, %and3A_532] : memref<2048x8xf32, #tpu.memory_space<vmem>>[vector<16xi32>, vector<16xi32>], vector<16xf32>,
      %get3A_627 = arith.constant 3 : i32
      %get3A_628 = arith.constant 0 : i32
      %get3A_629 = arith.index_cast %get3A_627 : i32 to index
      %get3A_630 = arith.index_cast %get3A_628 : i32 to index
      %get3A_631 = arith.constant 0 : index
      %get3A_632 = tpu.vector_load %arg17[%get3A_629, %get3A_630, %get3A_631] {strides = array<i32>} : memref<10x2x16xf32, #tpu.memory_space<vmem>>, vector<16xf32>,
      %mul3A_633 = arith.mulf %gather3A_626, %get3A_632 : vector<16xf32>
      %add3A_634 = arith.addf %add3A_611, %mul3A_633 : vector<16xf32>
      %get3A_635 = arith.constant 3 : i32
      %get3A_636 = arith.constant 1 : i32
      %get3A_637 = arith.index_cast %get3A_635 : i32 to index
      %get3A_638 = arith.index_cast %get3A_636 : i32 to index
      %get3A_639 = arith.constant 0 : index
      %get3A_640 = tpu.vector_load %arg17[%get3A_637, %get3A_638, %get3A_639] {strides = array<i32>} : memref<10x2x16xf32, #tpu.memory_space<vmem>>, vector<16xf32>,
      %mul3A_641 = arith.mulf %gather3A_626, %get3A_640 : vector<16xf32>
      %add3A_642 = arith.addf %add3A_619, %mul3A_641 : vector<16xf32>
      %mul3A_643 = arith.constant 16 : i32
      %mul3A_644 = arith.muli %scan3A_527, %mul3A_643 : i32
      %add3A_645 = arith.constant 0 : i32
      %add3A_646 = arith.addi %add3A_645, %mul3A_644 : i32
      %add3A_647 = vector.broadcast %add3A_646 : i32 to vector<16xi32>
      %add3A_648 = arith.addi %iota3A, %add3A_647 : vector<16xi32>
      %gather3A_649 = tpu.vector_load_idx %arg14[%add3A_648, %and3A_539] : memref<2048x8xf32, #tpu.memory_space<vmem>>[vector<16xi32>, vector<16xi32>], vector<16xf32>,
      %get3A_650 = arith.constant 4 : i32
      %get3A_651 = arith.constant 0 : i32
      %get3A_652 = arith.index_cast %get3A_650 : i32 to index
      %get3A_653 = arith.index_cast %get3A_651 : i32 to index
      %get3A_654 = arith.constant 0 : index
      %get3A_655 = tpu.vector_load %arg17[%get3A_652, %get3A_653, %get3A_654] {strides = array<i32>} : memref<10x2x16xf32, #tpu.memory_space<vmem>>, vector<16xf32>,
      %mul3A_656 = arith.mulf %gather3A_649, %get3A_655 : vector<16xf32>
      %add3A_657 = arith.addf %add3A_634, %mul3A_656 : vector<16xf32>
      %get3A_658 = arith.constant 4 : i32
      %get3A_659 = arith.constant 1 : i32
      %get3A_660 = arith.index_cast %get3A_658 : i32 to index
      %get3A_661 = arith.index_cast %get3A_659 : i32 to index
      %get3A_662 = arith.constant 0 : index
      %get3A_663 = tpu.vector_load %arg17[%get3A_660, %get3A_661, %get3A_662] {strides = array<i32>} : memref<10x2x16xf32, #tpu.memory_space<vmem>>, vector<16xf32>,
      %mul3A_664 = arith.mulf %gather3A_649, %get3A_663 : vector<16xf32>
      %add3A_665 = arith.addf %add3A_642, %mul3A_664 : vector<16xf32>
      %mul3A_666 = arith.constant 16 : i32
      %mul3A_667 = arith.muli %scan3A_527, %mul3A_666 : i32
      %add3A_668 = arith.constant 512 : i32
      %add3A_669 = arith.addi %add3A_668, %mul3A_667 : i32
      %add3A_670 = vector.broadcast %add3A_669 : i32 to vector<16xi32>
      %add3A_671 = arith.addi %iota3A, %add3A_670 : vector<16xi32>
      %gather3A_672 = tpu.vector_load_idx %arg14[%add3A_671, %and3A_539] : memref<2048x8xf32, #tpu.memory_space<vmem>>[vector<16xi32>, vector<16xi32>], vector<16xf32>,
      %get3A_673 = arith.constant 5 : i32
      %get3A_674 = arith.constant 0 : i32
      %get3A_675 = arith.index_cast %get3A_673 : i32 to index
      %get3A_676 = arith.index_cast %get3A_674 : i32 to index
      %get3A_677 = arith.constant 0 : index
      %get3A_678 = tpu.vector_load %arg17[%get3A_675, %get3A_676, %get3A_677] {strides = array<i32>} : memref<10x2x16xf32, #tpu.memory_space<vmem>>, vector<16xf32>,
      %mul3A_679 = arith.mulf %gather3A_672, %get3A_678 : vector<16xf32>
      %add3A_680 = arith.addf %add3A_657, %mul3A_679 : vector<16xf32>
      %get3A_681 = arith.constant 5 : i32
      %get3A_682 = arith.constant 1 : i32
      %get3A_683 = arith.index_cast %get3A_681 : i32 to index
      %get3A_684 = arith.index_cast %get3A_682 : i32 to index
      %get3A_685 = arith.constant 0 : index
      %get3A_686 = tpu.vector_load %arg17[%get3A_683, %get3A_684, %get3A_685] {strides = array<i32>} : memref<10x2x16xf32, #tpu.memory_space<vmem>>, vector<16xf32>,
      %mul3A_687 = arith.mulf %gather3A_672, %get3A_686 : vector<16xf32>
      %add3A_688 = arith.addf %add3A_665, %mul3A_687 : vector<16xf32>
      %mul3A_689 = arith.constant 16 : i32
      %mul3A_690 = arith.muli %scan3A_527, %mul3A_689 : i32
      %add3A_691 = arith.constant 1024 : i32
      %add3A_692 = arith.addi %add3A_691, %mul3A_690 : i32
      %add3A_693 = vector.broadcast %add3A_692 : i32 to vector<16xi32>
      %add3A_694 = arith.addi %iota3A, %add3A_693 : vector<16xi32>
      %gather3A_695 = tpu.vector_load_idx %arg14[%add3A_694, %and3A_539] : memref<2048x8xf32, #tpu.memory_space<vmem>>[vector<16xi32>, vector<16xi32>], vector<16xf32>,
      %get3A_696 = arith.constant 6 : i32
      %get3A_697 = arith.constant 0 : i32
      %get3A_698 = arith.index_cast %get3A_696 : i32 to index
      %get3A_699 = arith.index_cast %get3A_697 : i32 to index
      %get3A_700 = arith.constant 0 : index
      %get3A_701 = tpu.vector_load %arg17[%get3A_698, %get3A_699, %get3A_700] {strides = array<i32>} : memref<10x2x16xf32, #tpu.memory_space<vmem>>, vector<16xf32>,
      %mul3A_702 = arith.mulf %gather3A_695, %get3A_701 : vector<16xf32>
      %add3A_703 = arith.addf %add3A_680, %mul3A_702 : vector<16xf32>
      %get3A_704 = arith.constant 6 : i32
      %get3A_705 = arith.constant 1 : i32
      %get3A_706 = arith.index_cast %get3A_704 : i32 to index
      %get3A_707 = arith.index_cast %get3A_705 : i32 to index
      %get3A_708 = arith.constant 0 : index
      %get3A_709 = tpu.vector_load %arg17[%get3A_706, %get3A_707, %get3A_708] {strides = array<i32>} : memref<10x2x16xf32, #tpu.memory_space<vmem>>, vector<16xf32>,
      %mul3A_710 = arith.mulf %gather3A_695, %get3A_709 : vector<16xf32>
      %add3A_711 = arith.addf %add3A_688, %mul3A_710 : vector<16xf32>
      %mul3A_712 = arith.constant 16 : i32
      %mul3A_713 = arith.muli %scan3A_527, %mul3A_712 : i32
      %add3A_714 = arith.constant 1536 : i32
      %add3A_715 = arith.addi %add3A_714, %mul3A_713 : i32
      %add3A_716 = vector.broadcast %add3A_715 : i32 to vector<16xi32>
      %add3A_717 = arith.addi %iota3A, %add3A_716 : vector<16xi32>
      %gather3A_718 = tpu.vector_load_idx %arg14[%add3A_717, %and3A_539] : memref<2048x8xf32, #tpu.memory_space<vmem>>[vector<16xi32>, vector<16xi32>], vector<16xf32>,
      %get3A_719 = arith.constant 7 : i32
      %get3A_720 = arith.constant 0 : i32
      %get3A_721 = arith.index_cast %get3A_719 : i32 to index
      %get3A_722 = arith.index_cast %get3A_720 : i32 to index
      %get3A_723 = arith.constant 0 : index
      %get3A_724 = tpu.vector_load %arg17[%get3A_721, %get3A_722, %get3A_723] {strides = array<i32>} : memref<10x2x16xf32, #tpu.memory_space<vmem>>, vector<16xf32>,
      %mul3A_725 = arith.mulf %gather3A_718, %get3A_724 : vector<16xf32>
      %add3A_726 = arith.addf %add3A_703, %mul3A_725 : vector<16xf32>
      %get3A_727 = arith.constant 7 : i32
      %get3A_728 = arith.constant 1 : i32
      %get3A_729 = arith.index_cast %get3A_727 : i32 to index
      %get3A_730 = arith.index_cast %get3A_728 : i32 to index
      %get3A_731 = arith.constant 0 : index
      %get3A_732 = tpu.vector_load %arg17[%get3A_729, %get3A_730, %get3A_731] {strides = array<i32>} : memref<10x2x16xf32, #tpu.memory_space<vmem>>, vector<16xf32>,
      %mul3A_733 = arith.mulf %gather3A_718, %get3A_732 : vector<16xf32>
      %add3A_734 = arith.addf %add3A_711, %mul3A_733 : vector<16xf32>
      %mul3A_735 = arith.constant 16 : i32
      %mul3A_736 = arith.muli %scan3A_527, %mul3A_735 : i32
      %get3A_737 = arith.index_cast %mul3A_736 : i32 to index
      %get3A_738 = tpu.vector_load %arg15[%get3A_737] {strides = array<i32>} : memref<512xf32, #tpu.memory_space<vmem>>, vector<16xf32>,
      %get3A_739 = arith.constant 8 : i32
      %get3A_740 = arith.constant 0 : i32
      %get3A_741 = arith.index_cast %get3A_739 : i32 to index
      %get3A_742 = arith.index_cast %get3A_740 : i32 to index
      %get3A_743 = arith.constant 0 : index
      %get3A_744 = tpu.vector_load %arg17[%get3A_741, %get3A_742, %get3A_743] {strides = array<i32>} : memref<10x2x16xf32, #tpu.memory_space<vmem>>, vector<16xf32>,
      %mul3A_745 = arith.mulf %get3A_738, %get3A_744 : vector<16xf32>
      %add3A_746 = arith.addf %add3A_726, %mul3A_745 : vector<16xf32>
      %get3A_747 = arith.constant 8 : i32
      %get3A_748 = arith.constant 1 : i32
      %get3A_749 = arith.index_cast %get3A_747 : i32 to index
      %get3A_750 = arith.index_cast %get3A_748 : i32 to index
      %get3A_751 = arith.constant 0 : index
      %get3A_752 = tpu.vector_load %arg17[%get3A_749, %get3A_750, %get3A_751] {strides = array<i32>} : memref<10x2x16xf32, #tpu.memory_space<vmem>>, vector<16xf32>,
      %mul3A_753 = arith.mulf %get3A_738, %get3A_752 : vector<16xf32>
      %add3A_754 = arith.addf %add3A_734, %mul3A_753 : vector<16xf32>
      %mul3A_755 = arith.constant 16 : i32
      %mul3A_756 = arith.muli %scan3A_527, %mul3A_755 : i32
      %add3A_757 = vector.broadcast %mul3A_756 : i32 to vector<16xi32>
      %add3A_758 = arith.addi %iota3A, %add3A_757 : vector<16xi32>
      %shift_right_logical3A = arith.constant 7 : i32
      %shift_right_logical3A_759 = vector.broadcast %shift_right_logical3A : i32 to vector<16xi32>
      %shift_right_logical3A_760 = arith.shrui %add3A_758, %shift_right_logical3A_759 : vector<16xi32>
      %mul3A_761 = arith.constant 256 : i32
      %mul3A_762 = vector.broadcast %mul3A_761 : i32 to vector<16xi32>
      %mul3A_763 = arith.muli %shift_right_logical3A_760, %mul3A_762 : vector<16xi32>
      %and3A_764 = arith.constant 127 : i32
      %and3A_765 = vector.broadcast %and3A_764 : i32 to vector<16xi32>
      %and3A_766 = arith.andi %add3A_758, %and3A_765 : vector<16xi32>
      %add3A_767 = arith.addi %mul3A_763, %and3A_766 : vector<16xi32>
      tpu.vector_store_idx %arg16[%add3A_767], %add3A_746 : memref<1024xf32, #tpu.memory_space<vmem>>[vector<16xi32>], vector<16xf32>,
      %add3A_768 = arith.constant 128 : i32
      %add3A_769 = vector.broadcast %add3A_768 : i32 to vector<16xi32>
      %add3A_770 = arith.addi %add3A_767, %add3A_769 : vector<16xi32>
      tpu.vector_store_idx %arg16[%add3A_770], %add3A_754 : memref<1024xf32, #tpu.memory_space<vmem>>[vector<16xi32>], vector<16xf32>,
    }
    %scan3A_524 = arith.constant 32 : i32
    %mul3A_525 = arith.constant 2 : i32
    %mul3A_526 = arith.muli %mul3A_2, %mul3A_525 : i32
    "tpu.region"() ({
      %run_scoped3A = tpu.sem_alloc : memref<!tpu.dma_semaphore, #tpu.memory_space<semaphore_mem>>
      %dma_start3A_527 = tpu.memref_slice %arg8[%mul3A_526] : memref<32768xf32, #tpu.memory_space<hbm>> -> memref<1024xf32, #tpu.memory_space<hbm>>
      %dma_start3A_528 = tpu.memref_slice %arg8[%mul3A_526] : memref<32768xf32, #tpu.memory_space<hbm>> -> memref<1024xf32, #tpu.memory_space<hbm>>
      tpu.enqueue_dma source(%arg16 : memref<1024xf32, #tpu.memory_space<vmem>>) target(%dma_start3A_528 : memref<1024xf32, #tpu.memory_space<hbm>>) target_semaphore(%run_scoped3A : memref<!tpu.dma_semaphore, #tpu.memory_space<semaphore_mem>>)
      %dma_wait3A_529 = tpu.memref_slice %arg8[%mul3A_526] : memref<32768xf32, #tpu.memory_space<hbm>> -> memref<1024xf32, #tpu.memory_space<hbm>>
      %dma_wait3A_530 = tpu.memref_slice %arg8[%mul3A_526] : memref<32768xf32, #tpu.memory_space<hbm>> -> memref<1024xf32, #tpu.memory_space<hbm>>
      tpu.wait_dma2 semaphore(%run_scoped3A : memref<!tpu.dma_semaphore, #tpu.memory_space<semaphore_mem>>) src(%arg16 : memref<1024xf32, #tpu.memory_space<vmem>>) dst(%dma_wait3A_530 : memref<1024xf32, #tpu.memory_space<hbm>>)
      tpu.yield
    }) : () -> ()
    return
  }
}

module attributes {stable_mosaic.version = 14 : i64} {
  func.func @_detile_body(%arg0: i32, %arg1: memref<4x16384xf32, #tpu.memory_space<vmem>>, %arg2: memref<4x16384xf32, #tpu.memory_space<vmem>>, %arg3: memref<512x128xf32, #tpu.memory_space<vmem>>, %arg4: memref<512x128xf32, #tpu.memory_space<vmem>>) attributes {dimension_semantics = [#tpu.dimension_semantics<arbitrary>], iteration_bounds = array<i64: 62>, scalar_prefetch = 0 : i64, scratch_operands = 0 : i64, tpu.core_type = #tpu.core_type<tc>, window_params = [{transform_indices = @transform_0, window_bounds = array<i64: 4, 16384>}, {transform_indices = @transform_1, window_bounds = array<i64: 4, 16384>}, {transform_indices = @transform_2, window_bounds = array<i64: 512, 128>}, {transform_indices = @transform_3, window_bounds = array<i64: 512, 128>}]} {
    %get3A = arith.constant 0 : index
    %get3A_0 = arith.constant 0 : index
    %get3A_1 = vector.load %arg1[%get3A, %get3A_0] : memref<4x16384xf32, #tpu.memory_space<vmem>>, vector<4x128xf32>
    %swap3A = arith.constant 0 : index
    %swap3A_2 = arith.constant 0 : index
    %swap3A_3 = vector.load %arg3[%swap3A, %swap3A_2] : memref<512x128xf32, #tpu.memory_space<vmem>>, vector<4x128xf32>
    tpu.vector_store %arg3[%swap3A, %swap3A_2], %get3A_1 {strides = array<i32>} : memref<512x128xf32, #tpu.memory_space<vmem>>, vector<4x128xf32>,
    %get3A_4 = arith.constant 0 : index
    %get3A_5 = arith.constant 0 : index
    %get3A_6 = vector.load %arg2[%get3A_4, %get3A_5] : memref<4x16384xf32, #tpu.memory_space<vmem>>, vector<4x128xf32>
    %swap3A_7 = arith.constant 0 : index
    %swap3A_8 = arith.constant 0 : index
    %swap3A_9 = vector.load %arg4[%swap3A_7, %swap3A_8] : memref<512x128xf32, #tpu.memory_space<vmem>>, vector<4x128xf32>
    tpu.vector_store %arg4[%swap3A_7, %swap3A_8], %get3A_6 {strides = array<i32>} : memref<512x128xf32, #tpu.memory_space<vmem>>, vector<4x128xf32>,
    %get3A_10 = arith.constant 0 : index
    %get3A_11 = arith.constant 128 : index
    %get3A_12 = vector.load %arg1[%get3A_10, %get3A_11] : memref<4x16384xf32, #tpu.memory_space<vmem>>, vector<4x128xf32>
    %swap3A_13 = arith.constant 4 : index
    %swap3A_14 = arith.constant 0 : index
    %swap3A_15 = vector.load %arg3[%swap3A_13, %swap3A_14] : memref<512x128xf32, #tpu.memory_space<vmem>>, vector<4x128xf32>
    tpu.vector_store %arg3[%swap3A_13, %swap3A_14], %get3A_12 {strides = array<i32>} : memref<512x128xf32, #tpu.memory_space<vmem>>, vector<4x128xf32>,
    %get3A_16 = arith.constant 0 : index
    %get3A_17 = arith.constant 128 : index
    %get3A_18 = vector.load %arg2[%get3A_16, %get3A_17] : memref<4x16384xf32, #tpu.memory_space<vmem>>, vector<4x128xf32>
    %swap3A_19 = arith.constant 4 : index
    %swap3A_20 = arith.constant 0 : index
    %swap3A_21 = vector.load %arg4[%swap3A_19, %swap3A_20] : memref<512x128xf32, #tpu.memory_space<vmem>>, vector<4x128xf32>
    tpu.vector_store %arg4[%swap3A_19, %swap3A_20], %get3A_18 {strides = array<i32>} : memref<512x128xf32, #tpu.memory_space<vmem>>, vector<4x128xf32>,
    %get3A_22 = arith.constant 0 : index
    %get3A_23 = arith.constant 256 : index
    %get3A_24 = vector.load %arg1[%get3A_22, %get3A_23] : memref<4x16384xf32, #tpu.memory_space<vmem>>, vector<4x128xf32>
    %swap3A_25 = arith.constant 8 : index
    %swap3A_26 = arith.constant 0 : index
    %swap3A_27 = vector.load %arg3[%swap3A_25, %swap3A_26] : memref<512x128xf32, #tpu.memory_space<vmem>>, vector<4x128xf32>
    tpu.vector_store %arg3[%swap3A_25, %swap3A_26], %get3A_24 {strides = array<i32>} : memref<512x128xf32, #tpu.memory_space<vmem>>, vector<4x128xf32>,
    %get3A_28 = arith.constant 0 : index
    %get3A_29 = arith.constant 256 : index
    %get3A_30 = vector.load %arg2[%get3A_28, %get3A_29] : memref<4x16384xf32, #tpu.memory_space<vmem>>, vector<4x128xf32>
    %swap3A_31 = arith.constant 8 : index
    %swap3A_32 = arith.constant 0 : index
    %swap3A_33 = vector.load %arg4[%swap3A_31, %swap3A_32] : memref<512x128xf32, #tpu.memory_space<vmem>>, vector<4x128xf32>
    tpu.vector_store %arg4[%swap3A_31, %swap3A_32], %get3A_30 {strides = array<i32>} : memref<512x128xf32, #tpu.memory_space<vmem>>, vector<4x128xf32>,
    %get3A_34 = arith.constant 0 : index
    %get3A_35 = arith.constant 384 : index
    %get3A_36 = vector.load %arg1[%get3A_34, %get3A_35] : memref<4x16384xf32, #tpu.memory_space<vmem>>, vector<4x128xf32>
    %swap3A_37 = arith.constant 12 : index
    %swap3A_38 = arith.constant 0 : index
    %swap3A_39 = vector.load %arg3[%swap3A_37, %swap3A_38] : memref<512x128xf32, #tpu.memory_space<vmem>>, vector<4x128xf32>
    tpu.vector_store %arg3[%swap3A_37, %swap3A_38], %get3A_36 {strides = array<i32>} : memref<512x128xf32, #tpu.memory_space<vmem>>, vector<4x128xf32>,
    %get3A_40 = arith.constant 0 : index
    %get3A_41 = arith.constant 384 : index
    %get3A_42 = vector.load %arg2[%get3A_40, %get3A_41] : memref<4x16384xf32, #tpu.memory_space<vmem>>, vector<4x128xf32>
    %swap3A_43 = arith.constant 12 : index
    %swap3A_44 = arith.constant 0 : index
    %swap3A_45 = vector.load %arg4[%swap3A_43, %swap3A_44] : memref<512x128xf32, #tpu.memory_space<vmem>>, vector<4x128xf32>
    tpu.vector_store %arg4[%swap3A_43, %swap3A_44], %get3A_42 {strides = array<i32>} : memref<512x128xf32, #tpu.memory_space<vmem>>, vector<4x128xf32>,
    %get3A_46 = arith.constant 0 : index
    %get3A_47 = arith.constant 512 : index
    %get3A_48 = vector.load %arg1[%get3A_46, %get3A_47] : memref<4x16384xf32, #tpu.memory_space<vmem>>, vector<4x128xf32>
    %swap3A_49 = arith.constant 16 : index
    %swap3A_50 = arith.constant 0 : index
    %swap3A_51 = vector.load %arg3[%swap3A_49, %swap3A_50] : memref<512x128xf32, #tpu.memory_space<vmem>>, vector<4x128xf32>
    tpu.vector_store %arg3[%swap3A_49, %swap3A_50], %get3A_48 {strides = array<i32>} : memref<512x128xf32, #tpu.memory_space<vmem>>, vector<4x128xf32>,
    %get3A_52 = arith.constant 0 : index
    %get3A_53 = arith.constant 512 : index
    %get3A_54 = vector.load %arg2[%get3A_52, %get3A_53] : memref<4x16384xf32, #tpu.memory_space<vmem>>, vector<4x128xf32>
    %swap3A_55 = arith.constant 16 : index
    %swap3A_56 = arith.constant 0 : index
    %swap3A_57 = vector.load %arg4[%swap3A_55, %swap3A_56] : memref<512x128xf32, #tpu.memory_space<vmem>>, vector<4x128xf32>
    tpu.vector_store %arg4[%swap3A_55, %swap3A_56], %get3A_54 {strides = array<i32>} : memref<512x128xf32, #tpu.memory_space<vmem>>, vector<4x128xf32>,
    %get3A_58 = arith.constant 0 : index
    %get3A_59 = arith.constant 640 : index
    %get3A_60 = vector.load %arg1[%get3A_58, %get3A_59] : memref<4x16384xf32, #tpu.memory_space<vmem>>, vector<4x128xf32>
    %swap3A_61 = arith.constant 20 : index
    %swap3A_62 = arith.constant 0 : index
    %swap3A_63 = vector.load %arg3[%swap3A_61, %swap3A_62] : memref<512x128xf32, #tpu.memory_space<vmem>>, vector<4x128xf32>
    tpu.vector_store %arg3[%swap3A_61, %swap3A_62], %get3A_60 {strides = array<i32>} : memref<512x128xf32, #tpu.memory_space<vmem>>, vector<4x128xf32>,
    %get3A_64 = arith.constant 0 : index
    %get3A_65 = arith.constant 640 : index
    %get3A_66 = vector.load %arg2[%get3A_64, %get3A_65] : memref<4x16384xf32, #tpu.memory_space<vmem>>, vector<4x128xf32>
    %swap3A_67 = arith.constant 20 : index
    %swap3A_68 = arith.constant 0 : index
    %swap3A_69 = vector.load %arg4[%swap3A_67, %swap3A_68] : memref<512x128xf32, #tpu.memory_space<vmem>>, vector<4x128xf32>
    tpu.vector_store %arg4[%swap3A_67, %swap3A_68], %get3A_66 {strides = array<i32>} : memref<512x128xf32, #tpu.memory_space<vmem>>, vector<4x128xf32>,
    %get3A_70 = arith.constant 0 : index
    %get3A_71 = arith.constant 768 : index
    %get3A_72 = vector.load %arg1[%get3A_70, %get3A_71] : memref<4x16384xf32, #tpu.memory_space<vmem>>, vector<4x128xf32>
    %swap3A_73 = arith.constant 24 : index
    %swap3A_74 = arith.constant 0 : index
    %swap3A_75 = vector.load %arg3[%swap3A_73, %swap3A_74] : memref<512x128xf32, #tpu.memory_space<vmem>>, vector<4x128xf32>
    tpu.vector_store %arg3[%swap3A_73, %swap3A_74], %get3A_72 {strides = array<i32>} : memref<512x128xf32, #tpu.memory_space<vmem>>, vector<4x128xf32>,
    %get3A_76 = arith.constant 0 : index
    %get3A_77 = arith.constant 768 : index
    %get3A_78 = vector.load %arg2[%get3A_76, %get3A_77] : memref<4x16384xf32, #tpu.memory_space<vmem>>, vector<4x128xf32>
    %swap3A_79 = arith.constant 24 : index
    %swap3A_80 = arith.constant 0 : index
    %swap3A_81 = vector.load %arg4[%swap3A_79, %swap3A_80] : memref<512x128xf32, #tpu.memory_space<vmem>>, vector<4x128xf32>
    tpu.vector_store %arg4[%swap3A_79, %swap3A_80], %get3A_78 {strides = array<i32>} : memref<512x128xf32, #tpu.memory_space<vmem>>, vector<4x128xf32>,
    %get3A_82 = arith.constant 0 : index
    %get3A_83 = arith.constant 896 : index
    %get3A_84 = vector.load %arg1[%get3A_82, %get3A_83] : memref<4x16384xf32, #tpu.memory_space<vmem>>, vector<4x128xf32>
    %swap3A_85 = arith.constant 28 : index
    %swap3A_86 = arith.constant 0 : index
    %swap3A_87 = vector.load %arg3[%swap3A_85, %swap3A_86] : memref<512x128xf32, #tpu.memory_space<vmem>>, vector<4x128xf32>
    tpu.vector_store %arg3[%swap3A_85, %swap3A_86], %get3A_84 {strides = array<i32>} : memref<512x128xf32, #tpu.memory_space<vmem>>, vector<4x128xf32>,
    %get3A_88 = arith.constant 0 : index
    %get3A_89 = arith.constant 896 : index
    %get3A_90 = vector.load %arg2[%get3A_88, %get3A_89] : memref<4x16384xf32, #tpu.memory_space<vmem>>, vector<4x128xf32>
    %swap3A_91 = arith.constant 28 : index
    %swap3A_92 = arith.constant 0 : index
    %swap3A_93 = vector.load %arg4[%swap3A_91, %swap3A_92] : memref<512x128xf32, #tpu.memory_space<vmem>>, vector<4x128xf32>
    tpu.vector_store %arg4[%swap3A_91, %swap3A_92], %get3A_90 {strides = array<i32>} : memref<512x128xf32, #tpu.memory_space<vmem>>, vector<4x128xf32>,
    %get3A_94 = arith.constant 0 : index
    %get3A_95 = arith.constant 1024 : index
    %get3A_96 = vector.load %arg1[%get3A_94, %get3A_95] : memref<4x16384xf32, #tpu.memory_space<vmem>>, vector<4x128xf32>
    %swap3A_97 = arith.constant 32 : index
    %swap3A_98 = arith.constant 0 : index
    %swap3A_99 = vector.load %arg3[%swap3A_97, %swap3A_98] : memref<512x128xf32, #tpu.memory_space<vmem>>, vector<4x128xf32>
    tpu.vector_store %arg3[%swap3A_97, %swap3A_98], %get3A_96 {strides = array<i32>} : memref<512x128xf32, #tpu.memory_space<vmem>>, vector<4x128xf32>,
    %get3A_100 = arith.constant 0 : index
    %get3A_101 = arith.constant 1024 : index
    %get3A_102 = vector.load %arg2[%get3A_100, %get3A_101] : memref<4x16384xf32, #tpu.memory_space<vmem>>, vector<4x128xf32>
    %swap3A_103 = arith.constant 32 : index
    %swap3A_104 = arith.constant 0 : index
    %swap3A_105 = vector.load %arg4[%swap3A_103, %swap3A_104] : memref<512x128xf32, #tpu.memory_space<vmem>>, vector<4x128xf32>
    tpu.vector_store %arg4[%swap3A_103, %swap3A_104], %get3A_102 {strides = array<i32>} : memref<512x128xf32, #tpu.memory_space<vmem>>, vector<4x128xf32>,
    %get3A_106 = arith.constant 0 : index
    %get3A_107 = arith.constant 1152 : index
    %get3A_108 = vector.load %arg1[%get3A_106, %get3A_107] : memref<4x16384xf32, #tpu.memory_space<vmem>>, vector<4x128xf32>
    %swap3A_109 = arith.constant 36 : index
    %swap3A_110 = arith.constant 0 : index
    %swap3A_111 = vector.load %arg3[%swap3A_109, %swap3A_110] : memref<512x128xf32, #tpu.memory_space<vmem>>, vector<4x128xf32>
    tpu.vector_store %arg3[%swap3A_109, %swap3A_110], %get3A_108 {strides = array<i32>} : memref<512x128xf32, #tpu.memory_space<vmem>>, vector<4x128xf32>,
    %get3A_112 = arith.constant 0 : index
    %get3A_113 = arith.constant 1152 : index
    %get3A_114 = vector.load %arg2[%get3A_112, %get3A_113] : memref<4x16384xf32, #tpu.memory_space<vmem>>, vector<4x128xf32>
    %swap3A_115 = arith.constant 36 : index
    %swap3A_116 = arith.constant 0 : index
    %swap3A_117 = vector.load %arg4[%swap3A_115, %swap3A_116] : memref<512x128xf32, #tpu.memory_space<vmem>>, vector<4x128xf32>
    tpu.vector_store %arg4[%swap3A_115, %swap3A_116], %get3A_114 {strides = array<i32>} : memref<512x128xf32, #tpu.memory_space<vmem>>, vector<4x128xf32>,
    %get3A_118 = arith.constant 0 : index
    %get3A_119 = arith.constant 1280 : index
    %get3A_120 = vector.load %arg1[%get3A_118, %get3A_119] : memref<4x16384xf32, #tpu.memory_space<vmem>>, vector<4x128xf32>
    %swap3A_121 = arith.constant 40 : index
    %swap3A_122 = arith.constant 0 : index
    %swap3A_123 = vector.load %arg3[%swap3A_121, %swap3A_122] : memref<512x128xf32, #tpu.memory_space<vmem>>, vector<4x128xf32>
    tpu.vector_store %arg3[%swap3A_121, %swap3A_122], %get3A_120 {strides = array<i32>} : memref<512x128xf32, #tpu.memory_space<vmem>>, vector<4x128xf32>,
    %get3A_124 = arith.constant 0 : index
    %get3A_125 = arith.constant 1280 : index
    %get3A_126 = vector.load %arg2[%get3A_124, %get3A_125] : memref<4x16384xf32, #tpu.memory_space<vmem>>, vector<4x128xf32>
    %swap3A_127 = arith.constant 40 : index
    %swap3A_128 = arith.constant 0 : index
    %swap3A_129 = vector.load %arg4[%swap3A_127, %swap3A_128] : memref<512x128xf32, #tpu.memory_space<vmem>>, vector<4x128xf32>
    tpu.vector_store %arg4[%swap3A_127, %swap3A_128], %get3A_126 {strides = array<i32>} : memref<512x128xf32, #tpu.memory_space<vmem>>, vector<4x128xf32>,
    %get3A_130 = arith.constant 0 : index
    %get3A_131 = arith.constant 1408 : index
    %get3A_132 = vector.load %arg1[%get3A_130, %get3A_131] : memref<4x16384xf32, #tpu.memory_space<vmem>>, vector<4x128xf32>
    %swap3A_133 = arith.constant 44 : index
    %swap3A_134 = arith.constant 0 : index
    %swap3A_135 = vector.load %arg3[%swap3A_133, %swap3A_134] : memref<512x128xf32, #tpu.memory_space<vmem>>, vector<4x128xf32>
    tpu.vector_store %arg3[%swap3A_133, %swap3A_134], %get3A_132 {strides = array<i32>} : memref<512x128xf32, #tpu.memory_space<vmem>>, vector<4x128xf32>,
    %get3A_136 = arith.constant 0 : index
    %get3A_137 = arith.constant 1408 : index
    %get3A_138 = vector.load %arg2[%get3A_136, %get3A_137] : memref<4x16384xf32, #tpu.memory_space<vmem>>, vector<4x128xf32>
    %swap3A_139 = arith.constant 44 : index
    %swap3A_140 = arith.constant 0 : index
    %swap3A_141 = vector.load %arg4[%swap3A_139, %swap3A_140] : memref<512x128xf32, #tpu.memory_space<vmem>>, vector<4x128xf32>
    tpu.vector_store %arg4[%swap3A_139, %swap3A_140], %get3A_138 {strides = array<i32>} : memref<512x128xf32, #tpu.memory_space<vmem>>, vector<4x128xf32>,
    %get3A_142 = arith.constant 0 : index
    %get3A_143 = arith.constant 1536 : index
    %get3A_144 = vector.load %arg1[%get3A_142, %get3A_143] : memref<4x16384xf32, #tpu.memory_space<vmem>>, vector<4x128xf32>
    %swap3A_145 = arith.constant 48 : index
    %swap3A_146 = arith.constant 0 : index
    %swap3A_147 = vector.load %arg3[%swap3A_145, %swap3A_146] : memref<512x128xf32, #tpu.memory_space<vmem>>, vector<4x128xf32>
    tpu.vector_store %arg3[%swap3A_145, %swap3A_146], %get3A_144 {strides = array<i32>} : memref<512x128xf32, #tpu.memory_space<vmem>>, vector<4x128xf32>,
    %get3A_148 = arith.constant 0 : index
    %get3A_149 = arith.constant 1536 : index
    %get3A_150 = vector.load %arg2[%get3A_148, %get3A_149] : memref<4x16384xf32, #tpu.memory_space<vmem>>, vector<4x128xf32>
    %swap3A_151 = arith.constant 48 : index
    %swap3A_152 = arith.constant 0 : index
    %swap3A_153 = vector.load %arg4[%swap3A_151, %swap3A_152] : memref<512x128xf32, #tpu.memory_space<vmem>>, vector<4x128xf32>
    tpu.vector_store %arg4[%swap3A_151, %swap3A_152], %get3A_150 {strides = array<i32>} : memref<512x128xf32, #tpu.memory_space<vmem>>, vector<4x128xf32>,
    %get3A_154 = arith.constant 0 : index
    %get3A_155 = arith.constant 1664 : index
    %get3A_156 = vector.load %arg1[%get3A_154, %get3A_155] : memref<4x16384xf32, #tpu.memory_space<vmem>>, vector<4x128xf32>
    %swap3A_157 = arith.constant 52 : index
    %swap3A_158 = arith.constant 0 : index
    %swap3A_159 = vector.load %arg3[%swap3A_157, %swap3A_158] : memref<512x128xf32, #tpu.memory_space<vmem>>, vector<4x128xf32>
    tpu.vector_store %arg3[%swap3A_157, %swap3A_158], %get3A_156 {strides = array<i32>} : memref<512x128xf32, #tpu.memory_space<vmem>>, vector<4x128xf32>,
    %get3A_160 = arith.constant 0 : index
    %get3A_161 = arith.constant 1664 : index
    %get3A_162 = vector.load %arg2[%get3A_160, %get3A_161] : memref<4x16384xf32, #tpu.memory_space<vmem>>, vector<4x128xf32>
    %swap3A_163 = arith.constant 52 : index
    %swap3A_164 = arith.constant 0 : index
    %swap3A_165 = vector.load %arg4[%swap3A_163, %swap3A_164] : memref<512x128xf32, #tpu.memory_space<vmem>>, vector<4x128xf32>
    tpu.vector_store %arg4[%swap3A_163, %swap3A_164], %get3A_162 {strides = array<i32>} : memref<512x128xf32, #tpu.memory_space<vmem>>, vector<4x128xf32>,
    %get3A_166 = arith.constant 0 : index
    %get3A_167 = arith.constant 1792 : index
    %get3A_168 = vector.load %arg1[%get3A_166, %get3A_167] : memref<4x16384xf32, #tpu.memory_space<vmem>>, vector<4x128xf32>
    %swap3A_169 = arith.constant 56 : index
    %swap3A_170 = arith.constant 0 : index
    %swap3A_171 = vector.load %arg3[%swap3A_169, %swap3A_170] : memref<512x128xf32, #tpu.memory_space<vmem>>, vector<4x128xf32>
    tpu.vector_store %arg3[%swap3A_169, %swap3A_170], %get3A_168 {strides = array<i32>} : memref<512x128xf32, #tpu.memory_space<vmem>>, vector<4x128xf32>,
    %get3A_172 = arith.constant 0 : index
    %get3A_173 = arith.constant 1792 : index
    %get3A_174 = vector.load %arg2[%get3A_172, %get3A_173] : memref<4x16384xf32, #tpu.memory_space<vmem>>, vector<4x128xf32>
    %swap3A_175 = arith.constant 56 : index
    %swap3A_176 = arith.constant 0 : index
    %swap3A_177 = vector.load %arg4[%swap3A_175, %swap3A_176] : memref<512x128xf32, #tpu.memory_space<vmem>>, vector<4x128xf32>
    tpu.vector_store %arg4[%swap3A_175, %swap3A_176], %get3A_174 {strides = array<i32>} : memref<512x128xf32, #tpu.memory_space<vmem>>, vector<4x128xf32>,
    %get3A_178 = arith.constant 0 : index
    %get3A_179 = arith.constant 1920 : index
    %get3A_180 = vector.load %arg1[%get3A_178, %get3A_179] : memref<4x16384xf32, #tpu.memory_space<vmem>>, vector<4x128xf32>
    %swap3A_181 = arith.constant 60 : index
    %swap3A_182 = arith.constant 0 : index
    %swap3A_183 = vector.load %arg3[%swap3A_181, %swap3A_182] : memref<512x128xf32, #tpu.memory_space<vmem>>, vector<4x128xf32>
    tpu.vector_store %arg3[%swap3A_181, %swap3A_182], %get3A_180 {strides = array<i32>} : memref<512x128xf32, #tpu.memory_space<vmem>>, vector<4x128xf32>,
    %get3A_184 = arith.constant 0 : index
    %get3A_185 = arith.constant 1920 : index
    %get3A_186 = vector.load %arg2[%get3A_184, %get3A_185] : memref<4x16384xf32, #tpu.memory_space<vmem>>, vector<4x128xf32>
    %swap3A_187 = arith.constant 60 : index
    %swap3A_188 = arith.constant 0 : index
    %swap3A_189 = vector.load %arg4[%swap3A_187, %swap3A_188] : memref<512x128xf32, #tpu.memory_space<vmem>>, vector<4x128xf32>
    tpu.vector_store %arg4[%swap3A_187, %swap3A_188], %get3A_186 {strides = array<i32>} : memref<512x128xf32, #tpu.memory_space<vmem>>, vector<4x128xf32>,
    %get3A_190 = arith.constant 0 : index
    %get3A_191 = arith.constant 2048 : index
    %get3A_192 = vector.load %arg1[%get3A_190, %get3A_191] : memref<4x16384xf32, #tpu.memory_space<vmem>>, vector<4x128xf32>
    %swap3A_193 = arith.constant 64 : index
    %swap3A_194 = arith.constant 0 : index
    %swap3A_195 = vector.load %arg3[%swap3A_193, %swap3A_194] : memref<512x128xf32, #tpu.memory_space<vmem>>, vector<4x128xf32>
    tpu.vector_store %arg3[%swap3A_193, %swap3A_194], %get3A_192 {strides = array<i32>} : memref<512x128xf32, #tpu.memory_space<vmem>>, vector<4x128xf32>,
    %get3A_196 = arith.constant 0 : index
    %get3A_197 = arith.constant 2048 : index
    %get3A_198 = vector.load %arg2[%get3A_196, %get3A_197] : memref<4x16384xf32, #tpu.memory_space<vmem>>, vector<4x128xf32>
    %swap3A_199 = arith.constant 64 : index
    %swap3A_200 = arith.constant 0 : index
    %swap3A_201 = vector.load %arg4[%swap3A_199, %swap3A_200] : memref<512x128xf32, #tpu.memory_space<vmem>>, vector<4x128xf32>
    tpu.vector_store %arg4[%swap3A_199, %swap3A_200], %get3A_198 {strides = array<i32>} : memref<512x128xf32, #tpu.memory_space<vmem>>, vector<4x128xf32>,
    %get3A_202 = arith.constant 0 : index
    %get3A_203 = arith.constant 2176 : index
    %get3A_204 = vector.load %arg1[%get3A_202, %get3A_203] : memref<4x16384xf32, #tpu.memory_space<vmem>>, vector<4x128xf32>
    %swap3A_205 = arith.constant 68 : index
    %swap3A_206 = arith.constant 0 : index
    %swap3A_207 = vector.load %arg3[%swap3A_205, %swap3A_206] : memref<512x128xf32, #tpu.memory_space<vmem>>, vector<4x128xf32>
    tpu.vector_store %arg3[%swap3A_205, %swap3A_206], %get3A_204 {strides = array<i32>} : memref<512x128xf32, #tpu.memory_space<vmem>>, vector<4x128xf32>,
    %get3A_208 = arith.constant 0 : index
    %get3A_209 = arith.constant 2176 : index
    %get3A_210 = vector.load %arg2[%get3A_208, %get3A_209] : memref<4x16384xf32, #tpu.memory_space<vmem>>, vector<4x128xf32>
    %swap3A_211 = arith.constant 68 : index
    %swap3A_212 = arith.constant 0 : index
    %swap3A_213 = vector.load %arg4[%swap3A_211, %swap3A_212] : memref<512x128xf32, #tpu.memory_space<vmem>>, vector<4x128xf32>
    tpu.vector_store %arg4[%swap3A_211, %swap3A_212], %get3A_210 {strides = array<i32>} : memref<512x128xf32, #tpu.memory_space<vmem>>, vector<4x128xf32>,
    %get3A_214 = arith.constant 0 : index
    %get3A_215 = arith.constant 2304 : index
    %get3A_216 = vector.load %arg1[%get3A_214, %get3A_215] : memref<4x16384xf32, #tpu.memory_space<vmem>>, vector<4x128xf32>
    %swap3A_217 = arith.constant 72 : index
    %swap3A_218 = arith.constant 0 : index
    %swap3A_219 = vector.load %arg3[%swap3A_217, %swap3A_218] : memref<512x128xf32, #tpu.memory_space<vmem>>, vector<4x128xf32>
    tpu.vector_store %arg3[%swap3A_217, %swap3A_218], %get3A_216 {strides = array<i32>} : memref<512x128xf32, #tpu.memory_space<vmem>>, vector<4x128xf32>,
    %get3A_220 = arith.constant 0 : index
    %get3A_221 = arith.constant 2304 : index
    %get3A_222 = vector.load %arg2[%get3A_220, %get3A_221] : memref<4x16384xf32, #tpu.memory_space<vmem>>, vector<4x128xf32>
    %swap3A_223 = arith.constant 72 : index
    %swap3A_224 = arith.constant 0 : index
    %swap3A_225 = vector.load %arg4[%swap3A_223, %swap3A_224] : memref<512x128xf32, #tpu.memory_space<vmem>>, vector<4x128xf32>
    tpu.vector_store %arg4[%swap3A_223, %swap3A_224], %get3A_222 {strides = array<i32>} : memref<512x128xf32, #tpu.memory_space<vmem>>, vector<4x128xf32>,
    %get3A_226 = arith.constant 0 : index
    %get3A_227 = arith.constant 2432 : index
    %get3A_228 = vector.load %arg1[%get3A_226, %get3A_227] : memref<4x16384xf32, #tpu.memory_space<vmem>>, vector<4x128xf32>
    %swap3A_229 = arith.constant 76 : index
    %swap3A_230 = arith.constant 0 : index
    %swap3A_231 = vector.load %arg3[%swap3A_229, %swap3A_230] : memref<512x128xf32, #tpu.memory_space<vmem>>, vector<4x128xf32>
    tpu.vector_store %arg3[%swap3A_229, %swap3A_230], %get3A_228 {strides = array<i32>} : memref<512x128xf32, #tpu.memory_space<vmem>>, vector<4x128xf32>,
    %get3A_232 = arith.constant 0 : index
    %get3A_233 = arith.constant 2432 : index
    %get3A_234 = vector.load %arg2[%get3A_232, %get3A_233] : memref<4x16384xf32, #tpu.memory_space<vmem>>, vector<4x128xf32>
    %swap3A_235 = arith.constant 76 : index
    %swap3A_236 = arith.constant 0 : index
    %swap3A_237 = vector.load %arg4[%swap3A_235, %swap3A_236] : memref<512x128xf32, #tpu.memory_space<vmem>>, vector<4x128xf32>
    tpu.vector_store %arg4[%swap3A_235, %swap3A_236], %get3A_234 {strides = array<i32>} : memref<512x128xf32, #tpu.memory_space<vmem>>, vector<4x128xf32>,
    %get3A_238 = arith.constant 0 : index
    %get3A_239 = arith.constant 2560 : index
    %get3A_240 = vector.load %arg1[%get3A_238, %get3A_239] : memref<4x16384xf32, #tpu.memory_space<vmem>>, vector<4x128xf32>
    %swap3A_241 = arith.constant 80 : index
    %swap3A_242 = arith.constant 0 : index
    %swap3A_243 = vector.load %arg3[%swap3A_241, %swap3A_242] : memref<512x128xf32, #tpu.memory_space<vmem>>, vector<4x128xf32>
    tpu.vector_store %arg3[%swap3A_241, %swap3A_242], %get3A_240 {strides = array<i32>} : memref<512x128xf32, #tpu.memory_space<vmem>>, vector<4x128xf32>,
    %get3A_244 = arith.constant 0 : index
    %get3A_245 = arith.constant 2560 : index
    %get3A_246 = vector.load %arg2[%get3A_244, %get3A_245] : memref<4x16384xf32, #tpu.memory_space<vmem>>, vector<4x128xf32>
    %swap3A_247 = arith.constant 80 : index
    %swap3A_248 = arith.constant 0 : index
    %swap3A_249 = vector.load %arg4[%swap3A_247, %swap3A_248] : memref<512x128xf32, #tpu.memory_space<vmem>>, vector<4x128xf32>
    tpu.vector_store %arg4[%swap3A_247, %swap3A_248], %get3A_246 {strides = array<i32>} : memref<512x128xf32, #tpu.memory_space<vmem>>, vector<4x128xf32>,
    %get3A_250 = arith.constant 0 : index
    %get3A_251 = arith.constant 2688 : index
    %get3A_252 = vector.load %arg1[%get3A_250, %get3A_251] : memref<4x16384xf32, #tpu.memory_space<vmem>>, vector<4x128xf32>
    %swap3A_253 = arith.constant 84 : index
    %swap3A_254 = arith.constant 0 : index
    %swap3A_255 = vector.load %arg3[%swap3A_253, %swap3A_254] : memref<512x128xf32, #tpu.memory_space<vmem>>, vector<4x128xf32>
    tpu.vector_store %arg3[%swap3A_253, %swap3A_254], %get3A_252 {strides = array<i32>} : memref<512x128xf32, #tpu.memory_space<vmem>>, vector<4x128xf32>,
    %get3A_256 = arith.constant 0 : index
    %get3A_257 = arith.constant 2688 : index
    %get3A_258 = vector.load %arg2[%get3A_256, %get3A_257] : memref<4x16384xf32, #tpu.memory_space<vmem>>, vector<4x128xf32>
    %swap3A_259 = arith.constant 84 : index
    %swap3A_260 = arith.constant 0 : index
    %swap3A_261 = vector.load %arg4[%swap3A_259, %swap3A_260] : memref<512x128xf32, #tpu.memory_space<vmem>>, vector<4x128xf32>
    tpu.vector_store %arg4[%swap3A_259, %swap3A_260], %get3A_258 {strides = array<i32>} : memref<512x128xf32, #tpu.memory_space<vmem>>, vector<4x128xf32>,
    %get3A_262 = arith.constant 0 : index
    %get3A_263 = arith.constant 2816 : index
    %get3A_264 = vector.load %arg1[%get3A_262, %get3A_263] : memref<4x16384xf32, #tpu.memory_space<vmem>>, vector<4x128xf32>
    %swap3A_265 = arith.constant 88 : index
    %swap3A_266 = arith.constant 0 : index
    %swap3A_267 = vector.load %arg3[%swap3A_265, %swap3A_266] : memref<512x128xf32, #tpu.memory_space<vmem>>, vector<4x128xf32>
    tpu.vector_store %arg3[%swap3A_265, %swap3A_266], %get3A_264 {strides = array<i32>} : memref<512x128xf32, #tpu.memory_space<vmem>>, vector<4x128xf32>,
    %get3A_268 = arith.constant 0 : index
    %get3A_269 = arith.constant 2816 : index
    %get3A_270 = vector.load %arg2[%get3A_268, %get3A_269] : memref<4x16384xf32, #tpu.memory_space<vmem>>, vector<4x128xf32>
    %swap3A_271 = arith.constant 88 : index
    %swap3A_272 = arith.constant 0 : index
    %swap3A_273 = vector.load %arg4[%swap3A_271, %swap3A_272] : memref<512x128xf32, #tpu.memory_space<vmem>>, vector<4x128xf32>
    tpu.vector_store %arg4[%swap3A_271, %swap3A_272], %get3A_270 {strides = array<i32>} : memref<512x128xf32, #tpu.memory_space<vmem>>, vector<4x128xf32>,
    %get3A_274 = arith.constant 0 : index
    %get3A_275 = arith.constant 2944 : index
    %get3A_276 = vector.load %arg1[%get3A_274, %get3A_275] : memref<4x16384xf32, #tpu.memory_space<vmem>>, vector<4x128xf32>
    %swap3A_277 = arith.constant 92 : index
    %swap3A_278 = arith.constant 0 : index
    %swap3A_279 = vector.load %arg3[%swap3A_277, %swap3A_278] : memref<512x128xf32, #tpu.memory_space<vmem>>, vector<4x128xf32>
    tpu.vector_store %arg3[%swap3A_277, %swap3A_278], %get3A_276 {strides = array<i32>} : memref<512x128xf32, #tpu.memory_space<vmem>>, vector<4x128xf32>,
    %get3A_280 = arith.constant 0 : index
    %get3A_281 = arith.constant 2944 : index
    %get3A_282 = vector.load %arg2[%get3A_280, %get3A_281] : memref<4x16384xf32, #tpu.memory_space<vmem>>, vector<4x128xf32>
    %swap3A_283 = arith.constant 92 : index
    %swap3A_284 = arith.constant 0 : index
    %swap3A_285 = vector.load %arg4[%swap3A_283, %swap3A_284] : memref<512x128xf32, #tpu.memory_space<vmem>>, vector<4x128xf32>
    tpu.vector_store %arg4[%swap3A_283, %swap3A_284], %get3A_282 {strides = array<i32>} : memref<512x128xf32, #tpu.memory_space<vmem>>, vector<4x128xf32>,
    %get3A_286 = arith.constant 0 : index
    %get3A_287 = arith.constant 3072 : index
    %get3A_288 = vector.load %arg1[%get3A_286, %get3A_287] : memref<4x16384xf32, #tpu.memory_space<vmem>>, vector<4x128xf32>
    %swap3A_289 = arith.constant 96 : index
    %swap3A_290 = arith.constant 0 : index
    %swap3A_291 = vector.load %arg3[%swap3A_289, %swap3A_290] : memref<512x128xf32, #tpu.memory_space<vmem>>, vector<4x128xf32>
    tpu.vector_store %arg3[%swap3A_289, %swap3A_290], %get3A_288 {strides = array<i32>} : memref<512x128xf32, #tpu.memory_space<vmem>>, vector<4x128xf32>,
    %get3A_292 = arith.constant 0 : index
    %get3A_293 = arith.constant 3072 : index
    %get3A_294 = vector.load %arg2[%get3A_292, %get3A_293] : memref<4x16384xf32, #tpu.memory_space<vmem>>, vector<4x128xf32>
    %swap3A_295 = arith.constant 96 : index
    %swap3A_296 = arith.constant 0 : index
    %swap3A_297 = vector.load %arg4[%swap3A_295, %swap3A_296] : memref<512x128xf32, #tpu.memory_space<vmem>>, vector<4x128xf32>
    tpu.vector_store %arg4[%swap3A_295, %swap3A_296], %get3A_294 {strides = array<i32>} : memref<512x128xf32, #tpu.memory_space<vmem>>, vector<4x128xf32>,
    %get3A_298 = arith.constant 0 : index
    %get3A_299 = arith.constant 3200 : index
    %get3A_300 = vector.load %arg1[%get3A_298, %get3A_299] : memref<4x16384xf32, #tpu.memory_space<vmem>>, vector<4x128xf32>
    %swap3A_301 = arith.constant 100 : index
    %swap3A_302 = arith.constant 0 : index
    %swap3A_303 = vector.load %arg3[%swap3A_301, %swap3A_302] : memref<512x128xf32, #tpu.memory_space<vmem>>, vector<4x128xf32>
    tpu.vector_store %arg3[%swap3A_301, %swap3A_302], %get3A_300 {strides = array<i32>} : memref<512x128xf32, #tpu.memory_space<vmem>>, vector<4x128xf32>,
    %get3A_304 = arith.constant 0 : index
    %get3A_305 = arith.constant 3200 : index
    %get3A_306 = vector.load %arg2[%get3A_304, %get3A_305] : memref<4x16384xf32, #tpu.memory_space<vmem>>, vector<4x128xf32>
    %swap3A_307 = arith.constant 100 : index
    %swap3A_308 = arith.constant 0 : index
    %swap3A_309 = vector.load %arg4[%swap3A_307, %swap3A_308] : memref<512x128xf32, #tpu.memory_space<vmem>>, vector<4x128xf32>
    tpu.vector_store %arg4[%swap3A_307, %swap3A_308], %get3A_306 {strides = array<i32>} : memref<512x128xf32, #tpu.memory_space<vmem>>, vector<4x128xf32>,
    %get3A_310 = arith.constant 0 : index
    %get3A_311 = arith.constant 3328 : index
    %get3A_312 = vector.load %arg1[%get3A_310, %get3A_311] : memref<4x16384xf32, #tpu.memory_space<vmem>>, vector<4x128xf32>
    %swap3A_313 = arith.constant 104 : index
    %swap3A_314 = arith.constant 0 : index
    %swap3A_315 = vector.load %arg3[%swap3A_313, %swap3A_314] : memref<512x128xf32, #tpu.memory_space<vmem>>, vector<4x128xf32>
    tpu.vector_store %arg3[%swap3A_313, %swap3A_314], %get3A_312 {strides = array<i32>} : memref<512x128xf32, #tpu.memory_space<vmem>>, vector<4x128xf32>,
    %get3A_316 = arith.constant 0 : index
    %get3A_317 = arith.constant 3328 : index
    %get3A_318 = vector.load %arg2[%get3A_316, %get3A_317] : memref<4x16384xf32, #tpu.memory_space<vmem>>, vector<4x128xf32>
    %swap3A_319 = arith.constant 104 : index
    %swap3A_320 = arith.constant 0 : index
    %swap3A_321 = vector.load %arg4[%swap3A_319, %swap3A_320] : memref<512x128xf32, #tpu.memory_space<vmem>>, vector<4x128xf32>
    tpu.vector_store %arg4[%swap3A_319, %swap3A_320], %get3A_318 {strides = array<i32>} : memref<512x128xf32, #tpu.memory_space<vmem>>, vector<4x128xf32>,
    %get3A_322 = arith.constant 0 : index
    %get3A_323 = arith.constant 3456 : index
    %get3A_324 = vector.load %arg1[%get3A_322, %get3A_323] : memref<4x16384xf32, #tpu.memory_space<vmem>>, vector<4x128xf32>
    %swap3A_325 = arith.constant 108 : index
    %swap3A_326 = arith.constant 0 : index
    %swap3A_327 = vector.load %arg3[%swap3A_325, %swap3A_326] : memref<512x128xf32, #tpu.memory_space<vmem>>, vector<4x128xf32>
    tpu.vector_store %arg3[%swap3A_325, %swap3A_326], %get3A_324 {strides = array<i32>} : memref<512x128xf32, #tpu.memory_space<vmem>>, vector<4x128xf32>,
    %get3A_328 = arith.constant 0 : index
    %get3A_329 = arith.constant 3456 : index
    %get3A_330 = vector.load %arg2[%get3A_328, %get3A_329] : memref<4x16384xf32, #tpu.memory_space<vmem>>, vector<4x128xf32>
    %swap3A_331 = arith.constant 108 : index
    %swap3A_332 = arith.constant 0 : index
    %swap3A_333 = vector.load %arg4[%swap3A_331, %swap3A_332] : memref<512x128xf32, #tpu.memory_space<vmem>>, vector<4x128xf32>
    tpu.vector_store %arg4[%swap3A_331, %swap3A_332], %get3A_330 {strides = array<i32>} : memref<512x128xf32, #tpu.memory_space<vmem>>, vector<4x128xf32>,
    %get3A_334 = arith.constant 0 : index
    %get3A_335 = arith.constant 3584 : index
    %get3A_336 = vector.load %arg1[%get3A_334, %get3A_335] : memref<4x16384xf32, #tpu.memory_space<vmem>>, vector<4x128xf32>
    %swap3A_337 = arith.constant 112 : index
    %swap3A_338 = arith.constant 0 : index
    %swap3A_339 = vector.load %arg3[%swap3A_337, %swap3A_338] : memref<512x128xf32, #tpu.memory_space<vmem>>, vector<4x128xf32>
    tpu.vector_store %arg3[%swap3A_337, %swap3A_338], %get3A_336 {strides = array<i32>} : memref<512x128xf32, #tpu.memory_space<vmem>>, vector<4x128xf32>,
    %get3A_340 = arith.constant 0 : index
    %get3A_341 = arith.constant 3584 : index
    %get3A_342 = vector.load %arg2[%get3A_340, %get3A_341] : memref<4x16384xf32, #tpu.memory_space<vmem>>, vector<4x128xf32>
    %swap3A_343 = arith.constant 112 : index
    %swap3A_344 = arith.constant 0 : index
    %swap3A_345 = vector.load %arg4[%swap3A_343, %swap3A_344] : memref<512x128xf32, #tpu.memory_space<vmem>>, vector<4x128xf32>
    tpu.vector_store %arg4[%swap3A_343, %swap3A_344], %get3A_342 {strides = array<i32>} : memref<512x128xf32, #tpu.memory_space<vmem>>, vector<4x128xf32>,
    %get3A_346 = arith.constant 0 : index
    %get3A_347 = arith.constant 3712 : index
    %get3A_348 = vector.load %arg1[%get3A_346, %get3A_347] : memref<4x16384xf32, #tpu.memory_space<vmem>>, vector<4x128xf32>
    %swap3A_349 = arith.constant 116 : index
    %swap3A_350 = arith.constant 0 : index
    %swap3A_351 = vector.load %arg3[%swap3A_349, %swap3A_350] : memref<512x128xf32, #tpu.memory_space<vmem>>, vector<4x128xf32>
    tpu.vector_store %arg3[%swap3A_349, %swap3A_350], %get3A_348 {strides = array<i32>} : memref<512x128xf32, #tpu.memory_space<vmem>>, vector<4x128xf32>,
    %get3A_352 = arith.constant 0 : index
    %get3A_353 = arith.constant 3712 : index
    %get3A_354 = vector.load %arg2[%get3A_352, %get3A_353] : memref<4x16384xf32, #tpu.memory_space<vmem>>, vector<4x128xf32>
    %swap3A_355 = arith.constant 116 : index
    %swap3A_356 = arith.constant 0 : index
    %swap3A_357 = vector.load %arg4[%swap3A_355, %swap3A_356] : memref<512x128xf32, #tpu.memory_space<vmem>>, vector<4x128xf32>
    tpu.vector_store %arg4[%swap3A_355, %swap3A_356], %get3A_354 {strides = array<i32>} : memref<512x128xf32, #tpu.memory_space<vmem>>, vector<4x128xf32>,
    %get3A_358 = arith.constant 0 : index
    %get3A_359 = arith.constant 3840 : index
    %get3A_360 = vector.load %arg1[%get3A_358, %get3A_359] : memref<4x16384xf32, #tpu.memory_space<vmem>>, vector<4x128xf32>
    %swap3A_361 = arith.constant 120 : index
    %swap3A_362 = arith.constant 0 : index
    %swap3A_363 = vector.load %arg3[%swap3A_361, %swap3A_362] : memref<512x128xf32, #tpu.memory_space<vmem>>, vector<4x128xf32>
    tpu.vector_store %arg3[%swap3A_361, %swap3A_362], %get3A_360 {strides = array<i32>} : memref<512x128xf32, #tpu.memory_space<vmem>>, vector<4x128xf32>,
    %get3A_364 = arith.constant 0 : index
    %get3A_365 = arith.constant 3840 : index
    %get3A_366 = vector.load %arg2[%get3A_364, %get3A_365] : memref<4x16384xf32, #tpu.memory_space<vmem>>, vector<4x128xf32>
    %swap3A_367 = arith.constant 120 : index
    %swap3A_368 = arith.constant 0 : index
    %swap3A_369 = vector.load %arg4[%swap3A_367, %swap3A_368] : memref<512x128xf32, #tpu.memory_space<vmem>>, vector<4x128xf32>
    tpu.vector_store %arg4[%swap3A_367, %swap3A_368], %get3A_366 {strides = array<i32>} : memref<512x128xf32, #tpu.memory_space<vmem>>, vector<4x128xf32>,
    %get3A_370 = arith.constant 0 : index
    %get3A_371 = arith.constant 3968 : index
    %get3A_372 = vector.load %arg1[%get3A_370, %get3A_371] : memref<4x16384xf32, #tpu.memory_space<vmem>>, vector<4x128xf32>
    %swap3A_373 = arith.constant 124 : index
    %swap3A_374 = arith.constant 0 : index
    %swap3A_375 = vector.load %arg3[%swap3A_373, %swap3A_374] : memref<512x128xf32, #tpu.memory_space<vmem>>, vector<4x128xf32>
    tpu.vector_store %arg3[%swap3A_373, %swap3A_374], %get3A_372 {strides = array<i32>} : memref<512x128xf32, #tpu.memory_space<vmem>>, vector<4x128xf32>,
    %get3A_376 = arith.constant 0 : index
    %get3A_377 = arith.constant 3968 : index
    %get3A_378 = vector.load %arg2[%get3A_376, %get3A_377] : memref<4x16384xf32, #tpu.memory_space<vmem>>, vector<4x128xf32>
    %swap3A_379 = arith.constant 124 : index
    %swap3A_380 = arith.constant 0 : index
    %swap3A_381 = vector.load %arg4[%swap3A_379, %swap3A_380] : memref<512x128xf32, #tpu.memory_space<vmem>>, vector<4x128xf32>
    tpu.vector_store %arg4[%swap3A_379, %swap3A_380], %get3A_378 {strides = array<i32>} : memref<512x128xf32, #tpu.memory_space<vmem>>, vector<4x128xf32>,
    %get3A_382 = arith.constant 0 : index
    %get3A_383 = arith.constant 4096 : index
    %get3A_384 = vector.load %arg1[%get3A_382, %get3A_383] : memref<4x16384xf32, #tpu.memory_space<vmem>>, vector<4x128xf32>
    %swap3A_385 = arith.constant 128 : index
    %swap3A_386 = arith.constant 0 : index
    %swap3A_387 = vector.load %arg3[%swap3A_385, %swap3A_386] : memref<512x128xf32, #tpu.memory_space<vmem>>, vector<4x128xf32>
    tpu.vector_store %arg3[%swap3A_385, %swap3A_386], %get3A_384 {strides = array<i32>} : memref<512x128xf32, #tpu.memory_space<vmem>>, vector<4x128xf32>,
    %get3A_388 = arith.constant 0 : index
    %get3A_389 = arith.constant 4096 : index
    %get3A_390 = vector.load %arg2[%get3A_388, %get3A_389] : memref<4x16384xf32, #tpu.memory_space<vmem>>, vector<4x128xf32>
    %swap3A_391 = arith.constant 128 : index
    %swap3A_392 = arith.constant 0 : index
    %swap3A_393 = vector.load %arg4[%swap3A_391, %swap3A_392] : memref<512x128xf32, #tpu.memory_space<vmem>>, vector<4x128xf32>
    tpu.vector_store %arg4[%swap3A_391, %swap3A_392], %get3A_390 {strides = array<i32>} : memref<512x128xf32, #tpu.memory_space<vmem>>, vector<4x128xf32>,
    %get3A_394 = arith.constant 0 : index
    %get3A_395 = arith.constant 4224 : index
    %get3A_396 = vector.load %arg1[%get3A_394, %get3A_395] : memref<4x16384xf32, #tpu.memory_space<vmem>>, vector<4x128xf32>
    %swap3A_397 = arith.constant 132 : index
    %swap3A_398 = arith.constant 0 : index
    %swap3A_399 = vector.load %arg3[%swap3A_397, %swap3A_398] : memref<512x128xf32, #tpu.memory_space<vmem>>, vector<4x128xf32>
    tpu.vector_store %arg3[%swap3A_397, %swap3A_398], %get3A_396 {strides = array<i32>} : memref<512x128xf32, #tpu.memory_space<vmem>>, vector<4x128xf32>,
    %get3A_400 = arith.constant 0 : index
    %get3A_401 = arith.constant 4224 : index
    %get3A_402 = vector.load %arg2[%get3A_400, %get3A_401] : memref<4x16384xf32, #tpu.memory_space<vmem>>, vector<4x128xf32>
    %swap3A_403 = arith.constant 132 : index
    %swap3A_404 = arith.constant 0 : index
    %swap3A_405 = vector.load %arg4[%swap3A_403, %swap3A_404] : memref<512x128xf32, #tpu.memory_space<vmem>>, vector<4x128xf32>
    tpu.vector_store %arg4[%swap3A_403, %swap3A_404], %get3A_402 {strides = array<i32>} : memref<512x128xf32, #tpu.memory_space<vmem>>, vector<4x128xf32>,
    %get3A_406 = arith.constant 0 : index
    %get3A_407 = arith.constant 4352 : index
    %get3A_408 = vector.load %arg1[%get3A_406, %get3A_407] : memref<4x16384xf32, #tpu.memory_space<vmem>>, vector<4x128xf32>
    %swap3A_409 = arith.constant 136 : index
    %swap3A_410 = arith.constant 0 : index
    %swap3A_411 = vector.load %arg3[%swap3A_409, %swap3A_410] : memref<512x128xf32, #tpu.memory_space<vmem>>, vector<4x128xf32>
    tpu.vector_store %arg3[%swap3A_409, %swap3A_410], %get3A_408 {strides = array<i32>} : memref<512x128xf32, #tpu.memory_space<vmem>>, vector<4x128xf32>,
    %get3A_412 = arith.constant 0 : index
    %get3A_413 = arith.constant 4352 : index
    %get3A_414 = vector.load %arg2[%get3A_412, %get3A_413] : memref<4x16384xf32, #tpu.memory_space<vmem>>, vector<4x128xf32>
    %swap3A_415 = arith.constant 136 : index
    %swap3A_416 = arith.constant 0 : index
    %swap3A_417 = vector.load %arg4[%swap3A_415, %swap3A_416] : memref<512x128xf32, #tpu.memory_space<vmem>>, vector<4x128xf32>
    tpu.vector_store %arg4[%swap3A_415, %swap3A_416], %get3A_414 {strides = array<i32>} : memref<512x128xf32, #tpu.memory_space<vmem>>, vector<4x128xf32>,
    %get3A_418 = arith.constant 0 : index
    %get3A_419 = arith.constant 4480 : index
    %get3A_420 = vector.load %arg1[%get3A_418, %get3A_419] : memref<4x16384xf32, #tpu.memory_space<vmem>>, vector<4x128xf32>
    %swap3A_421 = arith.constant 140 : index
    %swap3A_422 = arith.constant 0 : index
    %swap3A_423 = vector.load %arg3[%swap3A_421, %swap3A_422] : memref<512x128xf32, #tpu.memory_space<vmem>>, vector<4x128xf32>
    tpu.vector_store %arg3[%swap3A_421, %swap3A_422], %get3A_420 {strides = array<i32>} : memref<512x128xf32, #tpu.memory_space<vmem>>, vector<4x128xf32>,
    %get3A_424 = arith.constant 0 : index
    %get3A_425 = arith.constant 4480 : index
    %get3A_426 = vector.load %arg2[%get3A_424, %get3A_425] : memref<4x16384xf32, #tpu.memory_space<vmem>>, vector<4x128xf32>
    %swap3A_427 = arith.constant 140 : index
    %swap3A_428 = arith.constant 0 : index
    %swap3A_429 = vector.load %arg4[%swap3A_427, %swap3A_428] : memref<512x128xf32, #tpu.memory_space<vmem>>, vector<4x128xf32>
    tpu.vector_store %arg4[%swap3A_427, %swap3A_428], %get3A_426 {strides = array<i32>} : memref<512x128xf32, #tpu.memory_space<vmem>>, vector<4x128xf32>,
    %get3A_430 = arith.constant 0 : index
    %get3A_431 = arith.constant 4608 : index
    %get3A_432 = vector.load %arg1[%get3A_430, %get3A_431] : memref<4x16384xf32, #tpu.memory_space<vmem>>, vector<4x128xf32>
    %swap3A_433 = arith.constant 144 : index
    %swap3A_434 = arith.constant 0 : index
    %swap3A_435 = vector.load %arg3[%swap3A_433, %swap3A_434] : memref<512x128xf32, #tpu.memory_space<vmem>>, vector<4x128xf32>
    tpu.vector_store %arg3[%swap3A_433, %swap3A_434], %get3A_432 {strides = array<i32>} : memref<512x128xf32, #tpu.memory_space<vmem>>, vector<4x128xf32>,
    %get3A_436 = arith.constant 0 : index
    %get3A_437 = arith.constant 4608 : index
    %get3A_438 = vector.load %arg2[%get3A_436, %get3A_437] : memref<4x16384xf32, #tpu.memory_space<vmem>>, vector<4x128xf32>
    %swap3A_439 = arith.constant 144 : index
    %swap3A_440 = arith.constant 0 : index
    %swap3A_441 = vector.load %arg4[%swap3A_439, %swap3A_440] : memref<512x128xf32, #tpu.memory_space<vmem>>, vector<4x128xf32>
    tpu.vector_store %arg4[%swap3A_439, %swap3A_440], %get3A_438 {strides = array<i32>} : memref<512x128xf32, #tpu.memory_space<vmem>>, vector<4x128xf32>,
    %get3A_442 = arith.constant 0 : index
    %get3A_443 = arith.constant 4736 : index
    %get3A_444 = vector.load %arg1[%get3A_442, %get3A_443] : memref<4x16384xf32, #tpu.memory_space<vmem>>, vector<4x128xf32>
    %swap3A_445 = arith.constant 148 : index
    %swap3A_446 = arith.constant 0 : index
    %swap3A_447 = vector.load %arg3[%swap3A_445, %swap3A_446] : memref<512x128xf32, #tpu.memory_space<vmem>>, vector<4x128xf32>
    tpu.vector_store %arg3[%swap3A_445, %swap3A_446], %get3A_444 {strides = array<i32>} : memref<512x128xf32, #tpu.memory_space<vmem>>, vector<4x128xf32>,
    %get3A_448 = arith.constant 0 : index
    %get3A_449 = arith.constant 4736 : index
    %get3A_450 = vector.load %arg2[%get3A_448, %get3A_449] : memref<4x16384xf32, #tpu.memory_space<vmem>>, vector<4x128xf32>
    %swap3A_451 = arith.constant 148 : index
    %swap3A_452 = arith.constant 0 : index
    %swap3A_453 = vector.load %arg4[%swap3A_451, %swap3A_452] : memref<512x128xf32, #tpu.memory_space<vmem>>, vector<4x128xf32>
    tpu.vector_store %arg4[%swap3A_451, %swap3A_452], %get3A_450 {strides = array<i32>} : memref<512x128xf32, #tpu.memory_space<vmem>>, vector<4x128xf32>,
    %get3A_454 = arith.constant 0 : index
    %get3A_455 = arith.constant 4864 : index
    %get3A_456 = vector.load %arg1[%get3A_454, %get3A_455] : memref<4x16384xf32, #tpu.memory_space<vmem>>, vector<4x128xf32>
    %swap3A_457 = arith.constant 152 : index
    %swap3A_458 = arith.constant 0 : index
    %swap3A_459 = vector.load %arg3[%swap3A_457, %swap3A_458] : memref<512x128xf32, #tpu.memory_space<vmem>>, vector<4x128xf32>
    tpu.vector_store %arg3[%swap3A_457, %swap3A_458], %get3A_456 {strides = array<i32>} : memref<512x128xf32, #tpu.memory_space<vmem>>, vector<4x128xf32>,
    %get3A_460 = arith.constant 0 : index
    %get3A_461 = arith.constant 4864 : index
    %get3A_462 = vector.load %arg2[%get3A_460, %get3A_461] : memref<4x16384xf32, #tpu.memory_space<vmem>>, vector<4x128xf32>
    %swap3A_463 = arith.constant 152 : index
    %swap3A_464 = arith.constant 0 : index
    %swap3A_465 = vector.load %arg4[%swap3A_463, %swap3A_464] : memref<512x128xf32, #tpu.memory_space<vmem>>, vector<4x128xf32>
    tpu.vector_store %arg4[%swap3A_463, %swap3A_464], %get3A_462 {strides = array<i32>} : memref<512x128xf32, #tpu.memory_space<vmem>>, vector<4x128xf32>,
    %get3A_466 = arith.constant 0 : index
    %get3A_467 = arith.constant 4992 : index
    %get3A_468 = vector.load %arg1[%get3A_466, %get3A_467] : memref<4x16384xf32, #tpu.memory_space<vmem>>, vector<4x128xf32>
    %swap3A_469 = arith.constant 156 : index
    %swap3A_470 = arith.constant 0 : index
    %swap3A_471 = vector.load %arg3[%swap3A_469, %swap3A_470] : memref<512x128xf32, #tpu.memory_space<vmem>>, vector<4x128xf32>
    tpu.vector_store %arg3[%swap3A_469, %swap3A_470], %get3A_468 {strides = array<i32>} : memref<512x128xf32, #tpu.memory_space<vmem>>, vector<4x128xf32>,
    %get3A_472 = arith.constant 0 : index
    %get3A_473 = arith.constant 4992 : index
    %get3A_474 = vector.load %arg2[%get3A_472, %get3A_473] : memref<4x16384xf32, #tpu.memory_space<vmem>>, vector<4x128xf32>
    %swap3A_475 = arith.constant 156 : index
    %swap3A_476 = arith.constant 0 : index
    %swap3A_477 = vector.load %arg4[%swap3A_475, %swap3A_476] : memref<512x128xf32, #tpu.memory_space<vmem>>, vector<4x128xf32>
    tpu.vector_store %arg4[%swap3A_475, %swap3A_476], %get3A_474 {strides = array<i32>} : memref<512x128xf32, #tpu.memory_space<vmem>>, vector<4x128xf32>,
    %get3A_478 = arith.constant 0 : index
    %get3A_479 = arith.constant 5120 : index
    %get3A_480 = vector.load %arg1[%get3A_478, %get3A_479] : memref<4x16384xf32, #tpu.memory_space<vmem>>, vector<4x128xf32>
    %swap3A_481 = arith.constant 160 : index
    %swap3A_482 = arith.constant 0 : index
    %swap3A_483 = vector.load %arg3[%swap3A_481, %swap3A_482] : memref<512x128xf32, #tpu.memory_space<vmem>>, vector<4x128xf32>
    tpu.vector_store %arg3[%swap3A_481, %swap3A_482], %get3A_480 {strides = array<i32>} : memref<512x128xf32, #tpu.memory_space<vmem>>, vector<4x128xf32>,
    %get3A_484 = arith.constant 0 : index
    %get3A_485 = arith.constant 5120 : index
    %get3A_486 = vector.load %arg2[%get3A_484, %get3A_485] : memref<4x16384xf32, #tpu.memory_space<vmem>>, vector<4x128xf32>
    %swap3A_487 = arith.constant 160 : index
    %swap3A_488 = arith.constant 0 : index
    %swap3A_489 = vector.load %arg4[%swap3A_487, %swap3A_488] : memref<512x128xf32, #tpu.memory_space<vmem>>, vector<4x128xf32>
    tpu.vector_store %arg4[%swap3A_487, %swap3A_488], %get3A_486 {strides = array<i32>} : memref<512x128xf32, #tpu.memory_space<vmem>>, vector<4x128xf32>,
    %get3A_490 = arith.constant 0 : index
    %get3A_491 = arith.constant 5248 : index
    %get3A_492 = vector.load %arg1[%get3A_490, %get3A_491] : memref<4x16384xf32, #tpu.memory_space<vmem>>, vector<4x128xf32>
    %swap3A_493 = arith.constant 164 : index
    %swap3A_494 = arith.constant 0 : index
    %swap3A_495 = vector.load %arg3[%swap3A_493, %swap3A_494] : memref<512x128xf32, #tpu.memory_space<vmem>>, vector<4x128xf32>
    tpu.vector_store %arg3[%swap3A_493, %swap3A_494], %get3A_492 {strides = array<i32>} : memref<512x128xf32, #tpu.memory_space<vmem>>, vector<4x128xf32>,
    %get3A_496 = arith.constant 0 : index
    %get3A_497 = arith.constant 5248 : index
    %get3A_498 = vector.load %arg2[%get3A_496, %get3A_497] : memref<4x16384xf32, #tpu.memory_space<vmem>>, vector<4x128xf32>
    %swap3A_499 = arith.constant 164 : index
    %swap3A_500 = arith.constant 0 : index
    %swap3A_501 = vector.load %arg4[%swap3A_499, %swap3A_500] : memref<512x128xf32, #tpu.memory_space<vmem>>, vector<4x128xf32>
    tpu.vector_store %arg4[%swap3A_499, %swap3A_500], %get3A_498 {strides = array<i32>} : memref<512x128xf32, #tpu.memory_space<vmem>>, vector<4x128xf32>,
    %get3A_502 = arith.constant 0 : index
    %get3A_503 = arith.constant 5376 : index
    %get3A_504 = vector.load %arg1[%get3A_502, %get3A_503] : memref<4x16384xf32, #tpu.memory_space<vmem>>, vector<4x128xf32>
    %swap3A_505 = arith.constant 168 : index
    %swap3A_506 = arith.constant 0 : index
    %swap3A_507 = vector.load %arg3[%swap3A_505, %swap3A_506] : memref<512x128xf32, #tpu.memory_space<vmem>>, vector<4x128xf32>
    tpu.vector_store %arg3[%swap3A_505, %swap3A_506], %get3A_504 {strides = array<i32>} : memref<512x128xf32, #tpu.memory_space<vmem>>, vector<4x128xf32>,
    %get3A_508 = arith.constant 0 : index
    %get3A_509 = arith.constant 5376 : index
    %get3A_510 = vector.load %arg2[%get3A_508, %get3A_509] : memref<4x16384xf32, #tpu.memory_space<vmem>>, vector<4x128xf32>
    %swap3A_511 = arith.constant 168 : index
    %swap3A_512 = arith.constant 0 : index
    %swap3A_513 = vector.load %arg4[%swap3A_511, %swap3A_512] : memref<512x128xf32, #tpu.memory_space<vmem>>, vector<4x128xf32>
    tpu.vector_store %arg4[%swap3A_511, %swap3A_512], %get3A_510 {strides = array<i32>} : memref<512x128xf32, #tpu.memory_space<vmem>>, vector<4x128xf32>,
    %get3A_514 = arith.constant 0 : index
    %get3A_515 = arith.constant 5504 : index
    %get3A_516 = vector.load %arg1[%get3A_514, %get3A_515] : memref<4x16384xf32, #tpu.memory_space<vmem>>, vector<4x128xf32>
    %swap3A_517 = arith.constant 172 : index
    %swap3A_518 = arith.constant 0 : index
    %swap3A_519 = vector.load %arg3[%swap3A_517, %swap3A_518] : memref<512x128xf32, #tpu.memory_space<vmem>>, vector<4x128xf32>
    tpu.vector_store %arg3[%swap3A_517, %swap3A_518], %get3A_516 {strides = array<i32>} : memref<512x128xf32, #tpu.memory_space<vmem>>, vector<4x128xf32>,
    %get3A_520 = arith.constant 0 : index
    %get3A_521 = arith.constant 5504 : index
    %get3A_522 = vector.load %arg2[%get3A_520, %get3A_521] : memref<4x16384xf32, #tpu.memory_space<vmem>>, vector<4x128xf32>
    %swap3A_523 = arith.constant 172 : index
    %swap3A_524 = arith.constant 0 : index
    %swap3A_525 = vector.load %arg4[%swap3A_523, %swap3A_524] : memref<512x128xf32, #tpu.memory_space<vmem>>, vector<4x128xf32>
    tpu.vector_store %arg4[%swap3A_523, %swap3A_524], %get3A_522 {strides = array<i32>} : memref<512x128xf32, #tpu.memory_space<vmem>>, vector<4x128xf32>,
    %get3A_526 = arith.constant 0 : index
    %get3A_527 = arith.constant 5632 : index
    %get3A_528 = vector.load %arg1[%get3A_526, %get3A_527] : memref<4x16384xf32, #tpu.memory_space<vmem>>, vector<4x128xf32>
    %swap3A_529 = arith.constant 176 : index
    %swap3A_530 = arith.constant 0 : index
    %swap3A_531 = vector.load %arg3[%swap3A_529, %swap3A_530] : memref<512x128xf32, #tpu.memory_space<vmem>>, vector<4x128xf32>
    tpu.vector_store %arg3[%swap3A_529, %swap3A_530], %get3A_528 {strides = array<i32>} : memref<512x128xf32, #tpu.memory_space<vmem>>, vector<4x128xf32>,
    %get3A_532 = arith.constant 0 : index
    %get3A_533 = arith.constant 5632 : index
    %get3A_534 = vector.load %arg2[%get3A_532, %get3A_533] : memref<4x16384xf32, #tpu.memory_space<vmem>>, vector<4x128xf32>
    %swap3A_535 = arith.constant 176 : index
    %swap3A_536 = arith.constant 0 : index
    %swap3A_537 = vector.load %arg4[%swap3A_535, %swap3A_536] : memref<512x128xf32, #tpu.memory_space<vmem>>, vector<4x128xf32>
    tpu.vector_store %arg4[%swap3A_535, %swap3A_536], %get3A_534 {strides = array<i32>} : memref<512x128xf32, #tpu.memory_space<vmem>>, vector<4x128xf32>,
    %get3A_538 = arith.constant 0 : index
    %get3A_539 = arith.constant 5760 : index
    %get3A_540 = vector.load %arg1[%get3A_538, %get3A_539] : memref<4x16384xf32, #tpu.memory_space<vmem>>, vector<4x128xf32>
    %swap3A_541 = arith.constant 180 : index
    %swap3A_542 = arith.constant 0 : index
    %swap3A_543 = vector.load %arg3[%swap3A_541, %swap3A_542] : memref<512x128xf32, #tpu.memory_space<vmem>>, vector<4x128xf32>
    tpu.vector_store %arg3[%swap3A_541, %swap3A_542], %get3A_540 {strides = array<i32>} : memref<512x128xf32, #tpu.memory_space<vmem>>, vector<4x128xf32>,
    %get3A_544 = arith.constant 0 : index
    %get3A_545 = arith.constant 5760 : index
    %get3A_546 = vector.load %arg2[%get3A_544, %get3A_545] : memref<4x16384xf32, #tpu.memory_space<vmem>>, vector<4x128xf32>
    %swap3A_547 = arith.constant 180 : index
    %swap3A_548 = arith.constant 0 : index
    %swap3A_549 = vector.load %arg4[%swap3A_547, %swap3A_548] : memref<512x128xf32, #tpu.memory_space<vmem>>, vector<4x128xf32>
    tpu.vector_store %arg4[%swap3A_547, %swap3A_548], %get3A_546 {strides = array<i32>} : memref<512x128xf32, #tpu.memory_space<vmem>>, vector<4x128xf32>,
    %get3A_550 = arith.constant 0 : index
    %get3A_551 = arith.constant 5888 : index
    %get3A_552 = vector.load %arg1[%get3A_550, %get3A_551] : memref<4x16384xf32, #tpu.memory_space<vmem>>, vector<4x128xf32>
    %swap3A_553 = arith.constant 184 : index
    %swap3A_554 = arith.constant 0 : index
    %swap3A_555 = vector.load %arg3[%swap3A_553, %swap3A_554] : memref<512x128xf32, #tpu.memory_space<vmem>>, vector<4x128xf32>
    tpu.vector_store %arg3[%swap3A_553, %swap3A_554], %get3A_552 {strides = array<i32>} : memref<512x128xf32, #tpu.memory_space<vmem>>, vector<4x128xf32>,
    %get3A_556 = arith.constant 0 : index
    %get3A_557 = arith.constant 5888 : index
    %get3A_558 = vector.load %arg2[%get3A_556, %get3A_557] : memref<4x16384xf32, #tpu.memory_space<vmem>>, vector<4x128xf32>
    %swap3A_559 = arith.constant 184 : index
    %swap3A_560 = arith.constant 0 : index
    %swap3A_561 = vector.load %arg4[%swap3A_559, %swap3A_560] : memref<512x128xf32, #tpu.memory_space<vmem>>, vector<4x128xf32>
    tpu.vector_store %arg4[%swap3A_559, %swap3A_560], %get3A_558 {strides = array<i32>} : memref<512x128xf32, #tpu.memory_space<vmem>>, vector<4x128xf32>,
    %get3A_562 = arith.constant 0 : index
    %get3A_563 = arith.constant 6016 : index
    %get3A_564 = vector.load %arg1[%get3A_562, %get3A_563] : memref<4x16384xf32, #tpu.memory_space<vmem>>, vector<4x128xf32>
    %swap3A_565 = arith.constant 188 : index
    %swap3A_566 = arith.constant 0 : index
    %swap3A_567 = vector.load %arg3[%swap3A_565, %swap3A_566] : memref<512x128xf32, #tpu.memory_space<vmem>>, vector<4x128xf32>
    tpu.vector_store %arg3[%swap3A_565, %swap3A_566], %get3A_564 {strides = array<i32>} : memref<512x128xf32, #tpu.memory_space<vmem>>, vector<4x128xf32>,
    %get3A_568 = arith.constant 0 : index
    %get3A_569 = arith.constant 6016 : index
    %get3A_570 = vector.load %arg2[%get3A_568, %get3A_569] : memref<4x16384xf32, #tpu.memory_space<vmem>>, vector<4x128xf32>
    %swap3A_571 = arith.constant 188 : index
    %swap3A_572 = arith.constant 0 : index
    %swap3A_573 = vector.load %arg4[%swap3A_571, %swap3A_572] : memref<512x128xf32, #tpu.memory_space<vmem>>, vector<4x128xf32>
    tpu.vector_store %arg4[%swap3A_571, %swap3A_572], %get3A_570 {strides = array<i32>} : memref<512x128xf32, #tpu.memory_space<vmem>>, vector<4x128xf32>,
    %get3A_574 = arith.constant 0 : index
    %get3A_575 = arith.constant 6144 : index
    %get3A_576 = vector.load %arg1[%get3A_574, %get3A_575] : memref<4x16384xf32, #tpu.memory_space<vmem>>, vector<4x128xf32>
    %swap3A_577 = arith.constant 192 : index
    %swap3A_578 = arith.constant 0 : index
    %swap3A_579 = vector.load %arg3[%swap3A_577, %swap3A_578] : memref<512x128xf32, #tpu.memory_space<vmem>>, vector<4x128xf32>
    tpu.vector_store %arg3[%swap3A_577, %swap3A_578], %get3A_576 {strides = array<i32>} : memref<512x128xf32, #tpu.memory_space<vmem>>, vector<4x128xf32>,
    %get3A_580 = arith.constant 0 : index
    %get3A_581 = arith.constant 6144 : index
    %get3A_582 = vector.load %arg2[%get3A_580, %get3A_581] : memref<4x16384xf32, #tpu.memory_space<vmem>>, vector<4x128xf32>
    %swap3A_583 = arith.constant 192 : index
    %swap3A_584 = arith.constant 0 : index
    %swap3A_585 = vector.load %arg4[%swap3A_583, %swap3A_584] : memref<512x128xf32, #tpu.memory_space<vmem>>, vector<4x128xf32>
    tpu.vector_store %arg4[%swap3A_583, %swap3A_584], %get3A_582 {strides = array<i32>} : memref<512x128xf32, #tpu.memory_space<vmem>>, vector<4x128xf32>,
    %get3A_586 = arith.constant 0 : index
    %get3A_587 = arith.constant 6272 : index
    %get3A_588 = vector.load %arg1[%get3A_586, %get3A_587] : memref<4x16384xf32, #tpu.memory_space<vmem>>, vector<4x128xf32>
    %swap3A_589 = arith.constant 196 : index
    %swap3A_590 = arith.constant 0 : index
    %swap3A_591 = vector.load %arg3[%swap3A_589, %swap3A_590] : memref<512x128xf32, #tpu.memory_space<vmem>>, vector<4x128xf32>
    tpu.vector_store %arg3[%swap3A_589, %swap3A_590], %get3A_588 {strides = array<i32>} : memref<512x128xf32, #tpu.memory_space<vmem>>, vector<4x128xf32>,
    %get3A_592 = arith.constant 0 : index
    %get3A_593 = arith.constant 6272 : index
    %get3A_594 = vector.load %arg2[%get3A_592, %get3A_593] : memref<4x16384xf32, #tpu.memory_space<vmem>>, vector<4x128xf32>
    %swap3A_595 = arith.constant 196 : index
    %swap3A_596 = arith.constant 0 : index
    %swap3A_597 = vector.load %arg4[%swap3A_595, %swap3A_596] : memref<512x128xf32, #tpu.memory_space<vmem>>, vector<4x128xf32>
    tpu.vector_store %arg4[%swap3A_595, %swap3A_596], %get3A_594 {strides = array<i32>} : memref<512x128xf32, #tpu.memory_space<vmem>>, vector<4x128xf32>,
    %get3A_598 = arith.constant 0 : index
    %get3A_599 = arith.constant 6400 : index
    %get3A_600 = vector.load %arg1[%get3A_598, %get3A_599] : memref<4x16384xf32, #tpu.memory_space<vmem>>, vector<4x128xf32>
    %swap3A_601 = arith.constant 200 : index
    %swap3A_602 = arith.constant 0 : index
    %swap3A_603 = vector.load %arg3[%swap3A_601, %swap3A_602] : memref<512x128xf32, #tpu.memory_space<vmem>>, vector<4x128xf32>
    tpu.vector_store %arg3[%swap3A_601, %swap3A_602], %get3A_600 {strides = array<i32>} : memref<512x128xf32, #tpu.memory_space<vmem>>, vector<4x128xf32>,
    %get3A_604 = arith.constant 0 : index
    %get3A_605 = arith.constant 6400 : index
    %get3A_606 = vector.load %arg2[%get3A_604, %get3A_605] : memref<4x16384xf32, #tpu.memory_space<vmem>>, vector<4x128xf32>
    %swap3A_607 = arith.constant 200 : index
    %swap3A_608 = arith.constant 0 : index
    %swap3A_609 = vector.load %arg4[%swap3A_607, %swap3A_608] : memref<512x128xf32, #tpu.memory_space<vmem>>, vector<4x128xf32>
    tpu.vector_store %arg4[%swap3A_607, %swap3A_608], %get3A_606 {strides = array<i32>} : memref<512x128xf32, #tpu.memory_space<vmem>>, vector<4x128xf32>,
    %get3A_610 = arith.constant 0 : index
    %get3A_611 = arith.constant 6528 : index
    %get3A_612 = vector.load %arg1[%get3A_610, %get3A_611] : memref<4x16384xf32, #tpu.memory_space<vmem>>, vector<4x128xf32>
    %swap3A_613 = arith.constant 204 : index
    %swap3A_614 = arith.constant 0 : index
    %swap3A_615 = vector.load %arg3[%swap3A_613, %swap3A_614] : memref<512x128xf32, #tpu.memory_space<vmem>>, vector<4x128xf32>
    tpu.vector_store %arg3[%swap3A_613, %swap3A_614], %get3A_612 {strides = array<i32>} : memref<512x128xf32, #tpu.memory_space<vmem>>, vector<4x128xf32>,
    %get3A_616 = arith.constant 0 : index
    %get3A_617 = arith.constant 6528 : index
    %get3A_618 = vector.load %arg2[%get3A_616, %get3A_617] : memref<4x16384xf32, #tpu.memory_space<vmem>>, vector<4x128xf32>
    %swap3A_619 = arith.constant 204 : index
    %swap3A_620 = arith.constant 0 : index
    %swap3A_621 = vector.load %arg4[%swap3A_619, %swap3A_620] : memref<512x128xf32, #tpu.memory_space<vmem>>, vector<4x128xf32>
    tpu.vector_store %arg4[%swap3A_619, %swap3A_620], %get3A_618 {strides = array<i32>} : memref<512x128xf32, #tpu.memory_space<vmem>>, vector<4x128xf32>,
    %get3A_622 = arith.constant 0 : index
    %get3A_623 = arith.constant 6656 : index
    %get3A_624 = vector.load %arg1[%get3A_622, %get3A_623] : memref<4x16384xf32, #tpu.memory_space<vmem>>, vector<4x128xf32>
    %swap3A_625 = arith.constant 208 : index
    %swap3A_626 = arith.constant 0 : index
    %swap3A_627 = vector.load %arg3[%swap3A_625, %swap3A_626] : memref<512x128xf32, #tpu.memory_space<vmem>>, vector<4x128xf32>
    tpu.vector_store %arg3[%swap3A_625, %swap3A_626], %get3A_624 {strides = array<i32>} : memref<512x128xf32, #tpu.memory_space<vmem>>, vector<4x128xf32>,
    %get3A_628 = arith.constant 0 : index
    %get3A_629 = arith.constant 6656 : index
    %get3A_630 = vector.load %arg2[%get3A_628, %get3A_629] : memref<4x16384xf32, #tpu.memory_space<vmem>>, vector<4x128xf32>
    %swap3A_631 = arith.constant 208 : index
    %swap3A_632 = arith.constant 0 : index
    %swap3A_633 = vector.load %arg4[%swap3A_631, %swap3A_632] : memref<512x128xf32, #tpu.memory_space<vmem>>, vector<4x128xf32>
    tpu.vector_store %arg4[%swap3A_631, %swap3A_632], %get3A_630 {strides = array<i32>} : memref<512x128xf32, #tpu.memory_space<vmem>>, vector<4x128xf32>,
    %get3A_634 = arith.constant 0 : index
    %get3A_635 = arith.constant 6784 : index
    %get3A_636 = vector.load %arg1[%get3A_634, %get3A_635] : memref<4x16384xf32, #tpu.memory_space<vmem>>, vector<4x128xf32>
    %swap3A_637 = arith.constant 212 : index
    %swap3A_638 = arith.constant 0 : index
    %swap3A_639 = vector.load %arg3[%swap3A_637, %swap3A_638] : memref<512x128xf32, #tpu.memory_space<vmem>>, vector<4x128xf32>
    tpu.vector_store %arg3[%swap3A_637, %swap3A_638], %get3A_636 {strides = array<i32>} : memref<512x128xf32, #tpu.memory_space<vmem>>, vector<4x128xf32>,
    %get3A_640 = arith.constant 0 : index
    %get3A_641 = arith.constant 6784 : index
    %get3A_642 = vector.load %arg2[%get3A_640, %get3A_641] : memref<4x16384xf32, #tpu.memory_space<vmem>>, vector<4x128xf32>
    %swap3A_643 = arith.constant 212 : index
    %swap3A_644 = arith.constant 0 : index
    %swap3A_645 = vector.load %arg4[%swap3A_643, %swap3A_644] : memref<512x128xf32, #tpu.memory_space<vmem>>, vector<4x128xf32>
    tpu.vector_store %arg4[%swap3A_643, %swap3A_644], %get3A_642 {strides = array<i32>} : memref<512x128xf32, #tpu.memory_space<vmem>>, vector<4x128xf32>,
    %get3A_646 = arith.constant 0 : index
    %get3A_647 = arith.constant 6912 : index
    %get3A_648 = vector.load %arg1[%get3A_646, %get3A_647] : memref<4x16384xf32, #tpu.memory_space<vmem>>, vector<4x128xf32>
    %swap3A_649 = arith.constant 216 : index
    %swap3A_650 = arith.constant 0 : index
    %swap3A_651 = vector.load %arg3[%swap3A_649, %swap3A_650] : memref<512x128xf32, #tpu.memory_space<vmem>>, vector<4x128xf32>
    tpu.vector_store %arg3[%swap3A_649, %swap3A_650], %get3A_648 {strides = array<i32>} : memref<512x128xf32, #tpu.memory_space<vmem>>, vector<4x128xf32>,
    %get3A_652 = arith.constant 0 : index
    %get3A_653 = arith.constant 6912 : index
    %get3A_654 = vector.load %arg2[%get3A_652, %get3A_653] : memref<4x16384xf32, #tpu.memory_space<vmem>>, vector<4x128xf32>
    %swap3A_655 = arith.constant 216 : index
    %swap3A_656 = arith.constant 0 : index
    %swap3A_657 = vector.load %arg4[%swap3A_655, %swap3A_656] : memref<512x128xf32, #tpu.memory_space<vmem>>, vector<4x128xf32>
    tpu.vector_store %arg4[%swap3A_655, %swap3A_656], %get3A_654 {strides = array<i32>} : memref<512x128xf32, #tpu.memory_space<vmem>>, vector<4x128xf32>,
    %get3A_658 = arith.constant 0 : index
    %get3A_659 = arith.constant 7040 : index
    %get3A_660 = vector.load %arg1[%get3A_658, %get3A_659] : memref<4x16384xf32, #tpu.memory_space<vmem>>, vector<4x128xf32>
    %swap3A_661 = arith.constant 220 : index
    %swap3A_662 = arith.constant 0 : index
    %swap3A_663 = vector.load %arg3[%swap3A_661, %swap3A_662] : memref<512x128xf32, #tpu.memory_space<vmem>>, vector<4x128xf32>
    tpu.vector_store %arg3[%swap3A_661, %swap3A_662], %get3A_660 {strides = array<i32>} : memref<512x128xf32, #tpu.memory_space<vmem>>, vector<4x128xf32>,
    %get3A_664 = arith.constant 0 : index
    %get3A_665 = arith.constant 7040 : index
    %get3A_666 = vector.load %arg2[%get3A_664, %get3A_665] : memref<4x16384xf32, #tpu.memory_space<vmem>>, vector<4x128xf32>
    %swap3A_667 = arith.constant 220 : index
    %swap3A_668 = arith.constant 0 : index
    %swap3A_669 = vector.load %arg4[%swap3A_667, %swap3A_668] : memref<512x128xf32, #tpu.memory_space<vmem>>, vector<4x128xf32>
    tpu.vector_store %arg4[%swap3A_667, %swap3A_668], %get3A_666 {strides = array<i32>} : memref<512x128xf32, #tpu.memory_space<vmem>>, vector<4x128xf32>,
    %get3A_670 = arith.constant 0 : index
    %get3A_671 = arith.constant 7168 : index
    %get3A_672 = vector.load %arg1[%get3A_670, %get3A_671] : memref<4x16384xf32, #tpu.memory_space<vmem>>, vector<4x128xf32>
    %swap3A_673 = arith.constant 224 : index
    %swap3A_674 = arith.constant 0 : index
    %swap3A_675 = vector.load %arg3[%swap3A_673, %swap3A_674] : memref<512x128xf32, #tpu.memory_space<vmem>>, vector<4x128xf32>
    tpu.vector_store %arg3[%swap3A_673, %swap3A_674], %get3A_672 {strides = array<i32>} : memref<512x128xf32, #tpu.memory_space<vmem>>, vector<4x128xf32>,
    %get3A_676 = arith.constant 0 : index
    %get3A_677 = arith.constant 7168 : index
    %get3A_678 = vector.load %arg2[%get3A_676, %get3A_677] : memref<4x16384xf32, #tpu.memory_space<vmem>>, vector<4x128xf32>
    %swap3A_679 = arith.constant 224 : index
    %swap3A_680 = arith.constant 0 : index
    %swap3A_681 = vector.load %arg4[%swap3A_679, %swap3A_680] : memref<512x128xf32, #tpu.memory_space<vmem>>, vector<4x128xf32>
    tpu.vector_store %arg4[%swap3A_679, %swap3A_680], %get3A_678 {strides = array<i32>} : memref<512x128xf32, #tpu.memory_space<vmem>>, vector<4x128xf32>,
    %get3A_682 = arith.constant 0 : index
    %get3A_683 = arith.constant 7296 : index
    %get3A_684 = vector.load %arg1[%get3A_682, %get3A_683] : memref<4x16384xf32, #tpu.memory_space<vmem>>, vector<4x128xf32>
    %swap3A_685 = arith.constant 228 : index
    %swap3A_686 = arith.constant 0 : index
    %swap3A_687 = vector.load %arg3[%swap3A_685, %swap3A_686] : memref<512x128xf32, #tpu.memory_space<vmem>>, vector<4x128xf32>
    tpu.vector_store %arg3[%swap3A_685, %swap3A_686], %get3A_684 {strides = array<i32>} : memref<512x128xf32, #tpu.memory_space<vmem>>, vector<4x128xf32>,
    %get3A_688 = arith.constant 0 : index
    %get3A_689 = arith.constant 7296 : index
    %get3A_690 = vector.load %arg2[%get3A_688, %get3A_689] : memref<4x16384xf32, #tpu.memory_space<vmem>>, vector<4x128xf32>
    %swap3A_691 = arith.constant 228 : index
    %swap3A_692 = arith.constant 0 : index
    %swap3A_693 = vector.load %arg4[%swap3A_691, %swap3A_692] : memref<512x128xf32, #tpu.memory_space<vmem>>, vector<4x128xf32>
    tpu.vector_store %arg4[%swap3A_691, %swap3A_692], %get3A_690 {strides = array<i32>} : memref<512x128xf32, #tpu.memory_space<vmem>>, vector<4x128xf32>,
    %get3A_694 = arith.constant 0 : index
    %get3A_695 = arith.constant 7424 : index
    %get3A_696 = vector.load %arg1[%get3A_694, %get3A_695] : memref<4x16384xf32, #tpu.memory_space<vmem>>, vector<4x128xf32>
    %swap3A_697 = arith.constant 232 : index
    %swap3A_698 = arith.constant 0 : index
    %swap3A_699 = vector.load %arg3[%swap3A_697, %swap3A_698] : memref<512x128xf32, #tpu.memory_space<vmem>>, vector<4x128xf32>
    tpu.vector_store %arg3[%swap3A_697, %swap3A_698], %get3A_696 {strides = array<i32>} : memref<512x128xf32, #tpu.memory_space<vmem>>, vector<4x128xf32>,
    %get3A_700 = arith.constant 0 : index
    %get3A_701 = arith.constant 7424 : index
    %get3A_702 = vector.load %arg2[%get3A_700, %get3A_701] : memref<4x16384xf32, #tpu.memory_space<vmem>>, vector<4x128xf32>
    %swap3A_703 = arith.constant 232 : index
    %swap3A_704 = arith.constant 0 : index
    %swap3A_705 = vector.load %arg4[%swap3A_703, %swap3A_704] : memref<512x128xf32, #tpu.memory_space<vmem>>, vector<4x128xf32>
    tpu.vector_store %arg4[%swap3A_703, %swap3A_704], %get3A_702 {strides = array<i32>} : memref<512x128xf32, #tpu.memory_space<vmem>>, vector<4x128xf32>,
    %get3A_706 = arith.constant 0 : index
    %get3A_707 = arith.constant 7552 : index
    %get3A_708 = vector.load %arg1[%get3A_706, %get3A_707] : memref<4x16384xf32, #tpu.memory_space<vmem>>, vector<4x128xf32>
    %swap3A_709 = arith.constant 236 : index
    %swap3A_710 = arith.constant 0 : index
    %swap3A_711 = vector.load %arg3[%swap3A_709, %swap3A_710] : memref<512x128xf32, #tpu.memory_space<vmem>>, vector<4x128xf32>
    tpu.vector_store %arg3[%swap3A_709, %swap3A_710], %get3A_708 {strides = array<i32>} : memref<512x128xf32, #tpu.memory_space<vmem>>, vector<4x128xf32>,
    %get3A_712 = arith.constant 0 : index
    %get3A_713 = arith.constant 7552 : index
    %get3A_714 = vector.load %arg2[%get3A_712, %get3A_713] : memref<4x16384xf32, #tpu.memory_space<vmem>>, vector<4x128xf32>
    %swap3A_715 = arith.constant 236 : index
    %swap3A_716 = arith.constant 0 : index
    %swap3A_717 = vector.load %arg4[%swap3A_715, %swap3A_716] : memref<512x128xf32, #tpu.memory_space<vmem>>, vector<4x128xf32>
    tpu.vector_store %arg4[%swap3A_715, %swap3A_716], %get3A_714 {strides = array<i32>} : memref<512x128xf32, #tpu.memory_space<vmem>>, vector<4x128xf32>,
    %get3A_718 = arith.constant 0 : index
    %get3A_719 = arith.constant 7680 : index
    %get3A_720 = vector.load %arg1[%get3A_718, %get3A_719] : memref<4x16384xf32, #tpu.memory_space<vmem>>, vector<4x128xf32>
    %swap3A_721 = arith.constant 240 : index
    %swap3A_722 = arith.constant 0 : index
    %swap3A_723 = vector.load %arg3[%swap3A_721, %swap3A_722] : memref<512x128xf32, #tpu.memory_space<vmem>>, vector<4x128xf32>
    tpu.vector_store %arg3[%swap3A_721, %swap3A_722], %get3A_720 {strides = array<i32>} : memref<512x128xf32, #tpu.memory_space<vmem>>, vector<4x128xf32>,
    %get3A_724 = arith.constant 0 : index
    %get3A_725 = arith.constant 7680 : index
    %get3A_726 = vector.load %arg2[%get3A_724, %get3A_725] : memref<4x16384xf32, #tpu.memory_space<vmem>>, vector<4x128xf32>
    %swap3A_727 = arith.constant 240 : index
    %swap3A_728 = arith.constant 0 : index
    %swap3A_729 = vector.load %arg4[%swap3A_727, %swap3A_728] : memref<512x128xf32, #tpu.memory_space<vmem>>, vector<4x128xf32>
    tpu.vector_store %arg4[%swap3A_727, %swap3A_728], %get3A_726 {strides = array<i32>} : memref<512x128xf32, #tpu.memory_space<vmem>>, vector<4x128xf32>,
    %get3A_730 = arith.constant 0 : index
    %get3A_731 = arith.constant 7808 : index
    %get3A_732 = vector.load %arg1[%get3A_730, %get3A_731] : memref<4x16384xf32, #tpu.memory_space<vmem>>, vector<4x128xf32>
    %swap3A_733 = arith.constant 244 : index
    %swap3A_734 = arith.constant 0 : index
    %swap3A_735 = vector.load %arg3[%swap3A_733, %swap3A_734] : memref<512x128xf32, #tpu.memory_space<vmem>>, vector<4x128xf32>
    tpu.vector_store %arg3[%swap3A_733, %swap3A_734], %get3A_732 {strides = array<i32>} : memref<512x128xf32, #tpu.memory_space<vmem>>, vector<4x128xf32>,
    %get3A_736 = arith.constant 0 : index
    %get3A_737 = arith.constant 7808 : index
    %get3A_738 = vector.load %arg2[%get3A_736, %get3A_737] : memref<4x16384xf32, #tpu.memory_space<vmem>>, vector<4x128xf32>
    %swap3A_739 = arith.constant 244 : index
    %swap3A_740 = arith.constant 0 : index
    %swap3A_741 = vector.load %arg4[%swap3A_739, %swap3A_740] : memref<512x128xf32, #tpu.memory_space<vmem>>, vector<4x128xf32>
    tpu.vector_store %arg4[%swap3A_739, %swap3A_740], %get3A_738 {strides = array<i32>} : memref<512x128xf32, #tpu.memory_space<vmem>>, vector<4x128xf32>,
    %get3A_742 = arith.constant 0 : index
    %get3A_743 = arith.constant 7936 : index
    %get3A_744 = vector.load %arg1[%get3A_742, %get3A_743] : memref<4x16384xf32, #tpu.memory_space<vmem>>, vector<4x128xf32>
    %swap3A_745 = arith.constant 248 : index
    %swap3A_746 = arith.constant 0 : index
    %swap3A_747 = vector.load %arg3[%swap3A_745, %swap3A_746] : memref<512x128xf32, #tpu.memory_space<vmem>>, vector<4x128xf32>
    tpu.vector_store %arg3[%swap3A_745, %swap3A_746], %get3A_744 {strides = array<i32>} : memref<512x128xf32, #tpu.memory_space<vmem>>, vector<4x128xf32>,
    %get3A_748 = arith.constant 0 : index
    %get3A_749 = arith.constant 7936 : index
    %get3A_750 = vector.load %arg2[%get3A_748, %get3A_749] : memref<4x16384xf32, #tpu.memory_space<vmem>>, vector<4x128xf32>
    %swap3A_751 = arith.constant 248 : index
    %swap3A_752 = arith.constant 0 : index
    %swap3A_753 = vector.load %arg4[%swap3A_751, %swap3A_752] : memref<512x128xf32, #tpu.memory_space<vmem>>, vector<4x128xf32>
    tpu.vector_store %arg4[%swap3A_751, %swap3A_752], %get3A_750 {strides = array<i32>} : memref<512x128xf32, #tpu.memory_space<vmem>>, vector<4x128xf32>,
    %get3A_754 = arith.constant 0 : index
    %get3A_755 = arith.constant 8064 : index
    %get3A_756 = vector.load %arg1[%get3A_754, %get3A_755] : memref<4x16384xf32, #tpu.memory_space<vmem>>, vector<4x128xf32>
    %swap3A_757 = arith.constant 252 : index
    %swap3A_758 = arith.constant 0 : index
    %swap3A_759 = vector.load %arg3[%swap3A_757, %swap3A_758] : memref<512x128xf32, #tpu.memory_space<vmem>>, vector<4x128xf32>
    tpu.vector_store %arg3[%swap3A_757, %swap3A_758], %get3A_756 {strides = array<i32>} : memref<512x128xf32, #tpu.memory_space<vmem>>, vector<4x128xf32>,
    %get3A_760 = arith.constant 0 : index
    %get3A_761 = arith.constant 8064 : index
    %get3A_762 = vector.load %arg2[%get3A_760, %get3A_761] : memref<4x16384xf32, #tpu.memory_space<vmem>>, vector<4x128xf32>
    %swap3A_763 = arith.constant 252 : index
    %swap3A_764 = arith.constant 0 : index
    %swap3A_765 = vector.load %arg4[%swap3A_763, %swap3A_764] : memref<512x128xf32, #tpu.memory_space<vmem>>, vector<4x128xf32>
    tpu.vector_store %arg4[%swap3A_763, %swap3A_764], %get3A_762 {strides = array<i32>} : memref<512x128xf32, #tpu.memory_space<vmem>>, vector<4x128xf32>,
    %get3A_766 = arith.constant 0 : index
    %get3A_767 = arith.constant 8192 : index
    %get3A_768 = vector.load %arg1[%get3A_766, %get3A_767] : memref<4x16384xf32, #tpu.memory_space<vmem>>, vector<4x128xf32>
    %swap3A_769 = arith.constant 256 : index
    %swap3A_770 = arith.constant 0 : index
    %swap3A_771 = vector.load %arg3[%swap3A_769, %swap3A_770] : memref<512x128xf32, #tpu.memory_space<vmem>>, vector<4x128xf32>
    tpu.vector_store %arg3[%swap3A_769, %swap3A_770], %get3A_768 {strides = array<i32>} : memref<512x128xf32, #tpu.memory_space<vmem>>, vector<4x128xf32>,
    %get3A_772 = arith.constant 0 : index
    %get3A_773 = arith.constant 8192 : index
    %get3A_774 = vector.load %arg2[%get3A_772, %get3A_773] : memref<4x16384xf32, #tpu.memory_space<vmem>>, vector<4x128xf32>
    %swap3A_775 = arith.constant 256 : index
    %swap3A_776 = arith.constant 0 : index
    %swap3A_777 = vector.load %arg4[%swap3A_775, %swap3A_776] : memref<512x128xf32, #tpu.memory_space<vmem>>, vector<4x128xf32>
    tpu.vector_store %arg4[%swap3A_775, %swap3A_776], %get3A_774 {strides = array<i32>} : memref<512x128xf32, #tpu.memory_space<vmem>>, vector<4x128xf32>,
    %get3A_778 = arith.constant 0 : index
    %get3A_779 = arith.constant 8320 : index
    %get3A_780 = vector.load %arg1[%get3A_778, %get3A_779] : memref<4x16384xf32, #tpu.memory_space<vmem>>, vector<4x128xf32>
    %swap3A_781 = arith.constant 260 : index
    %swap3A_782 = arith.constant 0 : index
    %swap3A_783 = vector.load %arg3[%swap3A_781, %swap3A_782] : memref<512x128xf32, #tpu.memory_space<vmem>>, vector<4x128xf32>
    tpu.vector_store %arg3[%swap3A_781, %swap3A_782], %get3A_780 {strides = array<i32>} : memref<512x128xf32, #tpu.memory_space<vmem>>, vector<4x128xf32>,
    %get3A_784 = arith.constant 0 : index
    %get3A_785 = arith.constant 8320 : index
    %get3A_786 = vector.load %arg2[%get3A_784, %get3A_785] : memref<4x16384xf32, #tpu.memory_space<vmem>>, vector<4x128xf32>
    %swap3A_787 = arith.constant 260 : index
    %swap3A_788 = arith.constant 0 : index
    %swap3A_789 = vector.load %arg4[%swap3A_787, %swap3A_788] : memref<512x128xf32, #tpu.memory_space<vmem>>, vector<4x128xf32>
    tpu.vector_store %arg4[%swap3A_787, %swap3A_788], %get3A_786 {strides = array<i32>} : memref<512x128xf32, #tpu.memory_space<vmem>>, vector<4x128xf32>,
    %get3A_790 = arith.constant 0 : index
    %get3A_791 = arith.constant 8448 : index
    %get3A_792 = vector.load %arg1[%get3A_790, %get3A_791] : memref<4x16384xf32, #tpu.memory_space<vmem>>, vector<4x128xf32>
    %swap3A_793 = arith.constant 264 : index
    %swap3A_794 = arith.constant 0 : index
    %swap3A_795 = vector.load %arg3[%swap3A_793, %swap3A_794] : memref<512x128xf32, #tpu.memory_space<vmem>>, vector<4x128xf32>
    tpu.vector_store %arg3[%swap3A_793, %swap3A_794], %get3A_792 {strides = array<i32>} : memref<512x128xf32, #tpu.memory_space<vmem>>, vector<4x128xf32>,
    %get3A_796 = arith.constant 0 : index
    %get3A_797 = arith.constant 8448 : index
    %get3A_798 = vector.load %arg2[%get3A_796, %get3A_797] : memref<4x16384xf32, #tpu.memory_space<vmem>>, vector<4x128xf32>
    %swap3A_799 = arith.constant 264 : index
    %swap3A_800 = arith.constant 0 : index
    %swap3A_801 = vector.load %arg4[%swap3A_799, %swap3A_800] : memref<512x128xf32, #tpu.memory_space<vmem>>, vector<4x128xf32>
    tpu.vector_store %arg4[%swap3A_799, %swap3A_800], %get3A_798 {strides = array<i32>} : memref<512x128xf32, #tpu.memory_space<vmem>>, vector<4x128xf32>,
    %get3A_802 = arith.constant 0 : index
    %get3A_803 = arith.constant 8576 : index
    %get3A_804 = vector.load %arg1[%get3A_802, %get3A_803] : memref<4x16384xf32, #tpu.memory_space<vmem>>, vector<4x128xf32>
    %swap3A_805 = arith.constant 268 : index
    %swap3A_806 = arith.constant 0 : index
    %swap3A_807 = vector.load %arg3[%swap3A_805, %swap3A_806] : memref<512x128xf32, #tpu.memory_space<vmem>>, vector<4x128xf32>
    tpu.vector_store %arg3[%swap3A_805, %swap3A_806], %get3A_804 {strides = array<i32>} : memref<512x128xf32, #tpu.memory_space<vmem>>, vector<4x128xf32>,
    %get3A_808 = arith.constant 0 : index
    %get3A_809 = arith.constant 8576 : index
    %get3A_810 = vector.load %arg2[%get3A_808, %get3A_809] : memref<4x16384xf32, #tpu.memory_space<vmem>>, vector<4x128xf32>
    %swap3A_811 = arith.constant 268 : index
    %swap3A_812 = arith.constant 0 : index
    %swap3A_813 = vector.load %arg4[%swap3A_811, %swap3A_812] : memref<512x128xf32, #tpu.memory_space<vmem>>, vector<4x128xf32>
    tpu.vector_store %arg4[%swap3A_811, %swap3A_812], %get3A_810 {strides = array<i32>} : memref<512x128xf32, #tpu.memory_space<vmem>>, vector<4x128xf32>,
    %get3A_814 = arith.constant 0 : index
    %get3A_815 = arith.constant 8704 : index
    %get3A_816 = vector.load %arg1[%get3A_814, %get3A_815] : memref<4x16384xf32, #tpu.memory_space<vmem>>, vector<4x128xf32>
    %swap3A_817 = arith.constant 272 : index
    %swap3A_818 = arith.constant 0 : index
    %swap3A_819 = vector.load %arg3[%swap3A_817, %swap3A_818] : memref<512x128xf32, #tpu.memory_space<vmem>>, vector<4x128xf32>
    tpu.vector_store %arg3[%swap3A_817, %swap3A_818], %get3A_816 {strides = array<i32>} : memref<512x128xf32, #tpu.memory_space<vmem>>, vector<4x128xf32>,
    %get3A_820 = arith.constant 0 : index
    %get3A_821 = arith.constant 8704 : index
    %get3A_822 = vector.load %arg2[%get3A_820, %get3A_821] : memref<4x16384xf32, #tpu.memory_space<vmem>>, vector<4x128xf32>
    %swap3A_823 = arith.constant 272 : index
    %swap3A_824 = arith.constant 0 : index
    %swap3A_825 = vector.load %arg4[%swap3A_823, %swap3A_824] : memref<512x128xf32, #tpu.memory_space<vmem>>, vector<4x128xf32>
    tpu.vector_store %arg4[%swap3A_823, %swap3A_824], %get3A_822 {strides = array<i32>} : memref<512x128xf32, #tpu.memory_space<vmem>>, vector<4x128xf32>,
    %get3A_826 = arith.constant 0 : index
    %get3A_827 = arith.constant 8832 : index
    %get3A_828 = vector.load %arg1[%get3A_826, %get3A_827] : memref<4x16384xf32, #tpu.memory_space<vmem>>, vector<4x128xf32>
    %swap3A_829 = arith.constant 276 : index
    %swap3A_830 = arith.constant 0 : index
    %swap3A_831 = vector.load %arg3[%swap3A_829, %swap3A_830] : memref<512x128xf32, #tpu.memory_space<vmem>>, vector<4x128xf32>
    tpu.vector_store %arg3[%swap3A_829, %swap3A_830], %get3A_828 {strides = array<i32>} : memref<512x128xf32, #tpu.memory_space<vmem>>, vector<4x128xf32>,
    %get3A_832 = arith.constant 0 : index
    %get3A_833 = arith.constant 8832 : index
    %get3A_834 = vector.load %arg2[%get3A_832, %get3A_833] : memref<4x16384xf32, #tpu.memory_space<vmem>>, vector<4x128xf32>
    %swap3A_835 = arith.constant 276 : index
    %swap3A_836 = arith.constant 0 : index
    %swap3A_837 = vector.load %arg4[%swap3A_835, %swap3A_836] : memref<512x128xf32, #tpu.memory_space<vmem>>, vector<4x128xf32>
    tpu.vector_store %arg4[%swap3A_835, %swap3A_836], %get3A_834 {strides = array<i32>} : memref<512x128xf32, #tpu.memory_space<vmem>>, vector<4x128xf32>,
    %get3A_838 = arith.constant 0 : index
    %get3A_839 = arith.constant 8960 : index
    %get3A_840 = vector.load %arg1[%get3A_838, %get3A_839] : memref<4x16384xf32, #tpu.memory_space<vmem>>, vector<4x128xf32>
    %swap3A_841 = arith.constant 280 : index
    %swap3A_842 = arith.constant 0 : index
    %swap3A_843 = vector.load %arg3[%swap3A_841, %swap3A_842] : memref<512x128xf32, #tpu.memory_space<vmem>>, vector<4x128xf32>
    tpu.vector_store %arg3[%swap3A_841, %swap3A_842], %get3A_840 {strides = array<i32>} : memref<512x128xf32, #tpu.memory_space<vmem>>, vector<4x128xf32>,
    %get3A_844 = arith.constant 0 : index
    %get3A_845 = arith.constant 8960 : index
    %get3A_846 = vector.load %arg2[%get3A_844, %get3A_845] : memref<4x16384xf32, #tpu.memory_space<vmem>>, vector<4x128xf32>
    %swap3A_847 = arith.constant 280 : index
    %swap3A_848 = arith.constant 0 : index
    %swap3A_849 = vector.load %arg4[%swap3A_847, %swap3A_848] : memref<512x128xf32, #tpu.memory_space<vmem>>, vector<4x128xf32>
    tpu.vector_store %arg4[%swap3A_847, %swap3A_848], %get3A_846 {strides = array<i32>} : memref<512x128xf32, #tpu.memory_space<vmem>>, vector<4x128xf32>,
    %get3A_850 = arith.constant 0 : index
    %get3A_851 = arith.constant 9088 : index
    %get3A_852 = vector.load %arg1[%get3A_850, %get3A_851] : memref<4x16384xf32, #tpu.memory_space<vmem>>, vector<4x128xf32>
    %swap3A_853 = arith.constant 284 : index
    %swap3A_854 = arith.constant 0 : index
    %swap3A_855 = vector.load %arg3[%swap3A_853, %swap3A_854] : memref<512x128xf32, #tpu.memory_space<vmem>>, vector<4x128xf32>
    tpu.vector_store %arg3[%swap3A_853, %swap3A_854], %get3A_852 {strides = array<i32>} : memref<512x128xf32, #tpu.memory_space<vmem>>, vector<4x128xf32>,
    %get3A_856 = arith.constant 0 : index
    %get3A_857 = arith.constant 9088 : index
    %get3A_858 = vector.load %arg2[%get3A_856, %get3A_857] : memref<4x16384xf32, #tpu.memory_space<vmem>>, vector<4x128xf32>
    %swap3A_859 = arith.constant 284 : index
    %swap3A_860 = arith.constant 0 : index
    %swap3A_861 = vector.load %arg4[%swap3A_859, %swap3A_860] : memref<512x128xf32, #tpu.memory_space<vmem>>, vector<4x128xf32>
    tpu.vector_store %arg4[%swap3A_859, %swap3A_860], %get3A_858 {strides = array<i32>} : memref<512x128xf32, #tpu.memory_space<vmem>>, vector<4x128xf32>,
    %get3A_862 = arith.constant 0 : index
    %get3A_863 = arith.constant 9216 : index
    %get3A_864 = vector.load %arg1[%get3A_862, %get3A_863] : memref<4x16384xf32, #tpu.memory_space<vmem>>, vector<4x128xf32>
    %swap3A_865 = arith.constant 288 : index
    %swap3A_866 = arith.constant 0 : index
    %swap3A_867 = vector.load %arg3[%swap3A_865, %swap3A_866] : memref<512x128xf32, #tpu.memory_space<vmem>>, vector<4x128xf32>
    tpu.vector_store %arg3[%swap3A_865, %swap3A_866], %get3A_864 {strides = array<i32>} : memref<512x128xf32, #tpu.memory_space<vmem>>, vector<4x128xf32>,
    %get3A_868 = arith.constant 0 : index
    %get3A_869 = arith.constant 9216 : index
    %get3A_870 = vector.load %arg2[%get3A_868, %get3A_869] : memref<4x16384xf32, #tpu.memory_space<vmem>>, vector<4x128xf32>
    %swap3A_871 = arith.constant 288 : index
    %swap3A_872 = arith.constant 0 : index
    %swap3A_873 = vector.load %arg4[%swap3A_871, %swap3A_872] : memref<512x128xf32, #tpu.memory_space<vmem>>, vector<4x128xf32>
    tpu.vector_store %arg4[%swap3A_871, %swap3A_872], %get3A_870 {strides = array<i32>} : memref<512x128xf32, #tpu.memory_space<vmem>>, vector<4x128xf32>,
    %get3A_874 = arith.constant 0 : index
    %get3A_875 = arith.constant 9344 : index
    %get3A_876 = vector.load %arg1[%get3A_874, %get3A_875] : memref<4x16384xf32, #tpu.memory_space<vmem>>, vector<4x128xf32>
    %swap3A_877 = arith.constant 292 : index
    %swap3A_878 = arith.constant 0 : index
    %swap3A_879 = vector.load %arg3[%swap3A_877, %swap3A_878] : memref<512x128xf32, #tpu.memory_space<vmem>>, vector<4x128xf32>
    tpu.vector_store %arg3[%swap3A_877, %swap3A_878], %get3A_876 {strides = array<i32>} : memref<512x128xf32, #tpu.memory_space<vmem>>, vector<4x128xf32>,
    %get3A_880 = arith.constant 0 : index
    %get3A_881 = arith.constant 9344 : index
    %get3A_882 = vector.load %arg2[%get3A_880, %get3A_881] : memref<4x16384xf32, #tpu.memory_space<vmem>>, vector<4x128xf32>
    %swap3A_883 = arith.constant 292 : index
    %swap3A_884 = arith.constant 0 : index
    %swap3A_885 = vector.load %arg4[%swap3A_883, %swap3A_884] : memref<512x128xf32, #tpu.memory_space<vmem>>, vector<4x128xf32>
    tpu.vector_store %arg4[%swap3A_883, %swap3A_884], %get3A_882 {strides = array<i32>} : memref<512x128xf32, #tpu.memory_space<vmem>>, vector<4x128xf32>,
    %get3A_886 = arith.constant 0 : index
    %get3A_887 = arith.constant 9472 : index
    %get3A_888 = vector.load %arg1[%get3A_886, %get3A_887] : memref<4x16384xf32, #tpu.memory_space<vmem>>, vector<4x128xf32>
    %swap3A_889 = arith.constant 296 : index
    %swap3A_890 = arith.constant 0 : index
    %swap3A_891 = vector.load %arg3[%swap3A_889, %swap3A_890] : memref<512x128xf32, #tpu.memory_space<vmem>>, vector<4x128xf32>
    tpu.vector_store %arg3[%swap3A_889, %swap3A_890], %get3A_888 {strides = array<i32>} : memref<512x128xf32, #tpu.memory_space<vmem>>, vector<4x128xf32>,
    %get3A_892 = arith.constant 0 : index
    %get3A_893 = arith.constant 9472 : index
    %get3A_894 = vector.load %arg2[%get3A_892, %get3A_893] : memref<4x16384xf32, #tpu.memory_space<vmem>>, vector<4x128xf32>
    %swap3A_895 = arith.constant 296 : index
    %swap3A_896 = arith.constant 0 : index
    %swap3A_897 = vector.load %arg4[%swap3A_895, %swap3A_896] : memref<512x128xf32, #tpu.memory_space<vmem>>, vector<4x128xf32>
    tpu.vector_store %arg4[%swap3A_895, %swap3A_896], %get3A_894 {strides = array<i32>} : memref<512x128xf32, #tpu.memory_space<vmem>>, vector<4x128xf32>,
    %get3A_898 = arith.constant 0 : index
    %get3A_899 = arith.constant 9600 : index
    %get3A_900 = vector.load %arg1[%get3A_898, %get3A_899] : memref<4x16384xf32, #tpu.memory_space<vmem>>, vector<4x128xf32>
    %swap3A_901 = arith.constant 300 : index
    %swap3A_902 = arith.constant 0 : index
    %swap3A_903 = vector.load %arg3[%swap3A_901, %swap3A_902] : memref<512x128xf32, #tpu.memory_space<vmem>>, vector<4x128xf32>
    tpu.vector_store %arg3[%swap3A_901, %swap3A_902], %get3A_900 {strides = array<i32>} : memref<512x128xf32, #tpu.memory_space<vmem>>, vector<4x128xf32>,
    %get3A_904 = arith.constant 0 : index
    %get3A_905 = arith.constant 9600 : index
    %get3A_906 = vector.load %arg2[%get3A_904, %get3A_905] : memref<4x16384xf32, #tpu.memory_space<vmem>>, vector<4x128xf32>
    %swap3A_907 = arith.constant 300 : index
    %swap3A_908 = arith.constant 0 : index
    %swap3A_909 = vector.load %arg4[%swap3A_907, %swap3A_908] : memref<512x128xf32, #tpu.memory_space<vmem>>, vector<4x128xf32>
    tpu.vector_store %arg4[%swap3A_907, %swap3A_908], %get3A_906 {strides = array<i32>} : memref<512x128xf32, #tpu.memory_space<vmem>>, vector<4x128xf32>,
    %get3A_910 = arith.constant 0 : index
    %get3A_911 = arith.constant 9728 : index
    %get3A_912 = vector.load %arg1[%get3A_910, %get3A_911] : memref<4x16384xf32, #tpu.memory_space<vmem>>, vector<4x128xf32>
    %swap3A_913 = arith.constant 304 : index
    %swap3A_914 = arith.constant 0 : index
    %swap3A_915 = vector.load %arg3[%swap3A_913, %swap3A_914] : memref<512x128xf32, #tpu.memory_space<vmem>>, vector<4x128xf32>
    tpu.vector_store %arg3[%swap3A_913, %swap3A_914], %get3A_912 {strides = array<i32>} : memref<512x128xf32, #tpu.memory_space<vmem>>, vector<4x128xf32>,
    %get3A_916 = arith.constant 0 : index
    %get3A_917 = arith.constant 9728 : index
    %get3A_918 = vector.load %arg2[%get3A_916, %get3A_917] : memref<4x16384xf32, #tpu.memory_space<vmem>>, vector<4x128xf32>
    %swap3A_919 = arith.constant 304 : index
    %swap3A_920 = arith.constant 0 : index
    %swap3A_921 = vector.load %arg4[%swap3A_919, %swap3A_920] : memref<512x128xf32, #tpu.memory_space<vmem>>, vector<4x128xf32>
    tpu.vector_store %arg4[%swap3A_919, %swap3A_920], %get3A_918 {strides = array<i32>} : memref<512x128xf32, #tpu.memory_space<vmem>>, vector<4x128xf32>,
    %get3A_922 = arith.constant 0 : index
    %get3A_923 = arith.constant 9856 : index
    %get3A_924 = vector.load %arg1[%get3A_922, %get3A_923] : memref<4x16384xf32, #tpu.memory_space<vmem>>, vector<4x128xf32>
    %swap3A_925 = arith.constant 308 : index
    %swap3A_926 = arith.constant 0 : index
    %swap3A_927 = vector.load %arg3[%swap3A_925, %swap3A_926] : memref<512x128xf32, #tpu.memory_space<vmem>>, vector<4x128xf32>
    tpu.vector_store %arg3[%swap3A_925, %swap3A_926], %get3A_924 {strides = array<i32>} : memref<512x128xf32, #tpu.memory_space<vmem>>, vector<4x128xf32>,
    %get3A_928 = arith.constant 0 : index
    %get3A_929 = arith.constant 9856 : index
    %get3A_930 = vector.load %arg2[%get3A_928, %get3A_929] : memref<4x16384xf32, #tpu.memory_space<vmem>>, vector<4x128xf32>
    %swap3A_931 = arith.constant 308 : index
    %swap3A_932 = arith.constant 0 : index
    %swap3A_933 = vector.load %arg4[%swap3A_931, %swap3A_932] : memref<512x128xf32, #tpu.memory_space<vmem>>, vector<4x128xf32>
    tpu.vector_store %arg4[%swap3A_931, %swap3A_932], %get3A_930 {strides = array<i32>} : memref<512x128xf32, #tpu.memory_space<vmem>>, vector<4x128xf32>,
    %get3A_934 = arith.constant 0 : index
    %get3A_935 = arith.constant 9984 : index
    %get3A_936 = vector.load %arg1[%get3A_934, %get3A_935] : memref<4x16384xf32, #tpu.memory_space<vmem>>, vector<4x128xf32>
    %swap3A_937 = arith.constant 312 : index
    %swap3A_938 = arith.constant 0 : index
    %swap3A_939 = vector.load %arg3[%swap3A_937, %swap3A_938] : memref<512x128xf32, #tpu.memory_space<vmem>>, vector<4x128xf32>
    tpu.vector_store %arg3[%swap3A_937, %swap3A_938], %get3A_936 {strides = array<i32>} : memref<512x128xf32, #tpu.memory_space<vmem>>, vector<4x128xf32>,
    %get3A_940 = arith.constant 0 : index
    %get3A_941 = arith.constant 9984 : index
    %get3A_942 = vector.load %arg2[%get3A_940, %get3A_941] : memref<4x16384xf32, #tpu.memory_space<vmem>>, vector<4x128xf32>
    %swap3A_943 = arith.constant 312 : index
    %swap3A_944 = arith.constant 0 : index
    %swap3A_945 = vector.load %arg4[%swap3A_943, %swap3A_944] : memref<512x128xf32, #tpu.memory_space<vmem>>, vector<4x128xf32>
    tpu.vector_store %arg4[%swap3A_943, %swap3A_944], %get3A_942 {strides = array<i32>} : memref<512x128xf32, #tpu.memory_space<vmem>>, vector<4x128xf32>,
    %get3A_946 = arith.constant 0 : index
    %get3A_947 = arith.constant 10112 : index
    %get3A_948 = vector.load %arg1[%get3A_946, %get3A_947] : memref<4x16384xf32, #tpu.memory_space<vmem>>, vector<4x128xf32>
    %swap3A_949 = arith.constant 316 : index
    %swap3A_950 = arith.constant 0 : index
    %swap3A_951 = vector.load %arg3[%swap3A_949, %swap3A_950] : memref<512x128xf32, #tpu.memory_space<vmem>>, vector<4x128xf32>
    tpu.vector_store %arg3[%swap3A_949, %swap3A_950], %get3A_948 {strides = array<i32>} : memref<512x128xf32, #tpu.memory_space<vmem>>, vector<4x128xf32>,
    %get3A_952 = arith.constant 0 : index
    %get3A_953 = arith.constant 10112 : index
    %get3A_954 = vector.load %arg2[%get3A_952, %get3A_953] : memref<4x16384xf32, #tpu.memory_space<vmem>>, vector<4x128xf32>
    %swap3A_955 = arith.constant 316 : index
    %swap3A_956 = arith.constant 0 : index
    %swap3A_957 = vector.load %arg4[%swap3A_955, %swap3A_956] : memref<512x128xf32, #tpu.memory_space<vmem>>, vector<4x128xf32>
    tpu.vector_store %arg4[%swap3A_955, %swap3A_956], %get3A_954 {strides = array<i32>} : memref<512x128xf32, #tpu.memory_space<vmem>>, vector<4x128xf32>,
    %get3A_958 = arith.constant 0 : index
    %get3A_959 = arith.constant 10240 : index
    %get3A_960 = vector.load %arg1[%get3A_958, %get3A_959] : memref<4x16384xf32, #tpu.memory_space<vmem>>, vector<4x128xf32>
    %swap3A_961 = arith.constant 320 : index
    %swap3A_962 = arith.constant 0 : index
    %swap3A_963 = vector.load %arg3[%swap3A_961, %swap3A_962] : memref<512x128xf32, #tpu.memory_space<vmem>>, vector<4x128xf32>
    tpu.vector_store %arg3[%swap3A_961, %swap3A_962], %get3A_960 {strides = array<i32>} : memref<512x128xf32, #tpu.memory_space<vmem>>, vector<4x128xf32>,
    %get3A_964 = arith.constant 0 : index
    %get3A_965 = arith.constant 10240 : index
    %get3A_966 = vector.load %arg2[%get3A_964, %get3A_965] : memref<4x16384xf32, #tpu.memory_space<vmem>>, vector<4x128xf32>
    %swap3A_967 = arith.constant 320 : index
    %swap3A_968 = arith.constant 0 : index
    %swap3A_969 = vector.load %arg4[%swap3A_967, %swap3A_968] : memref<512x128xf32, #tpu.memory_space<vmem>>, vector<4x128xf32>
    tpu.vector_store %arg4[%swap3A_967, %swap3A_968], %get3A_966 {strides = array<i32>} : memref<512x128xf32, #tpu.memory_space<vmem>>, vector<4x128xf32>,
    %get3A_970 = arith.constant 0 : index
    %get3A_971 = arith.constant 10368 : index
    %get3A_972 = vector.load %arg1[%get3A_970, %get3A_971] : memref<4x16384xf32, #tpu.memory_space<vmem>>, vector<4x128xf32>
    %swap3A_973 = arith.constant 324 : index
    %swap3A_974 = arith.constant 0 : index
    %swap3A_975 = vector.load %arg3[%swap3A_973, %swap3A_974] : memref<512x128xf32, #tpu.memory_space<vmem>>, vector<4x128xf32>
    tpu.vector_store %arg3[%swap3A_973, %swap3A_974], %get3A_972 {strides = array<i32>} : memref<512x128xf32, #tpu.memory_space<vmem>>, vector<4x128xf32>,
    %get3A_976 = arith.constant 0 : index
    %get3A_977 = arith.constant 10368 : index
    %get3A_978 = vector.load %arg2[%get3A_976, %get3A_977] : memref<4x16384xf32, #tpu.memory_space<vmem>>, vector<4x128xf32>
    %swap3A_979 = arith.constant 324 : index
    %swap3A_980 = arith.constant 0 : index
    %swap3A_981 = vector.load %arg4[%swap3A_979, %swap3A_980] : memref<512x128xf32, #tpu.memory_space<vmem>>, vector<4x128xf32>
    tpu.vector_store %arg4[%swap3A_979, %swap3A_980], %get3A_978 {strides = array<i32>} : memref<512x128xf32, #tpu.memory_space<vmem>>, vector<4x128xf32>,
    %get3A_982 = arith.constant 0 : index
    %get3A_983 = arith.constant 10496 : index
    %get3A_984 = vector.load %arg1[%get3A_982, %get3A_983] : memref<4x16384xf32, #tpu.memory_space<vmem>>, vector<4x128xf32>
    %swap3A_985 = arith.constant 328 : index
    %swap3A_986 = arith.constant 0 : index
    %swap3A_987 = vector.load %arg3[%swap3A_985, %swap3A_986] : memref<512x128xf32, #tpu.memory_space<vmem>>, vector<4x128xf32>
    tpu.vector_store %arg3[%swap3A_985, %swap3A_986], %get3A_984 {strides = array<i32>} : memref<512x128xf32, #tpu.memory_space<vmem>>, vector<4x128xf32>,
    %get3A_988 = arith.constant 0 : index
    %get3A_989 = arith.constant 10496 : index
    %get3A_990 = vector.load %arg2[%get3A_988, %get3A_989] : memref<4x16384xf32, #tpu.memory_space<vmem>>, vector<4x128xf32>
    %swap3A_991 = arith.constant 328 : index
    %swap3A_992 = arith.constant 0 : index
    %swap3A_993 = vector.load %arg4[%swap3A_991, %swap3A_992] : memref<512x128xf32, #tpu.memory_space<vmem>>, vector<4x128xf32>
    tpu.vector_store %arg4[%swap3A_991, %swap3A_992], %get3A_990 {strides = array<i32>} : memref<512x128xf32, #tpu.memory_space<vmem>>, vector<4x128xf32>,
    %get3A_994 = arith.constant 0 : index
    %get3A_995 = arith.constant 10624 : index
    %get3A_996 = vector.load %arg1[%get3A_994, %get3A_995] : memref<4x16384xf32, #tpu.memory_space<vmem>>, vector<4x128xf32>
    %swap3A_997 = arith.constant 332 : index
    %swap3A_998 = arith.constant 0 : index
    %swap3A_999 = vector.load %arg3[%swap3A_997, %swap3A_998] : memref<512x128xf32, #tpu.memory_space<vmem>>, vector<4x128xf32>
    tpu.vector_store %arg3[%swap3A_997, %swap3A_998], %get3A_996 {strides = array<i32>} : memref<512x128xf32, #tpu.memory_space<vmem>>, vector<4x128xf32>,
    %get3A_1000 = arith.constant 0 : index
    %get3A_1001 = arith.constant 10624 : index
    %get3A_1002 = vector.load %arg2[%get3A_1000, %get3A_1001] : memref<4x16384xf32, #tpu.memory_space<vmem>>, vector<4x128xf32>
    %swap3A_1003 = arith.constant 332 : index
    %swap3A_1004 = arith.constant 0 : index
    %swap3A_1005 = vector.load %arg4[%swap3A_1003, %swap3A_1004] : memref<512x128xf32, #tpu.memory_space<vmem>>, vector<4x128xf32>
    tpu.vector_store %arg4[%swap3A_1003, %swap3A_1004], %get3A_1002 {strides = array<i32>} : memref<512x128xf32, #tpu.memory_space<vmem>>, vector<4x128xf32>,
    %get3A_1006 = arith.constant 0 : index
    %get3A_1007 = arith.constant 10752 : index
    %get3A_1008 = vector.load %arg1[%get3A_1006, %get3A_1007] : memref<4x16384xf32, #tpu.memory_space<vmem>>, vector<4x128xf32>
    %swap3A_1009 = arith.constant 336 : index
    %swap3A_1010 = arith.constant 0 : index
    %swap3A_1011 = vector.load %arg3[%swap3A_1009, %swap3A_1010] : memref<512x128xf32, #tpu.memory_space<vmem>>, vector<4x128xf32>
    tpu.vector_store %arg3[%swap3A_1009, %swap3A_1010], %get3A_1008 {strides = array<i32>} : memref<512x128xf32, #tpu.memory_space<vmem>>, vector<4x128xf32>,
    %get3A_1012 = arith.constant 0 : index
    %get3A_1013 = arith.constant 10752 : index
    %get3A_1014 = vector.load %arg2[%get3A_1012, %get3A_1013] : memref<4x16384xf32, #tpu.memory_space<vmem>>, vector<4x128xf32>
    %swap3A_1015 = arith.constant 336 : index
    %swap3A_1016 = arith.constant 0 : index
    %swap3A_1017 = vector.load %arg4[%swap3A_1015, %swap3A_1016] : memref<512x128xf32, #tpu.memory_space<vmem>>, vector<4x128xf32>
    tpu.vector_store %arg4[%swap3A_1015, %swap3A_1016], %get3A_1014 {strides = array<i32>} : memref<512x128xf32, #tpu.memory_space<vmem>>, vector<4x128xf32>,
    %get3A_1018 = arith.constant 0 : index
    %get3A_1019 = arith.constant 10880 : index
    %get3A_1020 = vector.load %arg1[%get3A_1018, %get3A_1019] : memref<4x16384xf32, #tpu.memory_space<vmem>>, vector<4x128xf32>
    %swap3A_1021 = arith.constant 340 : index
    %swap3A_1022 = arith.constant 0 : index
    %swap3A_1023 = vector.load %arg3[%swap3A_1021, %swap3A_1022] : memref<512x128xf32, #tpu.memory_space<vmem>>, vector<4x128xf32>
    tpu.vector_store %arg3[%swap3A_1021, %swap3A_1022], %get3A_1020 {strides = array<i32>} : memref<512x128xf32, #tpu.memory_space<vmem>>, vector<4x128xf32>,
    %get3A_1024 = arith.constant 0 : index
    %get3A_1025 = arith.constant 10880 : index
    %get3A_1026 = vector.load %arg2[%get3A_1024, %get3A_1025] : memref<4x16384xf32, #tpu.memory_space<vmem>>, vector<4x128xf32>
    %swap3A_1027 = arith.constant 340 : index
    %swap3A_1028 = arith.constant 0 : index
    %swap3A_1029 = vector.load %arg4[%swap3A_1027, %swap3A_1028] : memref<512x128xf32, #tpu.memory_space<vmem>>, vector<4x128xf32>
    tpu.vector_store %arg4[%swap3A_1027, %swap3A_1028], %get3A_1026 {strides = array<i32>} : memref<512x128xf32, #tpu.memory_space<vmem>>, vector<4x128xf32>,
    %get3A_1030 = arith.constant 0 : index
    %get3A_1031 = arith.constant 11008 : index
    %get3A_1032 = vector.load %arg1[%get3A_1030, %get3A_1031] : memref<4x16384xf32, #tpu.memory_space<vmem>>, vector<4x128xf32>
    %swap3A_1033 = arith.constant 344 : index
    %swap3A_1034 = arith.constant 0 : index
    %swap3A_1035 = vector.load %arg3[%swap3A_1033, %swap3A_1034] : memref<512x128xf32, #tpu.memory_space<vmem>>, vector<4x128xf32>
    tpu.vector_store %arg3[%swap3A_1033, %swap3A_1034], %get3A_1032 {strides = array<i32>} : memref<512x128xf32, #tpu.memory_space<vmem>>, vector<4x128xf32>,
    %get3A_1036 = arith.constant 0 : index
    %get3A_1037 = arith.constant 11008 : index
    %get3A_1038 = vector.load %arg2[%get3A_1036, %get3A_1037] : memref<4x16384xf32, #tpu.memory_space<vmem>>, vector<4x128xf32>
    %swap3A_1039 = arith.constant 344 : index
    %swap3A_1040 = arith.constant 0 : index
    %swap3A_1041 = vector.load %arg4[%swap3A_1039, %swap3A_1040] : memref<512x128xf32, #tpu.memory_space<vmem>>, vector<4x128xf32>
    tpu.vector_store %arg4[%swap3A_1039, %swap3A_1040], %get3A_1038 {strides = array<i32>} : memref<512x128xf32, #tpu.memory_space<vmem>>, vector<4x128xf32>,
    %get3A_1042 = arith.constant 0 : index
    %get3A_1043 = arith.constant 11136 : index
    %get3A_1044 = vector.load %arg1[%get3A_1042, %get3A_1043] : memref<4x16384xf32, #tpu.memory_space<vmem>>, vector<4x128xf32>
    %swap3A_1045 = arith.constant 348 : index
    %swap3A_1046 = arith.constant 0 : index
    %swap3A_1047 = vector.load %arg3[%swap3A_1045, %swap3A_1046] : memref<512x128xf32, #tpu.memory_space<vmem>>, vector<4x128xf32>
    tpu.vector_store %arg3[%swap3A_1045, %swap3A_1046], %get3A_1044 {strides = array<i32>} : memref<512x128xf32, #tpu.memory_space<vmem>>, vector<4x128xf32>,
    %get3A_1048 = arith.constant 0 : index
    %get3A_1049 = arith.constant 11136 : index
    %get3A_1050 = vector.load %arg2[%get3A_1048, %get3A_1049] : memref<4x16384xf32, #tpu.memory_space<vmem>>, vector<4x128xf32>
    %swap3A_1051 = arith.constant 348 : index
    %swap3A_1052 = arith.constant 0 : index
    %swap3A_1053 = vector.load %arg4[%swap3A_1051, %swap3A_1052] : memref<512x128xf32, #tpu.memory_space<vmem>>, vector<4x128xf32>
    tpu.vector_store %arg4[%swap3A_1051, %swap3A_1052], %get3A_1050 {strides = array<i32>} : memref<512x128xf32, #tpu.memory_space<vmem>>, vector<4x128xf32>,
    %get3A_1054 = arith.constant 0 : index
    %get3A_1055 = arith.constant 11264 : index
    %get3A_1056 = vector.load %arg1[%get3A_1054, %get3A_1055] : memref<4x16384xf32, #tpu.memory_space<vmem>>, vector<4x128xf32>
    %swap3A_1057 = arith.constant 352 : index
    %swap3A_1058 = arith.constant 0 : index
    %swap3A_1059 = vector.load %arg3[%swap3A_1057, %swap3A_1058] : memref<512x128xf32, #tpu.memory_space<vmem>>, vector<4x128xf32>
    tpu.vector_store %arg3[%swap3A_1057, %swap3A_1058], %get3A_1056 {strides = array<i32>} : memref<512x128xf32, #tpu.memory_space<vmem>>, vector<4x128xf32>,
    %get3A_1060 = arith.constant 0 : index
    %get3A_1061 = arith.constant 11264 : index
    %get3A_1062 = vector.load %arg2[%get3A_1060, %get3A_1061] : memref<4x16384xf32, #tpu.memory_space<vmem>>, vector<4x128xf32>
    %swap3A_1063 = arith.constant 352 : index
    %swap3A_1064 = arith.constant 0 : index
    %swap3A_1065 = vector.load %arg4[%swap3A_1063, %swap3A_1064] : memref<512x128xf32, #tpu.memory_space<vmem>>, vector<4x128xf32>
    tpu.vector_store %arg4[%swap3A_1063, %swap3A_1064], %get3A_1062 {strides = array<i32>} : memref<512x128xf32, #tpu.memory_space<vmem>>, vector<4x128xf32>,
    %get3A_1066 = arith.constant 0 : index
    %get3A_1067 = arith.constant 11392 : index
    %get3A_1068 = vector.load %arg1[%get3A_1066, %get3A_1067] : memref<4x16384xf32, #tpu.memory_space<vmem>>, vector<4x128xf32>
    %swap3A_1069 = arith.constant 356 : index
    %swap3A_1070 = arith.constant 0 : index
    %swap3A_1071 = vector.load %arg3[%swap3A_1069, %swap3A_1070] : memref<512x128xf32, #tpu.memory_space<vmem>>, vector<4x128xf32>
    tpu.vector_store %arg3[%swap3A_1069, %swap3A_1070], %get3A_1068 {strides = array<i32>} : memref<512x128xf32, #tpu.memory_space<vmem>>, vector<4x128xf32>,
    %get3A_1072 = arith.constant 0 : index
    %get3A_1073 = arith.constant 11392 : index
    %get3A_1074 = vector.load %arg2[%get3A_1072, %get3A_1073] : memref<4x16384xf32, #tpu.memory_space<vmem>>, vector<4x128xf32>
    %swap3A_1075 = arith.constant 356 : index
    %swap3A_1076 = arith.constant 0 : index
    %swap3A_1077 = vector.load %arg4[%swap3A_1075, %swap3A_1076] : memref<512x128xf32, #tpu.memory_space<vmem>>, vector<4x128xf32>
    tpu.vector_store %arg4[%swap3A_1075, %swap3A_1076], %get3A_1074 {strides = array<i32>} : memref<512x128xf32, #tpu.memory_space<vmem>>, vector<4x128xf32>,
    %get3A_1078 = arith.constant 0 : index
    %get3A_1079 = arith.constant 11520 : index
    %get3A_1080 = vector.load %arg1[%get3A_1078, %get3A_1079] : memref<4x16384xf32, #tpu.memory_space<vmem>>, vector<4x128xf32>
    %swap3A_1081 = arith.constant 360 : index
    %swap3A_1082 = arith.constant 0 : index
    %swap3A_1083 = vector.load %arg3[%swap3A_1081, %swap3A_1082] : memref<512x128xf32, #tpu.memory_space<vmem>>, vector<4x128xf32>
    tpu.vector_store %arg3[%swap3A_1081, %swap3A_1082], %get3A_1080 {strides = array<i32>} : memref<512x128xf32, #tpu.memory_space<vmem>>, vector<4x128xf32>,
    %get3A_1084 = arith.constant 0 : index
    %get3A_1085 = arith.constant 11520 : index
    %get3A_1086 = vector.load %arg2[%get3A_1084, %get3A_1085] : memref<4x16384xf32, #tpu.memory_space<vmem>>, vector<4x128xf32>
    %swap3A_1087 = arith.constant 360 : index
    %swap3A_1088 = arith.constant 0 : index
    %swap3A_1089 = vector.load %arg4[%swap3A_1087, %swap3A_1088] : memref<512x128xf32, #tpu.memory_space<vmem>>, vector<4x128xf32>
    tpu.vector_store %arg4[%swap3A_1087, %swap3A_1088], %get3A_1086 {strides = array<i32>} : memref<512x128xf32, #tpu.memory_space<vmem>>, vector<4x128xf32>,
    %get3A_1090 = arith.constant 0 : index
    %get3A_1091 = arith.constant 11648 : index
    %get3A_1092 = vector.load %arg1[%get3A_1090, %get3A_1091] : memref<4x16384xf32, #tpu.memory_space<vmem>>, vector<4x128xf32>
    %swap3A_1093 = arith.constant 364 : index
    %swap3A_1094 = arith.constant 0 : index
    %swap3A_1095 = vector.load %arg3[%swap3A_1093, %swap3A_1094] : memref<512x128xf32, #tpu.memory_space<vmem>>, vector<4x128xf32>
    tpu.vector_store %arg3[%swap3A_1093, %swap3A_1094], %get3A_1092 {strides = array<i32>} : memref<512x128xf32, #tpu.memory_space<vmem>>, vector<4x128xf32>,
    %get3A_1096 = arith.constant 0 : index
    %get3A_1097 = arith.constant 11648 : index
    %get3A_1098 = vector.load %arg2[%get3A_1096, %get3A_1097] : memref<4x16384xf32, #tpu.memory_space<vmem>>, vector<4x128xf32>
    %swap3A_1099 = arith.constant 364 : index
    %swap3A_1100 = arith.constant 0 : index
    %swap3A_1101 = vector.load %arg4[%swap3A_1099, %swap3A_1100] : memref<512x128xf32, #tpu.memory_space<vmem>>, vector<4x128xf32>
    tpu.vector_store %arg4[%swap3A_1099, %swap3A_1100], %get3A_1098 {strides = array<i32>} : memref<512x128xf32, #tpu.memory_space<vmem>>, vector<4x128xf32>,
    %get3A_1102 = arith.constant 0 : index
    %get3A_1103 = arith.constant 11776 : index
    %get3A_1104 = vector.load %arg1[%get3A_1102, %get3A_1103] : memref<4x16384xf32, #tpu.memory_space<vmem>>, vector<4x128xf32>
    %swap3A_1105 = arith.constant 368 : index
    %swap3A_1106 = arith.constant 0 : index
    %swap3A_1107 = vector.load %arg3[%swap3A_1105, %swap3A_1106] : memref<512x128xf32, #tpu.memory_space<vmem>>, vector<4x128xf32>
    tpu.vector_store %arg3[%swap3A_1105, %swap3A_1106], %get3A_1104 {strides = array<i32>} : memref<512x128xf32, #tpu.memory_space<vmem>>, vector<4x128xf32>,
    %get3A_1108 = arith.constant 0 : index
    %get3A_1109 = arith.constant 11776 : index
    %get3A_1110 = vector.load %arg2[%get3A_1108, %get3A_1109] : memref<4x16384xf32, #tpu.memory_space<vmem>>, vector<4x128xf32>
    %swap3A_1111 = arith.constant 368 : index
    %swap3A_1112 = arith.constant 0 : index
    %swap3A_1113 = vector.load %arg4[%swap3A_1111, %swap3A_1112] : memref<512x128xf32, #tpu.memory_space<vmem>>, vector<4x128xf32>
    tpu.vector_store %arg4[%swap3A_1111, %swap3A_1112], %get3A_1110 {strides = array<i32>} : memref<512x128xf32, #tpu.memory_space<vmem>>, vector<4x128xf32>,
    %get3A_1114 = arith.constant 0 : index
    %get3A_1115 = arith.constant 11904 : index
    %get3A_1116 = vector.load %arg1[%get3A_1114, %get3A_1115] : memref<4x16384xf32, #tpu.memory_space<vmem>>, vector<4x128xf32>
    %swap3A_1117 = arith.constant 372 : index
    %swap3A_1118 = arith.constant 0 : index
    %swap3A_1119 = vector.load %arg3[%swap3A_1117, %swap3A_1118] : memref<512x128xf32, #tpu.memory_space<vmem>>, vector<4x128xf32>
    tpu.vector_store %arg3[%swap3A_1117, %swap3A_1118], %get3A_1116 {strides = array<i32>} : memref<512x128xf32, #tpu.memory_space<vmem>>, vector<4x128xf32>,
    %get3A_1120 = arith.constant 0 : index
    %get3A_1121 = arith.constant 11904 : index
    %get3A_1122 = vector.load %arg2[%get3A_1120, %get3A_1121] : memref<4x16384xf32, #tpu.memory_space<vmem>>, vector<4x128xf32>
    %swap3A_1123 = arith.constant 372 : index
    %swap3A_1124 = arith.constant 0 : index
    %swap3A_1125 = vector.load %arg4[%swap3A_1123, %swap3A_1124] : memref<512x128xf32, #tpu.memory_space<vmem>>, vector<4x128xf32>
    tpu.vector_store %arg4[%swap3A_1123, %swap3A_1124], %get3A_1122 {strides = array<i32>} : memref<512x128xf32, #tpu.memory_space<vmem>>, vector<4x128xf32>,
    %get3A_1126 = arith.constant 0 : index
    %get3A_1127 = arith.constant 12032 : index
    %get3A_1128 = vector.load %arg1[%get3A_1126, %get3A_1127] : memref<4x16384xf32, #tpu.memory_space<vmem>>, vector<4x128xf32>
    %swap3A_1129 = arith.constant 376 : index
    %swap3A_1130 = arith.constant 0 : index
    %swap3A_1131 = vector.load %arg3[%swap3A_1129, %swap3A_1130] : memref<512x128xf32, #tpu.memory_space<vmem>>, vector<4x128xf32>
    tpu.vector_store %arg3[%swap3A_1129, %swap3A_1130], %get3A_1128 {strides = array<i32>} : memref<512x128xf32, #tpu.memory_space<vmem>>, vector<4x128xf32>,
    %get3A_1132 = arith.constant 0 : index
    %get3A_1133 = arith.constant 12032 : index
    %get3A_1134 = vector.load %arg2[%get3A_1132, %get3A_1133] : memref<4x16384xf32, #tpu.memory_space<vmem>>, vector<4x128xf32>
    %swap3A_1135 = arith.constant 376 : index
    %swap3A_1136 = arith.constant 0 : index
    %swap3A_1137 = vector.load %arg4[%swap3A_1135, %swap3A_1136] : memref<512x128xf32, #tpu.memory_space<vmem>>, vector<4x128xf32>
    tpu.vector_store %arg4[%swap3A_1135, %swap3A_1136], %get3A_1134 {strides = array<i32>} : memref<512x128xf32, #tpu.memory_space<vmem>>, vector<4x128xf32>,
    %get3A_1138 = arith.constant 0 : index
    %get3A_1139 = arith.constant 12160 : index
    %get3A_1140 = vector.load %arg1[%get3A_1138, %get3A_1139] : memref<4x16384xf32, #tpu.memory_space<vmem>>, vector<4x128xf32>
    %swap3A_1141 = arith.constant 380 : index
    %swap3A_1142 = arith.constant 0 : index
    %swap3A_1143 = vector.load %arg3[%swap3A_1141, %swap3A_1142] : memref<512x128xf32, #tpu.memory_space<vmem>>, vector<4x128xf32>
    tpu.vector_store %arg3[%swap3A_1141, %swap3A_1142], %get3A_1140 {strides = array<i32>} : memref<512x128xf32, #tpu.memory_space<vmem>>, vector<4x128xf32>,
    %get3A_1144 = arith.constant 0 : index
    %get3A_1145 = arith.constant 12160 : index
    %get3A_1146 = vector.load %arg2[%get3A_1144, %get3A_1145] : memref<4x16384xf32, #tpu.memory_space<vmem>>, vector<4x128xf32>
    %swap3A_1147 = arith.constant 380 : index
    %swap3A_1148 = arith.constant 0 : index
    %swap3A_1149 = vector.load %arg4[%swap3A_1147, %swap3A_1148] : memref<512x128xf32, #tpu.memory_space<vmem>>, vector<4x128xf32>
    tpu.vector_store %arg4[%swap3A_1147, %swap3A_1148], %get3A_1146 {strides = array<i32>} : memref<512x128xf32, #tpu.memory_space<vmem>>, vector<4x128xf32>,
    %get3A_1150 = arith.constant 0 : index
    %get3A_1151 = arith.constant 12288 : index
    %get3A_1152 = vector.load %arg1[%get3A_1150, %get3A_1151] : memref<4x16384xf32, #tpu.memory_space<vmem>>, vector<4x128xf32>
    %swap3A_1153 = arith.constant 384 : index
    %swap3A_1154 = arith.constant 0 : index
    %swap3A_1155 = vector.load %arg3[%swap3A_1153, %swap3A_1154] : memref<512x128xf32, #tpu.memory_space<vmem>>, vector<4x128xf32>
    tpu.vector_store %arg3[%swap3A_1153, %swap3A_1154], %get3A_1152 {strides = array<i32>} : memref<512x128xf32, #tpu.memory_space<vmem>>, vector<4x128xf32>,
    %get3A_1156 = arith.constant 0 : index
    %get3A_1157 = arith.constant 12288 : index
    %get3A_1158 = vector.load %arg2[%get3A_1156, %get3A_1157] : memref<4x16384xf32, #tpu.memory_space<vmem>>, vector<4x128xf32>
    %swap3A_1159 = arith.constant 384 : index
    %swap3A_1160 = arith.constant 0 : index
    %swap3A_1161 = vector.load %arg4[%swap3A_1159, %swap3A_1160] : memref<512x128xf32, #tpu.memory_space<vmem>>, vector<4x128xf32>
    tpu.vector_store %arg4[%swap3A_1159, %swap3A_1160], %get3A_1158 {strides = array<i32>} : memref<512x128xf32, #tpu.memory_space<vmem>>, vector<4x128xf32>,
    %get3A_1162 = arith.constant 0 : index
    %get3A_1163 = arith.constant 12416 : index
    %get3A_1164 = vector.load %arg1[%get3A_1162, %get3A_1163] : memref<4x16384xf32, #tpu.memory_space<vmem>>, vector<4x128xf32>
    %swap3A_1165 = arith.constant 388 : index
    %swap3A_1166 = arith.constant 0 : index
    %swap3A_1167 = vector.load %arg3[%swap3A_1165, %swap3A_1166] : memref<512x128xf32, #tpu.memory_space<vmem>>, vector<4x128xf32>
    tpu.vector_store %arg3[%swap3A_1165, %swap3A_1166], %get3A_1164 {strides = array<i32>} : memref<512x128xf32, #tpu.memory_space<vmem>>, vector<4x128xf32>,
    %get3A_1168 = arith.constant 0 : index
    %get3A_1169 = arith.constant 12416 : index
    %get3A_1170 = vector.load %arg2[%get3A_1168, %get3A_1169] : memref<4x16384xf32, #tpu.memory_space<vmem>>, vector<4x128xf32>
    %swap3A_1171 = arith.constant 388 : index
    %swap3A_1172 = arith.constant 0 : index
    %swap3A_1173 = vector.load %arg4[%swap3A_1171, %swap3A_1172] : memref<512x128xf32, #tpu.memory_space<vmem>>, vector<4x128xf32>
    tpu.vector_store %arg4[%swap3A_1171, %swap3A_1172], %get3A_1170 {strides = array<i32>} : memref<512x128xf32, #tpu.memory_space<vmem>>, vector<4x128xf32>,
    %get3A_1174 = arith.constant 0 : index
    %get3A_1175 = arith.constant 12544 : index
    %get3A_1176 = vector.load %arg1[%get3A_1174, %get3A_1175] : memref<4x16384xf32, #tpu.memory_space<vmem>>, vector<4x128xf32>
    %swap3A_1177 = arith.constant 392 : index
    %swap3A_1178 = arith.constant 0 : index
    %swap3A_1179 = vector.load %arg3[%swap3A_1177, %swap3A_1178] : memref<512x128xf32, #tpu.memory_space<vmem>>, vector<4x128xf32>
    tpu.vector_store %arg3[%swap3A_1177, %swap3A_1178], %get3A_1176 {strides = array<i32>} : memref<512x128xf32, #tpu.memory_space<vmem>>, vector<4x128xf32>,
    %get3A_1180 = arith.constant 0 : index
    %get3A_1181 = arith.constant 12544 : index
    %get3A_1182 = vector.load %arg2[%get3A_1180, %get3A_1181] : memref<4x16384xf32, #tpu.memory_space<vmem>>, vector<4x128xf32>
    %swap3A_1183 = arith.constant 392 : index
    %swap3A_1184 = arith.constant 0 : index
    %swap3A_1185 = vector.load %arg4[%swap3A_1183, %swap3A_1184] : memref<512x128xf32, #tpu.memory_space<vmem>>, vector<4x128xf32>
    tpu.vector_store %arg4[%swap3A_1183, %swap3A_1184], %get3A_1182 {strides = array<i32>} : memref<512x128xf32, #tpu.memory_space<vmem>>, vector<4x128xf32>,
    %get3A_1186 = arith.constant 0 : index
    %get3A_1187 = arith.constant 12672 : index
    %get3A_1188 = vector.load %arg1[%get3A_1186, %get3A_1187] : memref<4x16384xf32, #tpu.memory_space<vmem>>, vector<4x128xf32>
    %swap3A_1189 = arith.constant 396 : index
    %swap3A_1190 = arith.constant 0 : index
    %swap3A_1191 = vector.load %arg3[%swap3A_1189, %swap3A_1190] : memref<512x128xf32, #tpu.memory_space<vmem>>, vector<4x128xf32>
    tpu.vector_store %arg3[%swap3A_1189, %swap3A_1190], %get3A_1188 {strides = array<i32>} : memref<512x128xf32, #tpu.memory_space<vmem>>, vector<4x128xf32>,
    %get3A_1192 = arith.constant 0 : index
    %get3A_1193 = arith.constant 12672 : index
    %get3A_1194 = vector.load %arg2[%get3A_1192, %get3A_1193] : memref<4x16384xf32, #tpu.memory_space<vmem>>, vector<4x128xf32>
    %swap3A_1195 = arith.constant 396 : index
    %swap3A_1196 = arith.constant 0 : index
    %swap3A_1197 = vector.load %arg4[%swap3A_1195, %swap3A_1196] : memref<512x128xf32, #tpu.memory_space<vmem>>, vector<4x128xf32>
    tpu.vector_store %arg4[%swap3A_1195, %swap3A_1196], %get3A_1194 {strides = array<i32>} : memref<512x128xf32, #tpu.memory_space<vmem>>, vector<4x128xf32>,
    %get3A_1198 = arith.constant 0 : index
    %get3A_1199 = arith.constant 12800 : index
    %get3A_1200 = vector.load %arg1[%get3A_1198, %get3A_1199] : memref<4x16384xf32, #tpu.memory_space<vmem>>, vector<4x128xf32>
    %swap3A_1201 = arith.constant 400 : index
    %swap3A_1202 = arith.constant 0 : index
    %swap3A_1203 = vector.load %arg3[%swap3A_1201, %swap3A_1202] : memref<512x128xf32, #tpu.memory_space<vmem>>, vector<4x128xf32>
    tpu.vector_store %arg3[%swap3A_1201, %swap3A_1202], %get3A_1200 {strides = array<i32>} : memref<512x128xf32, #tpu.memory_space<vmem>>, vector<4x128xf32>,
    %get3A_1204 = arith.constant 0 : index
    %get3A_1205 = arith.constant 12800 : index
    %get3A_1206 = vector.load %arg2[%get3A_1204, %get3A_1205] : memref<4x16384xf32, #tpu.memory_space<vmem>>, vector<4x128xf32>
    %swap3A_1207 = arith.constant 400 : index
    %swap3A_1208 = arith.constant 0 : index
    %swap3A_1209 = vector.load %arg4[%swap3A_1207, %swap3A_1208] : memref<512x128xf32, #tpu.memory_space<vmem>>, vector<4x128xf32>
    tpu.vector_store %arg4[%swap3A_1207, %swap3A_1208], %get3A_1206 {strides = array<i32>} : memref<512x128xf32, #tpu.memory_space<vmem>>, vector<4x128xf32>,
    %get3A_1210 = arith.constant 0 : index
    %get3A_1211 = arith.constant 12928 : index
    %get3A_1212 = vector.load %arg1[%get3A_1210, %get3A_1211] : memref<4x16384xf32, #tpu.memory_space<vmem>>, vector<4x128xf32>
    %swap3A_1213 = arith.constant 404 : index
    %swap3A_1214 = arith.constant 0 : index
    %swap3A_1215 = vector.load %arg3[%swap3A_1213, %swap3A_1214] : memref<512x128xf32, #tpu.memory_space<vmem>>, vector<4x128xf32>
    tpu.vector_store %arg3[%swap3A_1213, %swap3A_1214], %get3A_1212 {strides = array<i32>} : memref<512x128xf32, #tpu.memory_space<vmem>>, vector<4x128xf32>,
    %get3A_1216 = arith.constant 0 : index
    %get3A_1217 = arith.constant 12928 : index
    %get3A_1218 = vector.load %arg2[%get3A_1216, %get3A_1217] : memref<4x16384xf32, #tpu.memory_space<vmem>>, vector<4x128xf32>
    %swap3A_1219 = arith.constant 404 : index
    %swap3A_1220 = arith.constant 0 : index
    %swap3A_1221 = vector.load %arg4[%swap3A_1219, %swap3A_1220] : memref<512x128xf32, #tpu.memory_space<vmem>>, vector<4x128xf32>
    tpu.vector_store %arg4[%swap3A_1219, %swap3A_1220], %get3A_1218 {strides = array<i32>} : memref<512x128xf32, #tpu.memory_space<vmem>>, vector<4x128xf32>,
    %get3A_1222 = arith.constant 0 : index
    %get3A_1223 = arith.constant 13056 : index
    %get3A_1224 = vector.load %arg1[%get3A_1222, %get3A_1223] : memref<4x16384xf32, #tpu.memory_space<vmem>>, vector<4x128xf32>
    %swap3A_1225 = arith.constant 408 : index
    %swap3A_1226 = arith.constant 0 : index
    %swap3A_1227 = vector.load %arg3[%swap3A_1225, %swap3A_1226] : memref<512x128xf32, #tpu.memory_space<vmem>>, vector<4x128xf32>
    tpu.vector_store %arg3[%swap3A_1225, %swap3A_1226], %get3A_1224 {strides = array<i32>} : memref<512x128xf32, #tpu.memory_space<vmem>>, vector<4x128xf32>,
    %get3A_1228 = arith.constant 0 : index
    %get3A_1229 = arith.constant 13056 : index
    %get3A_1230 = vector.load %arg2[%get3A_1228, %get3A_1229] : memref<4x16384xf32, #tpu.memory_space<vmem>>, vector<4x128xf32>
    %swap3A_1231 = arith.constant 408 : index
    %swap3A_1232 = arith.constant 0 : index
    %swap3A_1233 = vector.load %arg4[%swap3A_1231, %swap3A_1232] : memref<512x128xf32, #tpu.memory_space<vmem>>, vector<4x128xf32>
    tpu.vector_store %arg4[%swap3A_1231, %swap3A_1232], %get3A_1230 {strides = array<i32>} : memref<512x128xf32, #tpu.memory_space<vmem>>, vector<4x128xf32>,
    %get3A_1234 = arith.constant 0 : index
    %get3A_1235 = arith.constant 13184 : index
    %get3A_1236 = vector.load %arg1[%get3A_1234, %get3A_1235] : memref<4x16384xf32, #tpu.memory_space<vmem>>, vector<4x128xf32>
    %swap3A_1237 = arith.constant 412 : index
    %swap3A_1238 = arith.constant 0 : index
    %swap3A_1239 = vector.load %arg3[%swap3A_1237, %swap3A_1238] : memref<512x128xf32, #tpu.memory_space<vmem>>, vector<4x128xf32>
    tpu.vector_store %arg3[%swap3A_1237, %swap3A_1238], %get3A_1236 {strides = array<i32>} : memref<512x128xf32, #tpu.memory_space<vmem>>, vector<4x128xf32>,
    %get3A_1240 = arith.constant 0 : index
    %get3A_1241 = arith.constant 13184 : index
    %get3A_1242 = vector.load %arg2[%get3A_1240, %get3A_1241] : memref<4x16384xf32, #tpu.memory_space<vmem>>, vector<4x128xf32>
    %swap3A_1243 = arith.constant 412 : index
    %swap3A_1244 = arith.constant 0 : index
    %swap3A_1245 = vector.load %arg4[%swap3A_1243, %swap3A_1244] : memref<512x128xf32, #tpu.memory_space<vmem>>, vector<4x128xf32>
    tpu.vector_store %arg4[%swap3A_1243, %swap3A_1244], %get3A_1242 {strides = array<i32>} : memref<512x128xf32, #tpu.memory_space<vmem>>, vector<4x128xf32>,
    %get3A_1246 = arith.constant 0 : index
    %get3A_1247 = arith.constant 13312 : index
    %get3A_1248 = vector.load %arg1[%get3A_1246, %get3A_1247] : memref<4x16384xf32, #tpu.memory_space<vmem>>, vector<4x128xf32>
    %swap3A_1249 = arith.constant 416 : index
    %swap3A_1250 = arith.constant 0 : index
    %swap3A_1251 = vector.load %arg3[%swap3A_1249, %swap3A_1250] : memref<512x128xf32, #tpu.memory_space<vmem>>, vector<4x128xf32>
    tpu.vector_store %arg3[%swap3A_1249, %swap3A_1250], %get3A_1248 {strides = array<i32>} : memref<512x128xf32, #tpu.memory_space<vmem>>, vector<4x128xf32>,
    %get3A_1252 = arith.constant 0 : index
    %get3A_1253 = arith.constant 13312 : index
    %get3A_1254 = vector.load %arg2[%get3A_1252, %get3A_1253] : memref<4x16384xf32, #tpu.memory_space<vmem>>, vector<4x128xf32>
    %swap3A_1255 = arith.constant 416 : index
    %swap3A_1256 = arith.constant 0 : index
    %swap3A_1257 = vector.load %arg4[%swap3A_1255, %swap3A_1256] : memref<512x128xf32, #tpu.memory_space<vmem>>, vector<4x128xf32>
    tpu.vector_store %arg4[%swap3A_1255, %swap3A_1256], %get3A_1254 {strides = array<i32>} : memref<512x128xf32, #tpu.memory_space<vmem>>, vector<4x128xf32>,
    %get3A_1258 = arith.constant 0 : index
    %get3A_1259 = arith.constant 13440 : index
    %get3A_1260 = vector.load %arg1[%get3A_1258, %get3A_1259] : memref<4x16384xf32, #tpu.memory_space<vmem>>, vector<4x128xf32>
    %swap3A_1261 = arith.constant 420 : index
    %swap3A_1262 = arith.constant 0 : index
    %swap3A_1263 = vector.load %arg3[%swap3A_1261, %swap3A_1262] : memref<512x128xf32, #tpu.memory_space<vmem>>, vector<4x128xf32>
    tpu.vector_store %arg3[%swap3A_1261, %swap3A_1262], %get3A_1260 {strides = array<i32>} : memref<512x128xf32, #tpu.memory_space<vmem>>, vector<4x128xf32>,
    %get3A_1264 = arith.constant 0 : index
    %get3A_1265 = arith.constant 13440 : index
    %get3A_1266 = vector.load %arg2[%get3A_1264, %get3A_1265] : memref<4x16384xf32, #tpu.memory_space<vmem>>, vector<4x128xf32>
    %swap3A_1267 = arith.constant 420 : index
    %swap3A_1268 = arith.constant 0 : index
    %swap3A_1269 = vector.load %arg4[%swap3A_1267, %swap3A_1268] : memref<512x128xf32, #tpu.memory_space<vmem>>, vector<4x128xf32>
    tpu.vector_store %arg4[%swap3A_1267, %swap3A_1268], %get3A_1266 {strides = array<i32>} : memref<512x128xf32, #tpu.memory_space<vmem>>, vector<4x128xf32>,
    %get3A_1270 = arith.constant 0 : index
    %get3A_1271 = arith.constant 13568 : index
    %get3A_1272 = vector.load %arg1[%get3A_1270, %get3A_1271] : memref<4x16384xf32, #tpu.memory_space<vmem>>, vector<4x128xf32>
    %swap3A_1273 = arith.constant 424 : index
    %swap3A_1274 = arith.constant 0 : index
    %swap3A_1275 = vector.load %arg3[%swap3A_1273, %swap3A_1274] : memref<512x128xf32, #tpu.memory_space<vmem>>, vector<4x128xf32>
    tpu.vector_store %arg3[%swap3A_1273, %swap3A_1274], %get3A_1272 {strides = array<i32>} : memref<512x128xf32, #tpu.memory_space<vmem>>, vector<4x128xf32>,
    %get3A_1276 = arith.constant 0 : index
    %get3A_1277 = arith.constant 13568 : index
    %get3A_1278 = vector.load %arg2[%get3A_1276, %get3A_1277] : memref<4x16384xf32, #tpu.memory_space<vmem>>, vector<4x128xf32>
    %swap3A_1279 = arith.constant 424 : index
    %swap3A_1280 = arith.constant 0 : index
    %swap3A_1281 = vector.load %arg4[%swap3A_1279, %swap3A_1280] : memref<512x128xf32, #tpu.memory_space<vmem>>, vector<4x128xf32>
    tpu.vector_store %arg4[%swap3A_1279, %swap3A_1280], %get3A_1278 {strides = array<i32>} : memref<512x128xf32, #tpu.memory_space<vmem>>, vector<4x128xf32>,
    %get3A_1282 = arith.constant 0 : index
    %get3A_1283 = arith.constant 13696 : index
    %get3A_1284 = vector.load %arg1[%get3A_1282, %get3A_1283] : memref<4x16384xf32, #tpu.memory_space<vmem>>, vector<4x128xf32>
    %swap3A_1285 = arith.constant 428 : index
    %swap3A_1286 = arith.constant 0 : index
    %swap3A_1287 = vector.load %arg3[%swap3A_1285, %swap3A_1286] : memref<512x128xf32, #tpu.memory_space<vmem>>, vector<4x128xf32>
    tpu.vector_store %arg3[%swap3A_1285, %swap3A_1286], %get3A_1284 {strides = array<i32>} : memref<512x128xf32, #tpu.memory_space<vmem>>, vector<4x128xf32>,
    %get3A_1288 = arith.constant 0 : index
    %get3A_1289 = arith.constant 13696 : index
    %get3A_1290 = vector.load %arg2[%get3A_1288, %get3A_1289] : memref<4x16384xf32, #tpu.memory_space<vmem>>, vector<4x128xf32>
    %swap3A_1291 = arith.constant 428 : index
    %swap3A_1292 = arith.constant 0 : index
    %swap3A_1293 = vector.load %arg4[%swap3A_1291, %swap3A_1292] : memref<512x128xf32, #tpu.memory_space<vmem>>, vector<4x128xf32>
    tpu.vector_store %arg4[%swap3A_1291, %swap3A_1292], %get3A_1290 {strides = array<i32>} : memref<512x128xf32, #tpu.memory_space<vmem>>, vector<4x128xf32>,
    %get3A_1294 = arith.constant 0 : index
    %get3A_1295 = arith.constant 13824 : index
    %get3A_1296 = vector.load %arg1[%get3A_1294, %get3A_1295] : memref<4x16384xf32, #tpu.memory_space<vmem>>, vector<4x128xf32>
    %swap3A_1297 = arith.constant 432 : index
    %swap3A_1298 = arith.constant 0 : index
    %swap3A_1299 = vector.load %arg3[%swap3A_1297, %swap3A_1298] : memref<512x128xf32, #tpu.memory_space<vmem>>, vector<4x128xf32>
    tpu.vector_store %arg3[%swap3A_1297, %swap3A_1298], %get3A_1296 {strides = array<i32>} : memref<512x128xf32, #tpu.memory_space<vmem>>, vector<4x128xf32>,
    %get3A_1300 = arith.constant 0 : index
    %get3A_1301 = arith.constant 13824 : index
    %get3A_1302 = vector.load %arg2[%get3A_1300, %get3A_1301] : memref<4x16384xf32, #tpu.memory_space<vmem>>, vector<4x128xf32>
    %swap3A_1303 = arith.constant 432 : index
    %swap3A_1304 = arith.constant 0 : index
    %swap3A_1305 = vector.load %arg4[%swap3A_1303, %swap3A_1304] : memref<512x128xf32, #tpu.memory_space<vmem>>, vector<4x128xf32>
    tpu.vector_store %arg4[%swap3A_1303, %swap3A_1304], %get3A_1302 {strides = array<i32>} : memref<512x128xf32, #tpu.memory_space<vmem>>, vector<4x128xf32>,
    %get3A_1306 = arith.constant 0 : index
    %get3A_1307 = arith.constant 13952 : index
    %get3A_1308 = vector.load %arg1[%get3A_1306, %get3A_1307] : memref<4x16384xf32, #tpu.memory_space<vmem>>, vector<4x128xf32>
    %swap3A_1309 = arith.constant 436 : index
    %swap3A_1310 = arith.constant 0 : index
    %swap3A_1311 = vector.load %arg3[%swap3A_1309, %swap3A_1310] : memref<512x128xf32, #tpu.memory_space<vmem>>, vector<4x128xf32>
    tpu.vector_store %arg3[%swap3A_1309, %swap3A_1310], %get3A_1308 {strides = array<i32>} : memref<512x128xf32, #tpu.memory_space<vmem>>, vector<4x128xf32>,
    %get3A_1312 = arith.constant 0 : index
    %get3A_1313 = arith.constant 13952 : index
    %get3A_1314 = vector.load %arg2[%get3A_1312, %get3A_1313] : memref<4x16384xf32, #tpu.memory_space<vmem>>, vector<4x128xf32>
    %swap3A_1315 = arith.constant 436 : index
    %swap3A_1316 = arith.constant 0 : index
    %swap3A_1317 = vector.load %arg4[%swap3A_1315, %swap3A_1316] : memref<512x128xf32, #tpu.memory_space<vmem>>, vector<4x128xf32>
    tpu.vector_store %arg4[%swap3A_1315, %swap3A_1316], %get3A_1314 {strides = array<i32>} : memref<512x128xf32, #tpu.memory_space<vmem>>, vector<4x128xf32>,
    %get3A_1318 = arith.constant 0 : index
    %get3A_1319 = arith.constant 14080 : index
    %get3A_1320 = vector.load %arg1[%get3A_1318, %get3A_1319] : memref<4x16384xf32, #tpu.memory_space<vmem>>, vector<4x128xf32>
    %swap3A_1321 = arith.constant 440 : index
    %swap3A_1322 = arith.constant 0 : index
    %swap3A_1323 = vector.load %arg3[%swap3A_1321, %swap3A_1322] : memref<512x128xf32, #tpu.memory_space<vmem>>, vector<4x128xf32>
    tpu.vector_store %arg3[%swap3A_1321, %swap3A_1322], %get3A_1320 {strides = array<i32>} : memref<512x128xf32, #tpu.memory_space<vmem>>, vector<4x128xf32>,
    %get3A_1324 = arith.constant 0 : index
    %get3A_1325 = arith.constant 14080 : index
    %get3A_1326 = vector.load %arg2[%get3A_1324, %get3A_1325] : memref<4x16384xf32, #tpu.memory_space<vmem>>, vector<4x128xf32>
    %swap3A_1327 = arith.constant 440 : index
    %swap3A_1328 = arith.constant 0 : index
    %swap3A_1329 = vector.load %arg4[%swap3A_1327, %swap3A_1328] : memref<512x128xf32, #tpu.memory_space<vmem>>, vector<4x128xf32>
    tpu.vector_store %arg4[%swap3A_1327, %swap3A_1328], %get3A_1326 {strides = array<i32>} : memref<512x128xf32, #tpu.memory_space<vmem>>, vector<4x128xf32>,
    %get3A_1330 = arith.constant 0 : index
    %get3A_1331 = arith.constant 14208 : index
    %get3A_1332 = vector.load %arg1[%get3A_1330, %get3A_1331] : memref<4x16384xf32, #tpu.memory_space<vmem>>, vector<4x128xf32>
    %swap3A_1333 = arith.constant 444 : index
    %swap3A_1334 = arith.constant 0 : index
    %swap3A_1335 = vector.load %arg3[%swap3A_1333, %swap3A_1334] : memref<512x128xf32, #tpu.memory_space<vmem>>, vector<4x128xf32>
    tpu.vector_store %arg3[%swap3A_1333, %swap3A_1334], %get3A_1332 {strides = array<i32>} : memref<512x128xf32, #tpu.memory_space<vmem>>, vector<4x128xf32>,
    %get3A_1336 = arith.constant 0 : index
    %get3A_1337 = arith.constant 14208 : index
    %get3A_1338 = vector.load %arg2[%get3A_1336, %get3A_1337] : memref<4x16384xf32, #tpu.memory_space<vmem>>, vector<4x128xf32>
    %swap3A_1339 = arith.constant 444 : index
    %swap3A_1340 = arith.constant 0 : index
    %swap3A_1341 = vector.load %arg4[%swap3A_1339, %swap3A_1340] : memref<512x128xf32, #tpu.memory_space<vmem>>, vector<4x128xf32>
    tpu.vector_store %arg4[%swap3A_1339, %swap3A_1340], %get3A_1338 {strides = array<i32>} : memref<512x128xf32, #tpu.memory_space<vmem>>, vector<4x128xf32>,
    %get3A_1342 = arith.constant 0 : index
    %get3A_1343 = arith.constant 14336 : index
    %get3A_1344 = vector.load %arg1[%get3A_1342, %get3A_1343] : memref<4x16384xf32, #tpu.memory_space<vmem>>, vector<4x128xf32>
    %swap3A_1345 = arith.constant 448 : index
    %swap3A_1346 = arith.constant 0 : index
    %swap3A_1347 = vector.load %arg3[%swap3A_1345, %swap3A_1346] : memref<512x128xf32, #tpu.memory_space<vmem>>, vector<4x128xf32>
    tpu.vector_store %arg3[%swap3A_1345, %swap3A_1346], %get3A_1344 {strides = array<i32>} : memref<512x128xf32, #tpu.memory_space<vmem>>, vector<4x128xf32>,
    %get3A_1348 = arith.constant 0 : index
    %get3A_1349 = arith.constant 14336 : index
    %get3A_1350 = vector.load %arg2[%get3A_1348, %get3A_1349] : memref<4x16384xf32, #tpu.memory_space<vmem>>, vector<4x128xf32>
    %swap3A_1351 = arith.constant 448 : index
    %swap3A_1352 = arith.constant 0 : index
    %swap3A_1353 = vector.load %arg4[%swap3A_1351, %swap3A_1352] : memref<512x128xf32, #tpu.memory_space<vmem>>, vector<4x128xf32>
    tpu.vector_store %arg4[%swap3A_1351, %swap3A_1352], %get3A_1350 {strides = array<i32>} : memref<512x128xf32, #tpu.memory_space<vmem>>, vector<4x128xf32>,
    %get3A_1354 = arith.constant 0 : index
    %get3A_1355 = arith.constant 14464 : index
    %get3A_1356 = vector.load %arg1[%get3A_1354, %get3A_1355] : memref<4x16384xf32, #tpu.memory_space<vmem>>, vector<4x128xf32>
    %swap3A_1357 = arith.constant 452 : index
    %swap3A_1358 = arith.constant 0 : index
    %swap3A_1359 = vector.load %arg3[%swap3A_1357, %swap3A_1358] : memref<512x128xf32, #tpu.memory_space<vmem>>, vector<4x128xf32>
    tpu.vector_store %arg3[%swap3A_1357, %swap3A_1358], %get3A_1356 {strides = array<i32>} : memref<512x128xf32, #tpu.memory_space<vmem>>, vector<4x128xf32>,
    %get3A_1360 = arith.constant 0 : index
    %get3A_1361 = arith.constant 14464 : index
    %get3A_1362 = vector.load %arg2[%get3A_1360, %get3A_1361] : memref<4x16384xf32, #tpu.memory_space<vmem>>, vector<4x128xf32>
    %swap3A_1363 = arith.constant 452 : index
    %swap3A_1364 = arith.constant 0 : index
    %swap3A_1365 = vector.load %arg4[%swap3A_1363, %swap3A_1364] : memref<512x128xf32, #tpu.memory_space<vmem>>, vector<4x128xf32>
    tpu.vector_store %arg4[%swap3A_1363, %swap3A_1364], %get3A_1362 {strides = array<i32>} : memref<512x128xf32, #tpu.memory_space<vmem>>, vector<4x128xf32>,
    %get3A_1366 = arith.constant 0 : index
    %get3A_1367 = arith.constant 14592 : index
    %get3A_1368 = vector.load %arg1[%get3A_1366, %get3A_1367] : memref<4x16384xf32, #tpu.memory_space<vmem>>, vector<4x128xf32>
    %swap3A_1369 = arith.constant 456 : index
    %swap3A_1370 = arith.constant 0 : index
    %swap3A_1371 = vector.load %arg3[%swap3A_1369, %swap3A_1370] : memref<512x128xf32, #tpu.memory_space<vmem>>, vector<4x128xf32>
    tpu.vector_store %arg3[%swap3A_1369, %swap3A_1370], %get3A_1368 {strides = array<i32>} : memref<512x128xf32, #tpu.memory_space<vmem>>, vector<4x128xf32>,
    %get3A_1372 = arith.constant 0 : index
    %get3A_1373 = arith.constant 14592 : index
    %get3A_1374 = vector.load %arg2[%get3A_1372, %get3A_1373] : memref<4x16384xf32, #tpu.memory_space<vmem>>, vector<4x128xf32>
    %swap3A_1375 = arith.constant 456 : index
    %swap3A_1376 = arith.constant 0 : index
    %swap3A_1377 = vector.load %arg4[%swap3A_1375, %swap3A_1376] : memref<512x128xf32, #tpu.memory_space<vmem>>, vector<4x128xf32>
    tpu.vector_store %arg4[%swap3A_1375, %swap3A_1376], %get3A_1374 {strides = array<i32>} : memref<512x128xf32, #tpu.memory_space<vmem>>, vector<4x128xf32>,
    %get3A_1378 = arith.constant 0 : index
    %get3A_1379 = arith.constant 14720 : index
    %get3A_1380 = vector.load %arg1[%get3A_1378, %get3A_1379] : memref<4x16384xf32, #tpu.memory_space<vmem>>, vector<4x128xf32>
    %swap3A_1381 = arith.constant 460 : index
    %swap3A_1382 = arith.constant 0 : index
    %swap3A_1383 = vector.load %arg3[%swap3A_1381, %swap3A_1382] : memref<512x128xf32, #tpu.memory_space<vmem>>, vector<4x128xf32>
    tpu.vector_store %arg3[%swap3A_1381, %swap3A_1382], %get3A_1380 {strides = array<i32>} : memref<512x128xf32, #tpu.memory_space<vmem>>, vector<4x128xf32>,
    %get3A_1384 = arith.constant 0 : index
    %get3A_1385 = arith.constant 14720 : index
    %get3A_1386 = vector.load %arg2[%get3A_1384, %get3A_1385] : memref<4x16384xf32, #tpu.memory_space<vmem>>, vector<4x128xf32>
    %swap3A_1387 = arith.constant 460 : index
    %swap3A_1388 = arith.constant 0 : index
    %swap3A_1389 = vector.load %arg4[%swap3A_1387, %swap3A_1388] : memref<512x128xf32, #tpu.memory_space<vmem>>, vector<4x128xf32>
    tpu.vector_store %arg4[%swap3A_1387, %swap3A_1388], %get3A_1386 {strides = array<i32>} : memref<512x128xf32, #tpu.memory_space<vmem>>, vector<4x128xf32>,
    %get3A_1390 = arith.constant 0 : index
    %get3A_1391 = arith.constant 14848 : index
    %get3A_1392 = vector.load %arg1[%get3A_1390, %get3A_1391] : memref<4x16384xf32, #tpu.memory_space<vmem>>, vector<4x128xf32>
    %swap3A_1393 = arith.constant 464 : index
    %swap3A_1394 = arith.constant 0 : index
    %swap3A_1395 = vector.load %arg3[%swap3A_1393, %swap3A_1394] : memref<512x128xf32, #tpu.memory_space<vmem>>, vector<4x128xf32>
    tpu.vector_store %arg3[%swap3A_1393, %swap3A_1394], %get3A_1392 {strides = array<i32>} : memref<512x128xf32, #tpu.memory_space<vmem>>, vector<4x128xf32>,
    %get3A_1396 = arith.constant 0 : index
    %get3A_1397 = arith.constant 14848 : index
    %get3A_1398 = vector.load %arg2[%get3A_1396, %get3A_1397] : memref<4x16384xf32, #tpu.memory_space<vmem>>, vector<4x128xf32>
    %swap3A_1399 = arith.constant 464 : index
    %swap3A_1400 = arith.constant 0 : index
    %swap3A_1401 = vector.load %arg4[%swap3A_1399, %swap3A_1400] : memref<512x128xf32, #tpu.memory_space<vmem>>, vector<4x128xf32>
    tpu.vector_store %arg4[%swap3A_1399, %swap3A_1400], %get3A_1398 {strides = array<i32>} : memref<512x128xf32, #tpu.memory_space<vmem>>, vector<4x128xf32>,
    %get3A_1402 = arith.constant 0 : index
    %get3A_1403 = arith.constant 14976 : index
    %get3A_1404 = vector.load %arg1[%get3A_1402, %get3A_1403] : memref<4x16384xf32, #tpu.memory_space<vmem>>, vector<4x128xf32>
    %swap3A_1405 = arith.constant 468 : index
    %swap3A_1406 = arith.constant 0 : index
    %swap3A_1407 = vector.load %arg3[%swap3A_1405, %swap3A_1406] : memref<512x128xf32, #tpu.memory_space<vmem>>, vector<4x128xf32>
    tpu.vector_store %arg3[%swap3A_1405, %swap3A_1406], %get3A_1404 {strides = array<i32>} : memref<512x128xf32, #tpu.memory_space<vmem>>, vector<4x128xf32>,
    %get3A_1408 = arith.constant 0 : index
    %get3A_1409 = arith.constant 14976 : index
    %get3A_1410 = vector.load %arg2[%get3A_1408, %get3A_1409] : memref<4x16384xf32, #tpu.memory_space<vmem>>, vector<4x128xf32>
    %swap3A_1411 = arith.constant 468 : index
    %swap3A_1412 = arith.constant 0 : index
    %swap3A_1413 = vector.load %arg4[%swap3A_1411, %swap3A_1412] : memref<512x128xf32, #tpu.memory_space<vmem>>, vector<4x128xf32>
    tpu.vector_store %arg4[%swap3A_1411, %swap3A_1412], %get3A_1410 {strides = array<i32>} : memref<512x128xf32, #tpu.memory_space<vmem>>, vector<4x128xf32>,
    %get3A_1414 = arith.constant 0 : index
    %get3A_1415 = arith.constant 15104 : index
    %get3A_1416 = vector.load %arg1[%get3A_1414, %get3A_1415] : memref<4x16384xf32, #tpu.memory_space<vmem>>, vector<4x128xf32>
    %swap3A_1417 = arith.constant 472 : index
    %swap3A_1418 = arith.constant 0 : index
    %swap3A_1419 = vector.load %arg3[%swap3A_1417, %swap3A_1418] : memref<512x128xf32, #tpu.memory_space<vmem>>, vector<4x128xf32>
    tpu.vector_store %arg3[%swap3A_1417, %swap3A_1418], %get3A_1416 {strides = array<i32>} : memref<512x128xf32, #tpu.memory_space<vmem>>, vector<4x128xf32>,
    %get3A_1420 = arith.constant 0 : index
    %get3A_1421 = arith.constant 15104 : index
    %get3A_1422 = vector.load %arg2[%get3A_1420, %get3A_1421] : memref<4x16384xf32, #tpu.memory_space<vmem>>, vector<4x128xf32>
    %swap3A_1423 = arith.constant 472 : index
    %swap3A_1424 = arith.constant 0 : index
    %swap3A_1425 = vector.load %arg4[%swap3A_1423, %swap3A_1424] : memref<512x128xf32, #tpu.memory_space<vmem>>, vector<4x128xf32>
    tpu.vector_store %arg4[%swap3A_1423, %swap3A_1424], %get3A_1422 {strides = array<i32>} : memref<512x128xf32, #tpu.memory_space<vmem>>, vector<4x128xf32>,
    %get3A_1426 = arith.constant 0 : index
    %get3A_1427 = arith.constant 15232 : index
    %get3A_1428 = vector.load %arg1[%get3A_1426, %get3A_1427] : memref<4x16384xf32, #tpu.memory_space<vmem>>, vector<4x128xf32>
    %swap3A_1429 = arith.constant 476 : index
    %swap3A_1430 = arith.constant 0 : index
    %swap3A_1431 = vector.load %arg3[%swap3A_1429, %swap3A_1430] : memref<512x128xf32, #tpu.memory_space<vmem>>, vector<4x128xf32>
    tpu.vector_store %arg3[%swap3A_1429, %swap3A_1430], %get3A_1428 {strides = array<i32>} : memref<512x128xf32, #tpu.memory_space<vmem>>, vector<4x128xf32>,
    %get3A_1432 = arith.constant 0 : index
    %get3A_1433 = arith.constant 15232 : index
    %get3A_1434 = vector.load %arg2[%get3A_1432, %get3A_1433] : memref<4x16384xf32, #tpu.memory_space<vmem>>, vector<4x128xf32>
    %swap3A_1435 = arith.constant 476 : index
    %swap3A_1436 = arith.constant 0 : index
    %swap3A_1437 = vector.load %arg4[%swap3A_1435, %swap3A_1436] : memref<512x128xf32, #tpu.memory_space<vmem>>, vector<4x128xf32>
    tpu.vector_store %arg4[%swap3A_1435, %swap3A_1436], %get3A_1434 {strides = array<i32>} : memref<512x128xf32, #tpu.memory_space<vmem>>, vector<4x128xf32>,
    %get3A_1438 = arith.constant 0 : index
    %get3A_1439 = arith.constant 15360 : index
    %get3A_1440 = vector.load %arg1[%get3A_1438, %get3A_1439] : memref<4x16384xf32, #tpu.memory_space<vmem>>, vector<4x128xf32>
    %swap3A_1441 = arith.constant 480 : index
    %swap3A_1442 = arith.constant 0 : index
    %swap3A_1443 = vector.load %arg3[%swap3A_1441, %swap3A_1442] : memref<512x128xf32, #tpu.memory_space<vmem>>, vector<4x128xf32>
    tpu.vector_store %arg3[%swap3A_1441, %swap3A_1442], %get3A_1440 {strides = array<i32>} : memref<512x128xf32, #tpu.memory_space<vmem>>, vector<4x128xf32>,
    %get3A_1444 = arith.constant 0 : index
    %get3A_1445 = arith.constant 15360 : index
    %get3A_1446 = vector.load %arg2[%get3A_1444, %get3A_1445] : memref<4x16384xf32, #tpu.memory_space<vmem>>, vector<4x128xf32>
    %swap3A_1447 = arith.constant 480 : index
    %swap3A_1448 = arith.constant 0 : index
    %swap3A_1449 = vector.load %arg4[%swap3A_1447, %swap3A_1448] : memref<512x128xf32, #tpu.memory_space<vmem>>, vector<4x128xf32>
    tpu.vector_store %arg4[%swap3A_1447, %swap3A_1448], %get3A_1446 {strides = array<i32>} : memref<512x128xf32, #tpu.memory_space<vmem>>, vector<4x128xf32>,
    %get3A_1450 = arith.constant 0 : index
    %get3A_1451 = arith.constant 15488 : index
    %get3A_1452 = vector.load %arg1[%get3A_1450, %get3A_1451] : memref<4x16384xf32, #tpu.memory_space<vmem>>, vector<4x128xf32>
    %swap3A_1453 = arith.constant 484 : index
    %swap3A_1454 = arith.constant 0 : index
    %swap3A_1455 = vector.load %arg3[%swap3A_1453, %swap3A_1454] : memref<512x128xf32, #tpu.memory_space<vmem>>, vector<4x128xf32>
    tpu.vector_store %arg3[%swap3A_1453, %swap3A_1454], %get3A_1452 {strides = array<i32>} : memref<512x128xf32, #tpu.memory_space<vmem>>, vector<4x128xf32>,
    %get3A_1456 = arith.constant 0 : index
    %get3A_1457 = arith.constant 15488 : index
    %get3A_1458 = vector.load %arg2[%get3A_1456, %get3A_1457] : memref<4x16384xf32, #tpu.memory_space<vmem>>, vector<4x128xf32>
    %swap3A_1459 = arith.constant 484 : index
    %swap3A_1460 = arith.constant 0 : index
    %swap3A_1461 = vector.load %arg4[%swap3A_1459, %swap3A_1460] : memref<512x128xf32, #tpu.memory_space<vmem>>, vector<4x128xf32>
    tpu.vector_store %arg4[%swap3A_1459, %swap3A_1460], %get3A_1458 {strides = array<i32>} : memref<512x128xf32, #tpu.memory_space<vmem>>, vector<4x128xf32>,
    %get3A_1462 = arith.constant 0 : index
    %get3A_1463 = arith.constant 15616 : index
    %get3A_1464 = vector.load %arg1[%get3A_1462, %get3A_1463] : memref<4x16384xf32, #tpu.memory_space<vmem>>, vector<4x128xf32>
    %swap3A_1465 = arith.constant 488 : index
    %swap3A_1466 = arith.constant 0 : index
    %swap3A_1467 = vector.load %arg3[%swap3A_1465, %swap3A_1466] : memref<512x128xf32, #tpu.memory_space<vmem>>, vector<4x128xf32>
    tpu.vector_store %arg3[%swap3A_1465, %swap3A_1466], %get3A_1464 {strides = array<i32>} : memref<512x128xf32, #tpu.memory_space<vmem>>, vector<4x128xf32>,
    %get3A_1468 = arith.constant 0 : index
    %get3A_1469 = arith.constant 15616 : index
    %get3A_1470 = vector.load %arg2[%get3A_1468, %get3A_1469] : memref<4x16384xf32, #tpu.memory_space<vmem>>, vector<4x128xf32>
    %swap3A_1471 = arith.constant 488 : index
    %swap3A_1472 = arith.constant 0 : index
    %swap3A_1473 = vector.load %arg4[%swap3A_1471, %swap3A_1472] : memref<512x128xf32, #tpu.memory_space<vmem>>, vector<4x128xf32>
    tpu.vector_store %arg4[%swap3A_1471, %swap3A_1472], %get3A_1470 {strides = array<i32>} : memref<512x128xf32, #tpu.memory_space<vmem>>, vector<4x128xf32>,
    %get3A_1474 = arith.constant 0 : index
    %get3A_1475 = arith.constant 15744 : index
    %get3A_1476 = vector.load %arg1[%get3A_1474, %get3A_1475] : memref<4x16384xf32, #tpu.memory_space<vmem>>, vector<4x128xf32>
    %swap3A_1477 = arith.constant 492 : index
    %swap3A_1478 = arith.constant 0 : index
    %swap3A_1479 = vector.load %arg3[%swap3A_1477, %swap3A_1478] : memref<512x128xf32, #tpu.memory_space<vmem>>, vector<4x128xf32>
    tpu.vector_store %arg3[%swap3A_1477, %swap3A_1478], %get3A_1476 {strides = array<i32>} : memref<512x128xf32, #tpu.memory_space<vmem>>, vector<4x128xf32>,
    %get3A_1480 = arith.constant 0 : index
    %get3A_1481 = arith.constant 15744 : index
    %get3A_1482 = vector.load %arg2[%get3A_1480, %get3A_1481] : memref<4x16384xf32, #tpu.memory_space<vmem>>, vector<4x128xf32>
    %swap3A_1483 = arith.constant 492 : index
    %swap3A_1484 = arith.constant 0 : index
    %swap3A_1485 = vector.load %arg4[%swap3A_1483, %swap3A_1484] : memref<512x128xf32, #tpu.memory_space<vmem>>, vector<4x128xf32>
    tpu.vector_store %arg4[%swap3A_1483, %swap3A_1484], %get3A_1482 {strides = array<i32>} : memref<512x128xf32, #tpu.memory_space<vmem>>, vector<4x128xf32>,
    %get3A_1486 = arith.constant 0 : index
    %get3A_1487 = arith.constant 15872 : index
    %get3A_1488 = vector.load %arg1[%get3A_1486, %get3A_1487] : memref<4x16384xf32, #tpu.memory_space<vmem>>, vector<4x128xf32>
    %swap3A_1489 = arith.constant 496 : index
    %swap3A_1490 = arith.constant 0 : index
    %swap3A_1491 = vector.load %arg3[%swap3A_1489, %swap3A_1490] : memref<512x128xf32, #tpu.memory_space<vmem>>, vector<4x128xf32>
    tpu.vector_store %arg3[%swap3A_1489, %swap3A_1490], %get3A_1488 {strides = array<i32>} : memref<512x128xf32, #tpu.memory_space<vmem>>, vector<4x128xf32>,
    %get3A_1492 = arith.constant 0 : index
    %get3A_1493 = arith.constant 15872 : index
    %get3A_1494 = vector.load %arg2[%get3A_1492, %get3A_1493] : memref<4x16384xf32, #tpu.memory_space<vmem>>, vector<4x128xf32>
    %swap3A_1495 = arith.constant 496 : index
    %swap3A_1496 = arith.constant 0 : index
    %swap3A_1497 = vector.load %arg4[%swap3A_1495, %swap3A_1496] : memref<512x128xf32, #tpu.memory_space<vmem>>, vector<4x128xf32>
    tpu.vector_store %arg4[%swap3A_1495, %swap3A_1496], %get3A_1494 {strides = array<i32>} : memref<512x128xf32, #tpu.memory_space<vmem>>, vector<4x128xf32>,
    %get3A_1498 = arith.constant 0 : index
    %get3A_1499 = arith.constant 16000 : index
    %get3A_1500 = vector.load %arg1[%get3A_1498, %get3A_1499] : memref<4x16384xf32, #tpu.memory_space<vmem>>, vector<4x128xf32>
    %swap3A_1501 = arith.constant 500 : index
    %swap3A_1502 = arith.constant 0 : index
    %swap3A_1503 = vector.load %arg3[%swap3A_1501, %swap3A_1502] : memref<512x128xf32, #tpu.memory_space<vmem>>, vector<4x128xf32>
    tpu.vector_store %arg3[%swap3A_1501, %swap3A_1502], %get3A_1500 {strides = array<i32>} : memref<512x128xf32, #tpu.memory_space<vmem>>, vector<4x128xf32>,
    %get3A_1504 = arith.constant 0 : index
    %get3A_1505 = arith.constant 16000 : index
    %get3A_1506 = vector.load %arg2[%get3A_1504, %get3A_1505] : memref<4x16384xf32, #tpu.memory_space<vmem>>, vector<4x128xf32>
    %swap3A_1507 = arith.constant 500 : index
    %swap3A_1508 = arith.constant 0 : index
    %swap3A_1509 = vector.load %arg4[%swap3A_1507, %swap3A_1508] : memref<512x128xf32, #tpu.memory_space<vmem>>, vector<4x128xf32>
    tpu.vector_store %arg4[%swap3A_1507, %swap3A_1508], %get3A_1506 {strides = array<i32>} : memref<512x128xf32, #tpu.memory_space<vmem>>, vector<4x128xf32>,
    %get3A_1510 = arith.constant 0 : index
    %get3A_1511 = arith.constant 16128 : index
    %get3A_1512 = vector.load %arg1[%get3A_1510, %get3A_1511] : memref<4x16384xf32, #tpu.memory_space<vmem>>, vector<4x128xf32>
    %swap3A_1513 = arith.constant 504 : index
    %swap3A_1514 = arith.constant 0 : index
    %swap3A_1515 = vector.load %arg3[%swap3A_1513, %swap3A_1514] : memref<512x128xf32, #tpu.memory_space<vmem>>, vector<4x128xf32>
    tpu.vector_store %arg3[%swap3A_1513, %swap3A_1514], %get3A_1512 {strides = array<i32>} : memref<512x128xf32, #tpu.memory_space<vmem>>, vector<4x128xf32>,
    %get3A_1516 = arith.constant 0 : index
    %get3A_1517 = arith.constant 16128 : index
    %get3A_1518 = vector.load %arg2[%get3A_1516, %get3A_1517] : memref<4x16384xf32, #tpu.memory_space<vmem>>, vector<4x128xf32>
    %swap3A_1519 = arith.constant 504 : index
    %swap3A_1520 = arith.constant 0 : index
    %swap3A_1521 = vector.load %arg4[%swap3A_1519, %swap3A_1520] : memref<512x128xf32, #tpu.memory_space<vmem>>, vector<4x128xf32>
    tpu.vector_store %arg4[%swap3A_1519, %swap3A_1520], %get3A_1518 {strides = array<i32>} : memref<512x128xf32, #tpu.memory_space<vmem>>, vector<4x128xf32>,
    %get3A_1522 = arith.constant 0 : index
    %get3A_1523 = arith.constant 16256 : index
    %get3A_1524 = vector.load %arg1[%get3A_1522, %get3A_1523] : memref<4x16384xf32, #tpu.memory_space<vmem>>, vector<4x128xf32>
    %swap3A_1525 = arith.constant 508 : index
    %swap3A_1526 = arith.constant 0 : index
    %swap3A_1527 = vector.load %arg3[%swap3A_1525, %swap3A_1526] : memref<512x128xf32, #tpu.memory_space<vmem>>, vector<4x128xf32>
    tpu.vector_store %arg3[%swap3A_1525, %swap3A_1526], %get3A_1524 {strides = array<i32>} : memref<512x128xf32, #tpu.memory_space<vmem>>, vector<4x128xf32>,
    %get3A_1528 = arith.constant 0 : index
    %get3A_1529 = arith.constant 16256 : index
    %get3A_1530 = vector.load %arg2[%get3A_1528, %get3A_1529] : memref<4x16384xf32, #tpu.memory_space<vmem>>, vector<4x128xf32>
    %swap3A_1531 = arith.constant 508 : index
    %swap3A_1532 = arith.constant 0 : index
    %swap3A_1533 = vector.load %arg4[%swap3A_1531, %swap3A_1532] : memref<512x128xf32, #tpu.memory_space<vmem>>, vector<4x128xf32>
    tpu.vector_store %arg4[%swap3A_1531, %swap3A_1532], %get3A_1530 {strides = array<i32>} : memref<512x128xf32, #tpu.memory_space<vmem>>, vector<4x128xf32>,
    return
  }
  func.func @transform_0(%arg0: i32) -> (i32, i32) {
    %c0_i32 = arith.constant 0 : i32
    %c0_i32_0 = arith.constant 0 : i32
    return %c0_i32, %arg0 : i32, i32
  }
  func.func @transform_1(%arg0: i32) -> (i32, i32) {
    %c0_i32 = arith.constant 0 : i32
    %c0_i32_0 = arith.constant 0 : i32
    return %c0_i32, %arg0 : i32, i32
  }
  func.func @transform_2(%arg0: i32) -> (i32, i32) {
    %c0_i32 = arith.constant 0 : i32
    %c0_i32_0 = arith.constant 0 : i32
    return %arg0, %c0_i32 : i32, i32
  }
  func.func @transform_3(%arg0: i32) -> (i32, i32) {
    %c0_i32 = arith.constant 0 : i32
    %c0_i32_0 = arith.constant 0 : i32
    return %arg0, %c0_i32 : i32, i32
  }
}

</mosaic_0001>

<sc_bundles>
// kernel: kernel.4.cloned.1.call-start
scs
__scs_entry_jumppad:
0x0: {  	(pc) =	sbr.rel $0x88, $3  }
0x1: {  	(tag) =	ssettag $0x0;
	lr =	simm.s32 $0x1  }
0x2: {  	[smem:$0x3F9A] =	sst lr;
	_ =	strace $0xD0000000  }
0x3: {  	_ = 	snop  }
0x4: {  	_ = 	snop  }
0x5: {  	_ = 	snop  }
0x6: {  	_ = 	snop  }
0x7: {  	_ = 	snop  }
__scs_overlays_trampoline_lowered:
0x8: {  	[smem:$0x3FA9] =	sst s0  }
0x9: {  	[smem:$0x3FAA] =	sst s1  }
0xa: {  	[smem:$0x3FAB] =	sst s2  }
0xb: {  	[smem:$0x3FAC] =	sst s3  }
0xc: {  	[smem:$0x3FAD] =	sst s4  }
0xd: {  	[smem:$0x3FAE] =	sst s5  }
0xe: {  	[smem:$0x3FAF] =	sst s6  }
0xf: {  	[smem:$0x3FB0] =	sst s7  }
0x10: {  	[smem:$0x3FB1] =	sst s8  }
0x11: {  	[smem:$0x3FB2] =	sst s9;
	s0 =	simm.s32 @!p0 $0x0  }
0x12: {  	s1 =	sld [smem:$0x3F98];
	s0 =	simm.s32 @p0 $0x1  }
0x13: {  	[smem:$0x3FB3] =	sst s0;
	s0 =	simm.s32 @!p1 $0x0  }
0x14: {  	s2 =	sld [smem:$0x3F97];
	s0 =	simm.s32 @p1 $0x1  }
0x15: {  	[smem:$0x3FB4] =	sst s0;
	s0 =	simm.s32 @!p2 $0x0  }
0x16: {  	s3 =	sld [smem:$0x3FDB];
	s0 =	simm.s32 @p2 $0x1  }
0x17: {  	s4 =	simm.s32 $0x1BF5;
	[smem:$0x3FB6] =	sst s0  }
0x18: {  	s0 =	sld [smem:$0x3F99];
	_ =	swait.ge [sflag:s4], $0x0  }
0x19: {  	s7 =	sld [smem:$0x3F9A]  }
0x1a: {  	s8 =	sadd.s32 $0xFFFFE003, lr  }
0x1b: {  	s9 =	sadd.s32 $0xFFFFFEF7, lr;
	s5 =	simm.s32 $0xFFFFFFFF;
	p2 =	slt.u32 s8, $0xFFFFF086  }
0x1c: {  	p1 =	slt.u32 s9, $0xF7A;
	s5 =	simm.s32 @!p2 $0x0  }
0x1d: {  	s5 =	simm.s32 @p1 $0x1;
	p0 =	seq.s32 s7, s2  }
0x1e: {  	s7 =	smul.u32 @!p0 $0xF7A, s2;
	p2 =	seq.s32 @!p0 s5, $0x0  }
0x1f: {  	s9 =	smul.u32 $0xF7A, s1;
	s8 =	simm.s32 @!p0 $0x1BF5;
	p2 =	por !p2, p0  }
0x20: {  	[sflag:s8] =	ssyncset.s32 @!p0 $0xFFFFF086;
	s6 =	sadd.s32 @!p0 s3, s7;
	s7 =	simm.s32 @!p0 $0x108  }
0x21: {  	s3 =	sadd.s32 s3, s9;
	s6 =	sadd.s32 @!p0 $0x88, s6;
	s7 =	simm.s32 @p2 $0x1082  }
0x22: {  	[simem:s7], [sflag:s8] =	dma.local @!p0 [hbm:s6], $0xF7A  }
0x23: {  	s9 =	sor.u32 $0xD0000000, s2;
	s6 =	simm.s32 $0x108;
	_ =	swait.ge @!p0 [sflag:s8], $0x0  }
0x24: {  	s3 =	sadd.s32 $0x88, s3;
	s6 =	simm.s32 @!p1 $0x1082;
	[sflag:s4] =	ssyncset.s32 $0xFFFFF086  }
0x25: {  	[simem:s6], [sflag:s4] =	dma.local [hbm:s3], $0xF7A  }
0x26: {  	[smem:$0x3F9A] =	sst s1;
	(tag) =	ssettag s2;
	_ =	strace s9  }
0x27: {  	s1 =	sld [smem:$0x3FAA]  }
0x28: {  	s2 =	sld [smem:$0x3FAB]  }
0x29: {  	s4 =	sld [smem:$0x3FAD]  }
0x2a: {  	p0 =	seq.s32 s5, $0x0;
	s5 =	sld [smem:$0x3FAE]  }
0x2b: {  	s6 =	sld [smem:$0x3FAF]  }
0x2c: {  	s7 =	sld [smem:$0x3FB0]  }
0x2d: {  	s3 =	simm.s32 $0x108;
	s8 =	sld [smem:$0x3FB1]  }
0x2e: {  	s3 =	simm.s32 @!p0 $0x1082;
	s9 =	sld [smem:$0x3FB2]  }
0x2f: {  	lr =	sadd.s32 s0, s3;
	s0 =	sld [smem:$0x3FA9]  }
0x30: {  	s3 =	sld [smem:$0x3FAC]  }
0x31: {  	[smem:$0x3FB5] =	sst s10  }
0x32: {  	s10 =	sld [smem:$0x3FB3];
	_ =	sdelay $0x3  }
0x33: {  	p0 =	seq.s32 s10, $0x1;
	s10 =	sld [smem:$0x3FB5];
	_ =	sdelay $0x3  }
0x34: {  	[smem:$0x3FB5] =	sst s10  }
0x35: {  	s10 =	sld [smem:$0x3FB4];
	_ =	sdelay $0x3  }
0x36: {  	p1 =	seq.s32 s10, $0x1;
	s10 =	sld [smem:$0x3FB5];
	_ =	sdelay $0x3  }
0x37: {  	[smem:$0x3FB5] =	sst s10  }
0x38: {  	s10 =	sld [smem:$0x3FB6]  }
0x39: {  	_ = 	snop;
	(pc) =	sbr.ind lr, $3  }
0x3a: {  	_ = 	snop  }
0x3b: {  	_ = 	snop  }
0x3c: {  	p2 =	seq.s32 s10, $0x1;
	s10 =	sld [smem:$0x3FB5]  }
0x3d: {  	_ =	shalt  }
0x3e: {  	_ =	shalt  }
0x3f: {  	_ =	shalt  }
0x40: {  	_ =	shalt  }
0x41: {  	_ =	shalt  }
0x42: {  	_ =	shalt  }
0x43: {  	_ =	shalt  }
0x44: {  	_ =	shalt  }
0x45: {  	_ =	shalt  }
0x46: {  	_ =	shalt  }
0x47: {  	_ =	shalt  }
0x48: {  	_ =	shalt  }
0x49: {  	_ =	shalt  }
0x4a: {  	_ =	shalt  }
0x4b: {  	_ =	shalt  }
0x4c: {  	_ =	shalt  }
0x4d: {  	_ =	shalt  }
0x4e: {  	_ =	shalt  }
0x4f: {  	_ =	shalt  }
0x50: {  	_ =	shalt  }
0x51: {  	_ =	shalt  }
0x52: {  	_ =	shalt  }
0x53: {  	_ =	shalt  }
0x54: {  	_ =	shalt  }
0x55: {  	_ =	shalt  }
0x56: {  	_ =	shalt  }
0x57: {  	_ =	shalt  }
0x58: {  	_ =	shalt  }
0x59: {  	_ =	shalt  }
0x5a: {  	_ =	shalt  }
0x5b: {  	_ =	shalt  }
0x5c: {  	_ =	shalt  }
0x5d: {  	_ =	shalt  }
0x5e: {  	_ =	shalt  }
0x5f: {  	_ =	shalt  }
0x60: {  	_ =	shalt  }
0x61: {  	_ =	shalt  }
0x62: {  	_ =	shalt  }
0x63: {  	_ =	shalt  }
0x64: {  	_ =	shalt  }
0x65: {  	_ =	shalt  }
0x66: {  	_ =	shalt  }
0x67: {  	_ =	shalt  }
0x68: {  	_ =	shalt  }
0x69: {  	_ =	shalt  }
0x6a: {  	_ =	shalt  }
0x6b: {  	_ =	shalt  }
0x6c: {  	_ =	shalt  }
0x6d: {  	_ =	shalt  }
0x6e: {  	_ =	shalt  }
0x6f: {  	_ =	shalt  }
0x70: {  	_ =	shalt  }
0x71: {  	_ =	shalt  }
0x72: {  	_ =	shalt  }
0x73: {  	_ =	shalt  }
0x74: {  	_ =	shalt  }
0x75: {  	_ =	shalt  }
0x76: {  	_ =	shalt  }
0x77: {  	_ =	shalt  }
0x78: {  	_ =	shalt  }
0x79: {  	_ =	shalt  }
0x7a: {  	_ =	shalt  }
0x7b: {  	_ =	shalt  }
0x7c: {  	_ =	shalt  }
0x7d: {  	_ =	shalt  }
0x7e: {  	_ =	shalt  }
0x7f: {  	_ =	shalt  }
0x80: {  	_ =	shalt  }
0x81: {  	_ =	shalt  }
0x82: {  	_ =	shalt  }
0x83: {  	_ =	shalt  }
0x84: {  	_ =	shalt  }
0x85: {  	_ =	shalt  }
0x86: {  	_ =	shalt  }
0x87: {  	_ =	shalt  }
.Lfunc_end0:
.L_simem_size_0:
called_computation_lowered:
.L_overlay_start_0:
0x88: {  	s2 =	sld [smem:$0x3FD9]  }
0x89: {  	s3 =	sld [smem:$0x3FFE];
	_ =	sdelay $0x1  }
0x8a: {  	s1 =	srdreg.scid  }
0x8b: {  	s0 =	sand.u32 $0x1, s1  }
0x8c: {  	s17 =	sshll.u32 s0, $0xA;
	s2 =	sadd.s32 s3, s2  }
0x8d: {  	s2 =	sadd.s32 s2, s17  }
0x8e: {  	[smem:$0x3FC1] =	sst s2  }
0x8f: {  	_ = 	snop  }
0x90: {  	s2 =	sld [smem:$0x3FC7]  }
0x91: {  	s18 =	sld [smem:$0x3FC6]  }
0x92: {  	s4 =	sld [smem:$0x3FC5]  }
0x93: {  	s5 =	sld [smem:$0x3FD0];
	(tm) =	ssettm $0x1  }
0x94: {  	s6 =	sld [smem:$0x3FFB];
	_ =	sdelay $0x3  }
0x95: {  	_ =	strace s6  }
0x96: {  	s6 =	sld [smem:$0x3FFC];
	_ =	sdelay $0x3  }
0x97: {  	_ =	strace s6  }
0x98: {  	s6 =	sld [smem:$0x3FFD];
	_ =	sdelay $0x3  }
0x99: {  	_ =	strace s6  }
0x9a: {  	_ =	strace $0x8FFFFFFF  }
0x9b: {  	s19 =	sld [smem:$0x3FDB];
	_ =	sdelay $0x1  }
0x9c: {  	s7 =	simm.s32 $_scs_section_size  }
0x9d: {  	s8 =	simm.s32 $_size__tile_overlayer_lowered;
	s9 =	simm.s32 $_tile_overlayer_lowered  }
0x9e: {  	s22 =	simm.s32 $0x1BFF;
	s21 =	sshll.u32 s9, $0x1;
	s6 =	sadd.s32 s7, s19  }
0x9f: {  	s10 =	simm.s32 $0x0;
	s20 =	sshll.u32 s8, $0x1;
	s8 =	sadd.s32 s21, s6  }
0xa0: {  	[timem:s10], [sflag:s22] =	dma.local [hbm:s8], s20  }
0xa1: {  	_ =	swait.ge [sflag:s22], s20  }
0xa2: {  	s7 =	ssub.s32 $0x0, s20;
	[sflag:s22] =	ssyncset.done $0x0  }
0xa3: {  	[sflag:s22] =	ssyncadd.s32 s7;
	_ =	sdelay $0x1  }
0xa4: {  	s23 =	simm.s32 $0x1B8B  }
0xa5: {  	_ =	swait.ge [sflag:s23], $0x1  }
0xa6: {  	[sflag:s23] =	ssyncset.done $0x0  }
0xa7: {  	s25 =	simm.s32 $0x1B8E;
	s24 =	sld [smem:$0x3FFE];
	[sflag:s23] =	ssyncadd.s32 $0xFFFFFFFF  }
0xa8: {  	s26 =	simm.s32 $execute0_lowered;
	[smem:$0x3FD2] =	sst s25  }
0xa9: {  	s8 =	sshll.u32 s26, $0x1;
	_ =	strace $0x80000046;
	[dreg:$0x1] =	wrdreg $0xFFFFFFFF  }
0xaa: {  	s28 =	simm.s32 $_size_execute0_lowered;
	s6 =	sadd.s32 s6, s8;
	[dreg:$0x0] =	wrdreg $0x0  }
0xab: {  	s8 =	sshll.u32 s28, $0x1;
	[dreg:$0x2] =	wrdreg s6  }
0xac: {  	[dreg:$0x3] =	wrdreg s8  }
0xad: {  	[dreg:$0x4] =	wrdreg $0xC0  }
0xae: {  	_ =	task [dreg:s10], $0x5FFFF  }
0xaf: {  	[dreg:$0x1] =	wrdreg $0xFFFFFFFF  }
0xb0: {  	[dreg:$0x0] =	wrdreg $0x60  }
0xb1: {  	[dreg:$0x2] =	wrdreg s24  }
0xb2: {  	[dreg:$0x3] =	wrdreg s2  }
0xb3: {  	[dreg:$0x4] =	wrdreg s18  }
0xb4: {  	[dreg:$0x5] =	wrdreg s4  }
0xb5: {  	[dreg:$0x6] =	wrdreg s5  }
0xb6: {  	[dreg:$0x7] =	wrdreg $0x9  }
0xb7: {  	_ =	task.clear_ibuf [dreg:s10], $0x8FFFF;
	_ =	strace $0x90000046  }
0xb8: {  	s29 =	simm.s32 $0x9;
	_ =	strace $0x80000048  }
0xb9: {  	_ =	swait.ge [sflag:s29], $0x1  }
0xba: {  	[sflag:s29] =	ssyncadd.s32 $0xFFFFFFFF  }
0xbb: {  	_ =	strace $0x90000048  }
0xbc: {  	_ =	sfence  }
0xbd: {  	s30 =	sld [smem:$0x0];
	_ =	sdelay $0x2  }
0xbe: {  	s31 =	sshll.u32 s1, $0xD;
	s1 =	sshrl.u32 s1, $0x2  }
0xbf: {  	s3 =	sand.u32 $0x4000, s31;
	s1 =	sadd.s32 s1, s30  }
0xc0: {  	s0 =	sor.u32 s3, s0;
	s1 =	sshll.u32 s1, $0x11  }
0xc1: {  	s0 =	sor.u32 s1, s0  }
0xc2: {  	s0 =	sadd.s32 $0x8F2B, s0  }
0xc3: {  	[sflag:s0] =	ssyncadd.remote.s32 $0x1  }
0xc4: {  	_ =	sfence.sel $0xFFFF  }
0xc5: {  	[dreg:$0x0] =	wrdreg $0xFFFFFFFF;
	(pc) =	sbr.abs _section_cstart, $3  }
0xc6: {  	[dreg:$0x1] =	wrdreg $0xFFFFFFFF  }
0xc7: {  	_ =	task.clear_ibuf [dreg:s10], $0x2FFFF;
	_ =	strace $0x9FFFFFFF  }
0xc8: {  	(tm) =	ssettm $0x7FFFFFFF  }
0xc9: {  	_ =	shalt  }
tec
execute0_lowered:
.L_overlay_start_1:
0x0: {  	(tag) =	ssettag $0x1  }
0x1: {  	s0 =	rddreg [dreg:$0x0]  }
0x2: {  	s1 =	rddreg [dreg:$0x1]  }
0x3: {  	s7 =	rddreg [dreg:$0x2]  }
0x4: {  	s8 =	rddreg [dreg:$0x3]  }
0x5: {  	s9 =	rddreg [dreg:$0x4];
	s2 =	simm.s32 $0x0  }
0x6: {  	s3 =	srdreg.scid;
	s4 =	stileid.u32;
	s15 =	simm.s32 $0x80  }
0x7: {  	s17 =	simm.s32 $0x1400;
	s19 =	simm.s32 $0x5400;
	s14 =	simm.s32 $0x8800  }
0x8: {  	s16 =	simm.s32 $0xB00;
	s18 =	simm.s32 $0x4C00;
	s20 =	simm.s32 $0x1300  }
0x9: {  	s21 =	simm.s32 $0x8C00;
	s22 =	simm.s32 $0xB80;
	s23 =	simm.s32 $0x5000  }
0xa: {  	s24 =	simm.s32 $0x1380;
	s25 =	simm.s32 $0x9000;
	s28 =	simm.s32 $0x9600  }
0xb: {  	s29 =	simm.s32 $0x0;
	[smem:$0x7FF] =	sst s2;
	s5 =	sand.u32 $0x1, s3  }
0xc: {  	s3 =	sadd.s32 $0xA00, s0;
	s10 =	sshll.u32 s4, $0x1;
	s4 =	sadd.s32 $0x7AC00, s0  }
0xd: {  	_ =	strace $0x80000047;
	s6 =	ssub.s32 $0x2, s5;
	s10 =	sor.u32 s5, s10  }
0xe: {  	s5 =	sadd.s32 $0x800, s0;
	s11 =	sshrl.u32 s6, $0x1;
	s30 =	sshll.u32 s10, $0x6  }
0xf: {  	v0 =	vlaneseq.u32;
	s31 =	sshll.u32 s10, $0x7;
	s26 =	ssub.s32 s6, s11;
	s6 =	sadd.s32 s1, s30  }
0x10: {  	v3 =	vand.u32 $0x7, v0;
	s7 =	sadd.s32 s7, s30;
	s8 =	sadd.s32 s8, s30;
	s9 =	sadd.s32 s9, s31  }
0x11: {  	v1 =	vmul.u32 $0x8, v0;
	v2 =	vor.u32 $0xFFFFFF78, v3;
	v3 =	vor.u32 $0x80, v3;
	s11 =	simm.s32 $0x2;
	s10 =	smax.u32 s26, $0x1;
	s26 =	simm.s32 $0x1  }
.LBB2_1:
0x12: {  	[tilespmem:s2], [sflag:$0x2] =	stream.linear.gather [hbm4b:s6+s2], $0x200, $0x38;
	[tilespmem:$0x9B40] =	vst v63  }
0x13: {  	_ =	swait.ge [sflag:s11], $0x200  }
0x14: {  	[sflag:s11] =	ssyncset.done $0x0  }
0x15: {  	s0 =	simm.s32 $0x200;
	[sflag:s11] =	ssyncadd.s32 $0xFFFFFE00  }
0x16: {  	[tilespmem:s0], [sflag:$0x2] =	stream.linear.gather [hbm4b:s7+s2], $0x200, $0x38;
	[tilespmem:$0x9B40] =	vst v63  }
0x17: {  	_ =	swait.ge [sflag:s11], $0x200  }
0x18: {  	[sflag:s11] =	ssyncset.done $0x0  }
0x19: {  	s30 =	simm.s32 $0x9400;
	[sflag:s11] =	ssyncadd.s32 $0xFFFFFE00  }
0x1a: {  	[tilespmem:s30], [sflag:$0x2] =	stream.linear.gather [hbm4b:s8+s2], $0x200, $0x38;
	[tilespmem:$0x9B40] =	vst v63  }
0x1b: {  	_ =	swait.ge [sflag:s11], $0x200  }
0x1c: {  	[sflag:s11] =	ssyncset.done $0x0  }
0x1d: {  	s31 =	simm.s32 $0x9A00;
	[sflag:s11] =	ssyncadd.s32 $0xFFFFFE00  }
0x1e: {  	[tilespmem:s31], [sflag:$0x2] =	stream.linear.gather [hbm4b:s5+s2], $0x140, $0x38;
	[tilespmem:$0x9B40] =	vst v63  }
0x1f: {  	_ =	swait.ge [sflag:s11], $0x140  }
0x20: {  	[sflag:s11] =	ssyncset.done $0x0  }
0x21: {  	s1 =	simm.s32 $0x0;
	[sflag:s11] =	ssyncadd.s32 $0xFFFFFEC0  }
0x22: {  	v4 =	vld [tilespmem:s1+$0x200]  }
0x23: {  	v6 =	vld [tilespmem:s1+$0x0];
	_ =	sdelay $0x3  }
0x24: {  	v5 =	vshrl.u32 v4, $0x1;
	v4 =	vshrl.u32 v4, $0x3  }
0x25: {  	v7 =	vshrl.u32 v6, $0x1;
	v8 =	vand.u32 $0x7FFFFFC0, v5;
	v4 =	vand.u32 $0xF, v4  }
0x26: {  	s12 =	simm.s32 $0x80;
	s0 =	simm.s32 $0x10;
	v6 =	vshrl.u32 v6, $0x3;
	v5 =	vand.u32 $0x7FFFFFC0, v7;
	v4 =	vor.u32 v4, v8  }
.LBB2_2:
0x27: {  	p0 =	sne.s32 s12, $0x7C0;
	v7 =	vld [tilespmem:s0+$0x200];
	v6 =	vand.u32 $0xF, v6;
	[tilespmem:s1+$0xC00] =	vst v4;
	v8 =	vor.u32 $0x10, v4;
	v9 =	vor.u32 $0x30, v4  }
0x28: {  	v4 =	vor.u32 $0x20, v4;
	v10 =	vld [tilespmem:s0+$0x0];
	v11 =	vor.u32 v6, v5;
	[tilespmem:s1+$0x1200] =	vst v9  }
0x29: {  	v5 =	vor.u32 $0x10, v11;
	v6 =	vor.u32 $0x20, v11;
	v9 =	vor.u32 $0x30, v11;
	[tilespmem:s1+$0xE00] =	vst v8  }
.Ltmp0:
0x2a: {  	[tilespmem:s1+$0x600] =	vst v5;
	(pc) =	sbr.rel @p0 .LBB2_2-.Ltmp0, $4  }
0x2b: {  	[tilespmem:s1+$0x800] =	vst v6  }
0x2c: {  	v5 =	vshrl.u32 v7, $0x1;
	v6 =	vshrl.u32 v7, $0x3;
	[tilespmem:s1+$0xA00] =	vst v9  }
0x2d: {  	v7 =	vshrl.u32 v10, $0x1;
	v8 =	vand.u32 $0x7FFFFFC0, v5;
	v9 =	vand.u32 $0xF, v6;
	[tilespmem:s1+$0x1000] =	vst v4  }
0x2e: {  	v6 =	vshrl.u32 v10, $0x3;
	v5 =	vand.u32 $0x7FFFFFC0, v7;
	v4 =	vor.u32 v9, v8;
	[tilespmem:s1+$0x400] =	vst v11;
	s1 =	smov.u32 s0;
	s0 =	sshra.s32 s12, $0x2;
	s12 =	sadd.s32 $0x40, s12  }
0x2f: {  	v7 =	vld [tilespmem:s0+$0x200];
	[tilespmem:s1+$0xC00] =	vst v4;
	v8 =	vor.u32 $0x30, v4  }
0x30: {  	v6 =	vand.u32 $0xF, v6;
	v10 =	vor.u32 $0x10, v4;
	v9 =	vld [tilespmem:s0+$0x0];
	[tilespmem:s1+$0x1200] =	vst v8  }
0x31: {  	v4 =	vor.u32 $0x20, v4;
	v5 =	vor.u32 v6, v5;
	[tilespmem:s1+$0xE00] =	vst v10  }
0x32: {  	[tilespmem:s1+$0x1000] =	vst v4;
	v6 =	vor.u32 $0x10, v5  }
0x33: {  	v8 =	vor.u32 $0x20, v5;
	[tilespmem:s1+$0x600] =	vst v6  }
0x34: {  	v6 =	vor.u32 $0x30, v5;
	[tilespmem:s1+$0x800] =	vst v8;
	v8 =	vshrl.u32 v7, $0x1;
	v7 =	vshrl.u32 v7, $0x3  }
0x35: {  	[tilespmem:s1+$0xA00] =	vst v6;
	v6 =	vand.u32 $0x7FFFFFC0, v8;
	v7 =	vand.u32 $0xF, v7  }
0x36: {  	[tilespmem:s1+$0x400] =	vst v5;
	v6 =	vor.u32 v7, v6  }
0x37: {  	v8 =	vshrl.u32 v9, $0x3;
	[tilespmem:s0+$0xC00] =	vst v6;
	v7 =	vor.u32 $0x30, v6  }
0x38: {  	v4 =	vshrl.u32 v9, $0x1;
	v5 =	vand.u32 $0xF, v8;
	v8 =	vor.u32 $0x10, v6;
	[tilespmem:s0+$0x1200] =	vst v7  }
0x39: {  	v4 =	vand.u32 $0x7FFFFFC0, v4;
	v6 =	vor.u32 $0x20, v6;
	[tilespmem:s0+$0xE00] =	vst v8  }
0x3a: {  	v4 =	vor.u32 v5, v4;
	[tilespmem:s0+$0x1000] =	vst v6  }
0x3b: {  	v5 =	vor.u32 $0x10, v4;
	[tilespmem:s0+$0x400] =	vst v4  }
0x3c: {  	v7 =	vor.u32 $0x20, v4;
	[tilespmem:s0+$0x600] =	vst v5  }
0x3d: {  	v5 =	vor.u32 $0x30, v4;
	[tilespmem:s0+$0x800] =	vst v7  }
0x3e: {  	s13 =	simm.s32 $0x400;
	[tilespmem:s0+$0xA00] =	vst v5  }
0x3f: {  	[tilespmem:s17], [sflag:$0x1] =	stream.indirect.gather [hbm4b:s3+s15], $0x8, s13, s15, $0xb8;
	[tilespmem:$0x9B40] =	vst v63  }
0x40: {  	s1 =	simm.s32 $0xC00  }
0x41: {  	[tilespmem:s19], [sflag:$0x1] =	stream.indirect.gather [hbm4b:s4+s15], $0x8, s1, s15, $0xb8;
	[tilespmem:$0x9B40] =	vst v63  }
0x42: {  	s12 =	simm.s32 $0x480;
	s13 =	simm.s32 $0x1800  }
0x43: {  	[tilespmem:s13], [sflag:$0x1] =	stream.indirect.gather [hbm4b:s3+s15], $0x8, s12, s15, $0xb8;
	[tilespmem:$0x9B40] =	vst v63  }
0x44: {  	s12 =	simm.s32 $0xC80;
	s13 =	simm.s32 $0x5800  }
0x45: {  	[tilespmem:s13], [sflag:$0x1] =	stream.indirect.gather [hbm4b:s4+s15], $0x8, s12, s15, $0xb8;
	[tilespmem:$0x9B40] =	vst v63  }
0x46: {  	s12 =	simm.s32 $0x500;
	s13 =	simm.s32 $0x1C00  }
0x47: {  	[tilespmem:s13], [sflag:$0x1] =	stream.indirect.gather [hbm4b:s3+s15], $0x8, s12, s15, $0xb8;
	[tilespmem:$0x9B40] =	vst v63  }
0x48: {  	s12 =	simm.s32 $0xD00;
	s13 =	simm.s32 $0x5C00  }
0x49: {  	[tilespmem:s13], [sflag:$0x1] =	stream.indirect.gather [hbm4b:s4+s15], $0x8, s12, s15, $0xb8;
	[tilespmem:$0x9B40] =	vst v63  }
0x4a: {  	s12 =	simm.s32 $0x580;
	s13 =	simm.s32 $0x2000  }
0x4b: {  	[tilespmem:s13], [sflag:$0x1] =	stream.indirect.gather [hbm4b:s3+s15], $0x8, s12, s15, $0xb8;
	[tilespmem:$0x9B40] =	vst v63  }
0x4c: {  	s12 =	simm.s32 $0xD80;
	s13 =	simm.s32 $0x6000  }
0x4d: {  	[tilespmem:s13], [sflag:$0x1] =	stream.indirect.gather [hbm4b:s4+s15], $0x8, s12, s15, $0xb8;
	[tilespmem:$0x9B40] =	vst v63  }
0x4e: {  	s12 =	simm.s32 $0x600;
	s13 =	simm.s32 $0x2400  }
0x4f: {  	[tilespmem:s13], [sflag:$0x1] =	stream.indirect.gather [hbm4b:s3+s15], $0x8, s12, s15, $0xb8;
	[tilespmem:$0x9B40] =	vst v63  }
0x50: {  	s12 =	simm.s32 $0xE00;
	s13 =	simm.s32 $0x6400  }
0x51: {  	[tilespmem:s13], [sflag:$0x1] =	stream.indirect.gather [hbm4b:s4+s15], $0x8, s12, s15, $0xb8;
	[tilespmem:$0x9B40] =	vst v63  }
0x52: {  	s12 =	simm.s32 $0x680;
	s13 =	simm.s32 $0x2800  }
0x53: {  	[tilespmem:s13], [sflag:$0x1] =	stream.indirect.gather [hbm4b:s3+s15], $0x8, s12, s15, $0xb8;
	[tilespmem:$0x9B40] =	vst v63  }
0x54: {  	s12 =	simm.s32 $0xE80;
	s13 =	simm.s32 $0x6800  }
0x55: {  	[tilespmem:s13], [sflag:$0x1] =	stream.indirect.gather [hbm4b:s4+s15], $0x8, s12, s15, $0xb8;
	[tilespmem:$0x9B40] =	vst v63  }
0x56: {  	s12 =	simm.s32 $0x700;
	s13 =	simm.s32 $0x2C00  }
0x57: {  	[tilespmem:s13], [sflag:$0x1] =	stream.indirect.gather [hbm4b:s3+s15], $0x8, s12, s15, $0xb8;
	[tilespmem:$0x9B40] =	vst v63  }
0x58: {  	s12 =	simm.s32 $0xF00;
	s13 =	simm.s32 $0x6C00  }
0x59: {  	[tilespmem:s13], [sflag:$0x1] =	stream.indirect.gather [hbm4b:s4+s15], $0x8, s12, s15, $0xb8;
	[tilespmem:$0x9B40] =	vst v63  }
0x5a: {  	s12 =	simm.s32 $0x780;
	s13 =	simm.s32 $0x3000  }
0x5b: {  	[tilespmem:s13], [sflag:$0x1] =	stream.indirect.gather [hbm4b:s3+s15], $0x8, s12, s15, $0xb8;
	[tilespmem:$0x9B40] =	vst v63  }
0x5c: {  	s12 =	simm.s32 $0xF80;
	s13 =	simm.s32 $0x7000  }
0x5d: {  	[tilespmem:s13], [sflag:$0x1] =	stream.indirect.gather [hbm4b:s4+s15], $0x8, s12, s15, $0xb8;
	[tilespmem:$0x9B40] =	vst v63  }
0x5e: {  	s12 =	simm.s32 $0x800;
	s13 =	simm.s32 $0x3400  }
0x5f: {  	[tilespmem:s13], [sflag:$0x1] =	stream.indirect.gather [hbm4b:s3+s15], $0x8, s12, s15, $0xb8;
	[tilespmem:$0x9B40] =	vst v63  }
0x60: {  	s12 =	simm.s32 $0x1000;
	s13 =	simm.s32 $0x7400  }
0x61: {  	[tilespmem:s13], [sflag:$0x1] =	stream.indirect.gather [hbm4b:s4+s15], $0x8, s12, s15, $0xb8;
	[tilespmem:$0x9B40] =	vst v63  }
0x62: {  	s12 =	simm.s32 $0x880;
	s13 =	simm.s32 $0x3800  }
0x63: {  	[tilespmem:s13], [sflag:$0x1] =	stream.indirect.gather [hbm4b:s3+s15], $0x8, s12, s15, $0xb8;
	[tilespmem:$0x9B40] =	vst v63  }
0x64: {  	s12 =	simm.s32 $0x1080;
	s13 =	simm.s32 $0x7800  }
0x65: {  	[tilespmem:s13], [sflag:$0x1] =	stream.indirect.gather [hbm4b:s4+s15], $0x8, s12, s15, $0xb8;
	[tilespmem:$0x9B40] =	vst v63  }
0x66: {  	s12 =	simm.s32 $0x900;
	s13 =	simm.s32 $0x3C00  }
0x67: {  	[tilespmem:s13], [sflag:$0x1] =	stream.indirect.gather [hbm4b:s3+s15], $0x8, s12, s15, $0xb8;
	[tilespmem:$0x9B40] =	vst v63  }
0x68: {  	s12 =	simm.s32 $0x1100;
	s13 =	simm.s32 $0x7C00  }
0x69: {  	[tilespmem:s13], [sflag:$0x1] =	stream.indirect.gather [hbm4b:s4+s15], $0x8, s12, s15, $0xb8;
	[tilespmem:$0x9B40] =	vst v63  }
0x6a: {  	s12 =	simm.s32 $0x980;
	s13 =	simm.s32 $0x4000  }
0x6b: {  	[tilespmem:s13], [sflag:$0x1] =	stream.indirect.gather [hbm4b:s3+s15], $0x8, s12, s15, $0xb8;
	[tilespmem:$0x9B40] =	vst v63  }
0x6c: {  	s12 =	simm.s32 $0x1180;
	s13 =	simm.s32 $0x8000  }
0x6d: {  	[tilespmem:s13], [sflag:$0x1] =	stream.indirect.gather [hbm4b:s4+s15], $0x8, s12, s15, $0xb8;
	[tilespmem:$0x9B40] =	vst v63  }
0x6e: {  	s12 =	simm.s32 $0xA00;
	s13 =	simm.s32 $0x4400  }
0x6f: {  	[tilespmem:s13], [sflag:$0x1] =	stream.indirect.gather [hbm4b:s3+s15], $0x8, s12, s15, $0xb8;
	[tilespmem:$0x9B40] =	vst v63  }
0x70: {  	s12 =	simm.s32 $0x1200;
	s13 =	simm.s32 $0x8400  }
0x71: {  	[tilespmem:s13], [sflag:$0x1] =	stream.indirect.gather [hbm4b:s4+s15], $0x8, s12, s15, $0xb8;
	[tilespmem:$0x9B40] =	vst v63  }
0x72: {  	s12 =	simm.s32 $0xA80;
	s13 =	simm.s32 $0x4800  }
0x73: {  	[tilespmem:s13], [sflag:$0x1] =	stream.indirect.gather [hbm4b:s3+s15], $0x8, s12, s15, $0xb8;
	[tilespmem:$0x9B40] =	vst v63  }
0x74: {  	s12 =	simm.s32 $0x1280  }
0x75: {  	[tilespmem:s14], [sflag:$0x1] =	stream.indirect.gather [hbm4b:s4+s15], $0x8, s12, s15, $0xb8;
	[tilespmem:$0x9B40] =	vst v63  }
0x76: {  	_ = 	snop  }
0x77: {  	[tilespmem:s18], [sflag:$0x1] =	stream.indirect.gather [hbm4b:s3+s15], $0x8, s16, s15, $0xb8;
	[tilespmem:$0x9B40] =	vst v63  }
0x78: {  	_ = 	snop  }
0x79: {  	[tilespmem:s21], [sflag:$0x1] =	stream.indirect.gather [hbm4b:s4+s15], $0x8, s20, s15, $0xb8;
	[tilespmem:$0x9B40] =	vst v63  }
0x7a: {  	_ = 	snop  }
0x7b: {  	[tilespmem:s23], [sflag:$0x1] =	stream.indirect.gather [hbm4b:s3+s15], $0x8, s22, s15, $0xb8;
	[tilespmem:$0x9B40] =	vst v63  }
0x7c: {  	_ = 	snop  }
0x7d: {  	[tilespmem:s25], [sflag:$0x1] =	stream.indirect.gather [hbm4b:s4+s15], $0x8, s24, s15, $0xb8;
	[tilespmem:$0x9B40] =	vst v63  }
0x7e: {  	_ =	swait.ge [sflag:s26], $0x400  }
0x7f: {  	[sflag:s26] =	ssyncset.done $0x0  }
0x80: {  	[sflag:s26] =	ssyncadd.s32 $0xFFFFFC00  }
0x81: {  	_ =	swait.ge [sflag:s26], $0x400  }
0x82: {  	[sflag:s26] =	ssyncset.done $0x0  }
0x83: {  	[sflag:s26] =	ssyncadd.s32 $0xFFFFFC00  }
0x84: {  	_ =	swait.ge [sflag:s26], $0x400  }
0x85: {  	[sflag:s26] =	ssyncset.done $0x0  }
0x86: {  	[sflag:s26] =	ssyncadd.s32 $0xFFFFFC00  }
0x87: {  	_ =	swait.ge [sflag:s26], $0x400  }
0x88: {  	[sflag:s26] =	ssyncset.done $0x0  }
0x89: {  	[sflag:s26] =	ssyncadd.s32 $0xFFFFFC00  }
0x8a: {  	_ =	swait.ge [sflag:s26], $0x400  }
0x8b: {  	[sflag:s26] =	ssyncset.done $0x0  }
0x8c: {  	[sflag:s26] =	ssyncadd.s32 $0xFFFFFC00  }
0x8d: {  	_ =	swait.ge [sflag:s26], $0x400  }
0x8e: {  	[sflag:s26] =	ssyncset.done $0x0  }
0x8f: {  	[sflag:s26] =	ssyncadd.s32 $0xFFFFFC00  }
0x90: {  	_ =	swait.ge [sflag:s26], $0x400  }
0x91: {  	[sflag:s26] =	ssyncset.done $0x0  }
0x92: {  	[sflag:s26] =	ssyncadd.s32 $0xFFFFFC00  }
0x93: {  	_ =	swait.ge [sflag:s26], $0x400  }
0x94: {  	[sflag:s26] =	ssyncset.done $0x0  }
0x95: {  	[sflag:s26] =	ssyncadd.s32 $0xFFFFFC00  }
0x96: {  	_ =	swait.ge [sflag:s26], $0x400  }
0x97: {  	[sflag:s26] =	ssyncset.done $0x0  }
0x98: {  	[sflag:s26] =	ssyncadd.s32 $0xFFFFFC00  }
0x99: {  	_ =	swait.ge [sflag:s26], $0x400  }
0x9a: {  	[sflag:s26] =	ssyncset.done $0x0  }
0x9b: {  	[sflag:s26] =	ssyncadd.s32 $0xFFFFFC00  }
0x9c: {  	_ =	swait.ge [sflag:s26], $0x400  }
0x9d: {  	[sflag:s26] =	ssyncset.done $0x0  }
0x9e: {  	[sflag:s26] =	ssyncadd.s32 $0xFFFFFC00  }
0x9f: {  	_ =	swait.ge [sflag:s26], $0x400  }
0xa0: {  	[sflag:s26] =	ssyncset.done $0x0  }
0xa1: {  	[sflag:s26] =	ssyncadd.s32 $0xFFFFFC00  }
0xa2: {  	_ =	swait.ge [sflag:s26], $0x400  }
0xa3: {  	[sflag:s26] =	ssyncset.done $0x0  }
0xa4: {  	[sflag:s26] =	ssyncadd.s32 $0xFFFFFC00  }
0xa5: {  	_ =	swait.ge [sflag:s26], $0x400  }
0xa6: {  	[sflag:s26] =	ssyncset.done $0x0  }
0xa7: {  	[sflag:s26] =	ssyncadd.s32 $0xFFFFFC00  }
0xa8: {  	_ =	swait.ge [sflag:s26], $0x400  }
0xa9: {  	[sflag:s26] =	ssyncset.done $0x0  }
0xaa: {  	[sflag:s26] =	ssyncadd.s32 $0xFFFFFC00  }
0xab: {  	_ =	swait.ge [sflag:s26], $0x400  }
0xac: {  	[sflag:s26] =	ssyncset.done $0x0  }
0xad: {  	[sflag:s26] =	ssyncadd.s32 $0xFFFFFC00  }
0xae: {  	_ =	swait.ge [sflag:s26], $0x400  }
0xaf: {  	[sflag:s26] =	ssyncset.done $0x0  }
0xb0: {  	[sflag:s26] =	ssyncadd.s32 $0xFFFFFC00  }
0xb1: {  	_ =	swait.ge [sflag:s26], $0x400  }
0xb2: {  	[sflag:s26] =	ssyncset.done $0x0  }
0xb3: {  	[sflag:s26] =	ssyncadd.s32 $0xFFFFFC00  }
0xb4: {  	_ =	swait.ge [sflag:s26], $0x400  }
0xb5: {  	[sflag:s26] =	ssyncset.done $0x0  }
0xb6: {  	[sflag:s26] =	ssyncadd.s32 $0xFFFFFC00  }
0xb7: {  	_ =	swait.ge [sflag:s26], $0x400  }
0xb8: {  	[sflag:s26] =	ssyncset.done $0x0  }
0xb9: {  	[sflag:s26] =	ssyncadd.s32 $0xFFFFFC00  }
0xba: {  	_ =	swait.ge [sflag:s26], $0x400  }
0xbb: {  	[sflag:s26] =	ssyncset.done $0x0  }
0xbc: {  	[sflag:s26] =	ssyncadd.s32 $0xFFFFFC00  }
0xbd: {  	_ =	swait.ge [sflag:s26], $0x400  }
0xbe: {  	[sflag:s26] =	ssyncset.done $0x0  }
0xbf: {  	[sflag:s26] =	ssyncadd.s32 $0xFFFFFC00  }
0xc0: {  	_ =	swait.ge [sflag:s26], $0x400  }
0xc1: {  	[sflag:s26] =	ssyncset.done $0x0  }
0xc2: {  	[sflag:s26] =	ssyncadd.s32 $0xFFFFFC00  }
0xc3: {  	_ =	swait.ge [sflag:s26], $0x400  }
0xc4: {  	[sflag:s26] =	ssyncset.done $0x0  }
0xc5: {  	[sflag:s26] =	ssyncadd.s32 $0xFFFFFC00  }
0xc6: {  	_ =	swait.ge [sflag:s26], $0x400  }
0xc7: {  	[sflag:s26] =	ssyncset.done $0x0  }
0xc8: {  	[sflag:s26] =	ssyncadd.s32 $0xFFFFFC00  }
0xc9: {  	_ =	swait.ge [sflag:s26], $0x400  }
0xca: {  	[sflag:s26] =	ssyncset.done $0x0  }
0xcb: {  	[sflag:s26] =	ssyncadd.s32 $0xFFFFFC00  }
0xcc: {  	_ =	swait.ge [sflag:s26], $0x400  }
0xcd: {  	[sflag:s26] =	ssyncset.done $0x0  }
0xce: {  	[sflag:s26] =	ssyncadd.s32 $0xFFFFFC00  }
0xcf: {  	_ =	swait.ge [sflag:s26], $0x400  }
0xd0: {  	[sflag:s26] =	ssyncset.done $0x0  }
0xd1: {  	[sflag:s26] =	ssyncadd.s32 $0xFFFFFC00  }
0xd2: {  	_ =	swait.ge [sflag:s26], $0x400  }
0xd3: {  	[sflag:s26] =	ssyncset.done $0x0  }
0xd4: {  	[sflag:s26] =	ssyncadd.s32 $0xFFFFFC00  }
0xd5: {  	_ =	swait.ge [sflag:s26], $0x400  }
0xd6: {  	[sflag:s26] =	ssyncset.done $0x0  }
0xd7: {  	[sflag:s26] =	ssyncadd.s32 $0xFFFFFC00  }
0xd8: {  	_ =	swait.ge [sflag:s26], $0x400  }
0xd9: {  	[sflag:s26] =	ssyncset.done $0x0  }
0xda: {  	[sflag:s26] =	ssyncadd.s32 $0xFFFFFC00  }
0xdb: {  	_ =	swait.ge [sflag:s26], $0x400  }
0xdc: {  	[sflag:s26] =	ssyncset.done $0x0  }
0xdd: {  	[sflag:s26] =	ssyncadd.s32 $0xFFFFFC00  }
0xde: {  	s0 =	simm.s32 $0x0;
	v4 =	vld [tilespmem:$0x9B00]  }
0xdf: {  	v5 =	vld [tilespmem:s0+$0x0]  }
0xe0: {  	v6 =	vld [tilespmem:$0x9AD0]  }
0xe1: {  	v7 =	vld [tilespmem:$0x9AB0]  }
0xe2: {  	v8 =	vld [tilespmem:$0x9A90]  }
0xe3: {  	v43 =	vld [tilespmem:$0x9A70]  }
0xe4: {  	v42 =	vor.u32 s0, v0;
	s13 =	simm.s32 $0x200;
	v13 =	vld [tilespmem:$0x9A50]  }
0xe5: {  	v11 =	vshll.u32 v42, $0x3;
	v12 =	vmov s13;
	v14 =	vld [tilespmem:$0x9B30];
	v5 =	vand.u32 $0x7, v5  }
0xe6: {  	s31 =	simm.s32 $0x200;
	v12 =	vshll.u32 v12, $0x3;
	s12 =	simm.s32 $0x400;
	v16 =	vld [tilespmem:$0x9A30];
	v15 =	vor.u32 v11, v5  }
0xe7: {  	v12 =	vor.u32 v1, v12;
	v17 =	vmov s12;
	v18 =	vld [tilespmem:s31+$0x0]  }
0xe8: {  	s13 =	simm.s32 $0x600;
	v17 =	vshll.u32 v17, $0x3;
	v20 =	vld [tilespmem:$0x9B20];
	v19 =	vor.u32 v12, v5  }
0xe9: {  	v21 =	vmov s13;
	v17 =	vor.u32 v1, v17;
	v22 =	vld [tilespmem:$0x9A10]  }
0xea: {  	v21 =	vshll.u32 v21, $0x3;
	v24 =	vld [tilespmem:$0x9A00];
	v23 =	vor.u32 v17, v5  }
0xeb: {  	v21 =	vor.u32 v1, v21;
	v15 =	vld.idx.msk [tilespmem:v15+s17+$0x0], $0xffff  }
0xec: {  	v25 =	vld [tilespmem:$0x9A20];
	v5 =	vor.u32 v21, v5  }
0xed: {  	v18 =	vand.u32 $0x7, v18;
	v19 =	vld.idx.msk [tilespmem:v19+s17+$0x0], $0xffff  }
0xee: {  	v26 =	vld [tilespmem:$0x9A40];
	v11 =	vor.u32 v11, v18  }
0xef: {  	v23 =	vld.idx.msk [tilespmem:v23+s17+$0x0], $0xffff  }
0xf0: {  	v44 =	vld [tilespmem:$0x9A60];
	v12 =	vor.u32 v12, v18;
	v24 =	vmul.f32 v24, v15  }
0xf1: {  	v5 =	vld.idx.msk [tilespmem:v5+s17+$0x0], $0xffff;
	v15 =	vmul.f32 v22, v15  }
0xf2: {  	v47 =	vld [tilespmem:$0x9A80];
	v17 =	vor.u32 v17, v18;
	v45 =	vmul.f32 v25, v19;
	v20 =	vadd.f32 v24, v20  }
0xf3: {  	v11 =	vld.idx.msk [tilespmem:v11+s19+$0x0], $0xffff;
	v46 =	vmul.f32 v16, v19;
	v14 =	vadd.f32 v15, v14  }
0xf4: {  	v50 =	vld [tilespmem:$0x9AA0];
	v18 =	vor.u32 v21, v18;
	v49 =	vmul.f32 v26, v23;
	v48 =	vadd.f32 v45, v20  }
0xf5: {  	v12 =	vld.idx.msk [tilespmem:v12+s19+$0x0], $0xffff;
	v13 =	vmul.f32 v13, v23;
	v14 =	vadd.f32 v46, v14  }
0xf6: {  	v52 =	vld [tilespmem:$0x9AC0];
	v51 =	vmul.f32 v44, v5;
	v19 =	vadd.f32 v49, v48  }
0xf7: {  	v17 =	vld.idx.msk [tilespmem:v17+s19+$0x0], $0xffff;
	v5 =	vmul.f32 v43, v5;
	v13 =	vadd.f32 v13, v14  }
0xf8: {  	v55 =	vld [tilespmem:$0x9AE0];
	v16 =	vmul.f32 v47, v11;
	v53 =	vadd.f32 v51, v19  }
0xf9: {  	v54 =	vmov s0;
	v18 =	vld.idx.msk [tilespmem:v18+s19+$0x0], $0xffff;
	v8 =	vmul.f32 v8, v11;
	v5 =	vadd.f32 v5, v13  }
0xfa: {  	s30 =	simm.s32 $0x9400;
	v9 =	vand.u32 $0x7F, v42;
	v58 =	vld [tilespmem:$0x9AF0];
	v57 =	vmul.f32 v50, v12;
	v56 =	vadd.f32 v16, v53  }
0xfb: {  	v59 =	vshll.u32 v54, $0x1;
	v7 =	vmul.f32 v7, v12;
	v5 =	vadd.f32 v8, v5;
	v8 =	vld [tilespmem:s30+$0x0]  }
0xfc: {  	v60 =	vld [tilespmem:$0x9B10];
	v10 =	vmul.f32 v52, v17;
	v12 =	vand.u32 $0x300, v59;
	v13 =	vadd.f32 v57, v56  }
0xfd: {  	v6 =	vmul.f32 v6, v17;
	v5 =	vadd.f32 v7, v5;
	v7 =	vor.u32 v9, v12  }
0xfe: {  	v62 =	vmul.f32 v55, v18;
	v63 =	vand.u32 v2, v7;
	v61 =	vadd.f32 v10, v13  }
0xff: {  	v7 =	vand.u32 $0x378, v7;
	v5 =	vadd.f32 v6, v5;
	v6 =	vmul.f32 v58, v18  }
0x100: {  	v7 =	vor.u32 v3, v7;
	v4 =	vmul.f32 v4, v8;
	v9 =	vadd.f32 v62, v61  }
0x101: {  	v5 =	vadd.f32 v6, v5;
	v6 =	vmul.f32 v60, v8  }
0x102: {  	v4 =	vadd.f32 v4, v9  }
0x103: {  	v5 =	vadd.f32 v6, v5  }
0x104: {  	[tilespmem:v63+s28+$0x0] =	vst.idx.msk $0xffff, v4  }
0x105: {  	[tilespmem:v7+s28+$0x0] =	vst.idx.msk $0xffff, v5  }
0x106: {  	s0 =	simm.s32 $0x10;
	v4 =	vld [tilespmem:$0x9B00]  }
0x107: {  	v6 =	vld [tilespmem:s0+$0x0]  }
0x108: {  	s1 =	simm.s32 $0x20;
	s12 =	simm.s32 $0x10;
	v5 =	vld [tilespmem:$0x9AD0]  }
.LBB2_4:
0x109: {  	p0 =	sne.s32 s1, $0x1F0;
	v7 =	vld [tilespmem:$0x9AB0]  }
0x10a: {  	v8 =	vld [tilespmem:$0x9A90]  }
0x10b: {  	v9 =	vor.u32 s0, v0;
	s13 =	sadd.s32 $0x200, s0;
	v10 =	vld [tilespmem:$0x9A70]  }
0x10c: {  	v11 =	vshll.u32 v9, $0x3;
	v12 =	vmov s13;
	v6 =	vand.u32 $0x7, v6;
	v13 =	vld [tilespmem:$0x9A50]  }
0x10d: {  	s13 =	sadd.s32 $0x400, s0;
	v12 =	vshll.u32 v12, $0x3;
	v14 =	vld [tilespmem:$0x9B30];
	v15 =	vor.u32 v11, v6  }
0x10e: {  	s31 =	sadd.s32 $0x10, s31;
	v17 =	vmov s13;
	v12 =	vor.u32 v1, v12;
	v16 =	vld [tilespmem:$0x9A30]  }
0x10f: {  	s13 =	sadd.s32 $0x600, s0;
	v17 =	vshll.u32 v17, $0x3;
	v19 =	vor.u32 v12, v6;
	v18 =	vld [tilespmem:s31+$0x0]  }
0x110: {  	v21 =	vmov s13;
	v17 =	vor.u32 v1, v17;
	v20 =	vld [tilespmem:$0x9B20]  }
0x111: {  	v21 =	vshll.u32 v21, $0x3;
	v23 =	vor.u32 v17, v6;
	v22 =	vld [tilespmem:$0x9A10]  }
0x112: {  	v21 =	vor.u32 v1, v21;
	v15 =	vld.idx.msk [tilespmem:v15+s17+$0x0], $0xffff  }
0x113: {  	v6 =	vor.u32 v21, v6;
	v24 =	vld [tilespmem:$0x9A00]  }
0x114: {  	v18 =	vand.u32 $0x7, v18;
	v19 =	vld.idx.msk [tilespmem:v19+s17+$0x0], $0xffff  }
0x115: {  	v25 =	vld [tilespmem:$0x9A20];
	v11 =	vor.u32 v11, v18  }
0x116: {  	v23 =	vld.idx.msk [tilespmem:v23+s17+$0x0], $0xffff  }
0x117: {  	v12 =	vor.u32 v12, v18;
	v26 =	vld [tilespmem:$0x9A40]  }
0x118: {  	v24 =	vmul.f32 v24, v15;
	v6 =	vld.idx.msk [tilespmem:v6+s17+$0x0], $0xffff  }
0x119: {  	v17 =	vor.u32 v17, v18;
	v15 =	vmul.f32 v22, v15;
	v22 =	vld [tilespmem:$0x9A60]  }
0x11a: {  	v20 =	vadd.f32 v24, v20;
	v24 =	vmul.f32 v25, v19;
	v11 =	vld.idx.msk [tilespmem:v11+s19+$0x0], $0xffff  }
0x11b: {  	v18 =	vor.u32 v21, v18;
	v14 =	vadd.f32 v15, v14;
	v15 =	vmul.f32 v16, v19;
	v16 =	vld [tilespmem:$0x9A80]  }
0x11c: {  	v19 =	vadd.f32 v24, v20;
	v20 =	vmul.f32 v26, v23;
	v12 =	vld.idx.msk [tilespmem:v12+s19+$0x0], $0xffff  }
0x11d: {  	v13 =	vmul.f32 v13, v23;
	v14 =	vadd.f32 v15, v14;
	v15 =	vld [tilespmem:$0x9AA0]  }
0x11e: {  	v19 =	vadd.f32 v20, v19;
	v20 =	vmul.f32 v22, v6;
	v17 =	vld.idx.msk [tilespmem:v17+s19+$0x0], $0xffff  }
0x11f: {  	v13 =	vadd.f32 v13, v14;
	v6 =	vmul.f32 v10, v6;
	v10 =	vld [tilespmem:$0x9AC0]  }
0x120: {  	v14 =	vadd.f32 v20, v19;
	v16 =	vmul.f32 v16, v11;
	v18 =	vld.idx.msk [tilespmem:v18+s19+$0x0], $0xffff  }
0x121: {  	v8 =	vmul.f32 v8, v11;
	v19 =	vmov s0;
	v6 =	vadd.f32 v6, v13;
	s0 =	smov.u32 s1;
	v11 =	vld [tilespmem:$0x9AE0]  }
0x122: {  	s30 =	sadd.s32 $0x10, s30;
	v9 =	vand.u32 $0x7F, v9;
	v13 =	vadd.f32 v16, v14;
	v14 =	vmul.f32 v15, v12;
	v15 =	vld [tilespmem:$0x9AF0]  }
0x123: {  	v7 =	vmul.f32 v7, v12;
	v6 =	vadd.f32 v8, v6;
	v12 =	vshll.u32 v19, $0x1;
	v8 =	vld [tilespmem:s30+$0x0]  }
0x124: {  	v12 =	vand.u32 $0x300, v12;
	v13 =	vadd.f32 v14, v13;
	v10 =	vmul.f32 v10, v17;
	v14 =	vld [tilespmem:$0x9B10]  }
0x125: {  	v5 =	vmul.f32 v5, v17;
	v6 =	vadd.f32 v7, v6;
	v7 =	vor.u32 v9, v12  }
0x126: {  	v9 =	vadd.f32 v10, v13;
	v10 =	vmul.f32 v11, v18;
	v11 =	vand.u32 v2, v7  }
0x127: {  	v5 =	vadd.f32 v5, v6;
	v7 =	vand.u32 $0x378, v7;
	v6 =	vmul.f32 v15, v18  }
0x128: {  	v7 =	vor.u32 v3, v7;
	v9 =	vadd.f32 v10, v9;
	v4 =	vmul.f32 v4, v8  }
0x129: {  	v5 =	vadd.f32 v6, v5;
	v6 =	vmul.f32 v14, v8  }
0x12a: {  	v4 =	vadd.f32 v4, v9  }
0x12b: {  	v5 =	vadd.f32 v6, v5  }
.Ltmp1:
0x12c: {  	[tilespmem:v11+s28+$0x0] =	vst.idx.msk $0xffff, v4;
	(pc) =	sbr.rel @p0 .LBB2_4-.Ltmp1, $4  }
0x12d: {  	[tilespmem:v7+s28+$0x0] =	vst.idx.msk $0xffff, v5  }
0x12e: {  	s12 =	sadd.s32 $0x10, s12;
	v4 =	vld [tilespmem:$0x9B00]  }
0x12f: {  	v6 =	vld [tilespmem:s12+$0x0]  }
0x130: {  	s1 =	sadd.s32 $0x10, s1;
	v5 =	vld [tilespmem:$0x9AD0]  }
0x131: {  	v7 =	vld [tilespmem:$0x9AB0]  }
0x132: {  	v8 =	vld [tilespmem:$0x9A90]  }
0x133: {  	v10 =	vld [tilespmem:$0x9A70]  }
0x134: {  	v13 =	vld [tilespmem:$0x9A50]  }
0x135: {  	v9 =	vor.u32 s0, v0;
	s1 =	sadd.s32 $0x200, s0;
	v14 =	vld [tilespmem:$0x9B30]  }
0x136: {  	v16 =	vld [tilespmem:$0x9A30];
	v11 =	vshll.u32 v9, $0x3;
	v12 =	vmov s1;
	v6 =	vand.u32 $0x7, v6  }
0x137: {  	s13 =	sadd.s32 $0x400, s0;
	v20 =	vld [tilespmem:$0x9B20];
	v12 =	vshll.u32 v12, $0x3;
	v15 =	vor.u32 v11, v6  }
0x138: {  	s12 =	sadd.s32 $0x10, s31;
	v22 =	vld [tilespmem:$0x9A10];
	v17 =	vmov s13;
	v12 =	vor.u32 v1, v12  }
0x139: {  	v18 =	vld [tilespmem:s12+$0x0];
	s13 =	sadd.s32 $0x600, s0;
	v17 =	vshll.u32 v17, $0x3;
	v19 =	vor.u32 v12, v6  }
0x13a: {  	v24 =	vld [tilespmem:$0x9A00];
	v21 =	vmov s13;
	v17 =	vor.u32 v1, v17  }
0x13b: {  	v25 =	vld [tilespmem:$0x9A20];
	v21 =	vshll.u32 v21, $0x3;
	v23 =	vor.u32 v17, v6  }
0x13c: {  	v21 =	vor.u32 v1, v21;
	v15 =	vld.idx.msk [tilespmem:v15+s17+$0x0], $0xffff  }
0x13d: {  	v26 =	vld [tilespmem:$0x9A40];
	v6 =	vor.u32 v21, v6  }
0x13e: {  	v18 =	vand.u32 $0x7, v18;
	v19 =	vld.idx.msk [tilespmem:v19+s17+$0x0], $0xffff  }
0x13f: {  	v40 =	vld [tilespmem:$0x9A60];
	v11 =	vor.u32 v11, v18  }
0x140: {  	v23 =	vld.idx.msk [tilespmem:v23+s17+$0x0], $0xffff  }
0x141: {  	v43 =	vld [tilespmem:$0x9A80];
	v12 =	vor.u32 v12, v18;
	v24 =	vmul.f32 v24, v15  }
0x142: {  	v6 =	vld.idx.msk [tilespmem:v6+s17+$0x0], $0xffff;
	v15 =	vmul.f32 v22, v15  }
0x143: {  	v46 =	vld [tilespmem:$0x9AA0];
	v17 =	vor.u32 v17, v18;
	v41 =	vmul.f32 v25, v19;
	v20 =	vadd.f32 v24, v20  }
0x144: {  	v18 =	vor.u32 v21, v18;
	v11 =	vld.idx.msk [tilespmem:v11+s19+$0x0], $0xffff;
	v42 =	vmul.f32 v16, v19;
	v14 =	vadd.f32 v15, v14  }
0x145: {  	v48 =	vld [tilespmem:$0x9AC0];
	v45 =	vmul.f32 v26, v23;
	v44 =	vadd.f32 v41, v20  }
0x146: {  	v12 =	vld.idx.msk [tilespmem:v12+s19+$0x0], $0xffff;
	v13 =	vmul.f32 v13, v23;
	v14 =	vadd.f32 v42, v14  }
0x147: {  	v51 =	vld [tilespmem:$0x9AE0];
	v47 =	vmul.f32 v40, v6;
	v19 =	vadd.f32 v45, v44  }
0x148: {  	v17 =	vld.idx.msk [tilespmem:v17+s19+$0x0], $0xffff;
	v6 =	vmul.f32 v10, v6;
	v13 =	vadd.f32 v13, v14  }
0x149: {  	v18 =	vld.idx.msk [tilespmem:v18+s19+$0x0], $0xffff;
	v16 =	vmul.f32 v43, v11;
	v49 =	vadd.f32 v47, v19  }
0x14a: {  	v50 =	vmov s0;
	v54 =	vld [tilespmem:$0x9AF0];
	v8 =	vmul.f32 v8, v11;
	v6 =	vadd.f32 v6, v13  }
0x14b: {  	s31 =	sadd.s32 $0x10, s30;
	v9 =	vand.u32 $0x7F, v9;
	v53 =	vmul.f32 v46, v12;
	v52 =	vadd.f32 v16, v49  }
0x14c: {  	v55 =	vld [tilespmem:s31+$0x0];
	v56 =	vshll.u32 v50, $0x1;
	v7 =	vmul.f32 v7, v12;
	v6 =	vadd.f32 v8, v6  }
0x14d: {  	v57 =	vld [tilespmem:$0x9B10];
	v10 =	vmul.f32 v48, v17;
	v12 =	vand.u32 $0x300, v56;
	v13 =	vadd.f32 v53, v52  }
0x14e: {  	v5 =	vmul.f32 v5, v17;
	v60 =	vmul.f32 v51, v18;
	v6 =	vadd.f32 v7, v6  }
0x14f: {  	v62 =	vmul.f32 v54, v18;
	v58 =	vor.u32 v9, v12;
	v59 =	vadd.f32 v10, v13  }
0x150: {  	v61 =	vand.u32 v2, v58;
	v7 =	vand.u32 $0x378, v58;
	v5 =	vadd.f32 v5, v6  }
0x151: {  	v4 =	vmul.f32 v4, v55;
	v7 =	vor.u32 v3, v7;
	v9 =	vadd.f32 v60, v59  }
0x152: {  	v63 =	vmul.f32 v57, v55;
	v5 =	vadd.f32 v62, v5  }
0x153: {  	v4 =	vadd.f32 v4, v9  }
0x154: {  	s29 =	sadd.s32 $0x1, s29;
	v5 =	vadd.f32 v63, v5  }
0x155: {  	p0 =	sne.s32 s29, s10;
	[tilespmem:v61+s28+$0x0] =	vst.idx.msk $0xffff, v4  }
.Ltmp2:
0x156: {  	[tilespmem:v7+s28+$0x0] =	vst.idx.msk $0xffff, v5;
	(pc) =	sbr.rel @p0 .LBB2_1-.Ltmp2, $4  }
0x157: {  	[hbm4b:s9+s2] =	stream.linear.scatter [tilespmem:s28], [sflag:$0x2], $0x400, $0x38;
	[tilespmem:$0x9B40] =	vst v63  }
0x158: {  	_ =	swait.ge [sflag:s11], $0x400  }
0x159: {  	[sflag:s11] =	ssyncset.done $0x0  }
0x15a: {  	[sflag:s11] =	ssyncadd.s32 $0xFFFFFC00  }
0x15b: {  	_ =	sfence.sel $0x180000  }
0x15c: {  	[bflag:$0x0] =	sbarrier.arrive $0xFFFF  }
0x15d: {  	_ =	strace $0x90000047  }
0x15e: {  	s0 =	stileid.u32;
	[bflag:$0x2] =	sbarrier.arrive $0xFFFF  }
0x15f: {  	p0 =	sne.s32 s0, $0x0;
	s0 =	rddreg [dreg:$0x5]  }
0x160: {  	s0 =	sadd.s32 @!p0 $0x100000, s0  }
0x161: {  	[sflag:s0] =	ssyncadd.tile.s32 @!p0 $0x1;
	_ =	shalt  }
.Lfunc_end2:
_tile_overlayer_lowered:
.L_overlay_start_2:
0x162: {  	(tag) =	ssettag $0x2  }
0x163: {  	s0 =	rddreg [dreg:$0x0];
	s2 =	stileid.u32  }
0x164: {  	s1 =	rddreg [dreg:$0x1];
	p0 =	sne.s32 s2, $0x0  }
0x165: {  	s3 =	rddreg [dreg:$0x2];
	[bflag:$0x3] =	sbarrier.arrive $0xFFFF;
	s2 =	simm.s32 @!p0 $0x1C02  }
0x166: {  	[timem:s3], [sflag:s2] =	dma.local @!p0 [hbm:s0], s1  }
0x167: {  	s0 =	simm.s32 @!p0 $0x2  }
0x168: {  	_ =	swait.ge @!p0 [sflag:s0], s1  }
0x169: {  	s1 =	ssub.s32 @!p0 $0x0, s1;
	[sflag:s0] =	ssyncset.done @!p0 $0x0  }
0x16a: {  	[sflag:s0] =	ssyncadd.s32 @!p0 s1  }
0x16b: {  	[bflag:$0x3] =	sbarrier.arrive $0xFFFF  }
0x16c: {  	_ =	shalt  }

</sc_bundles>
